<compile_context>
chip_gen: v7x
topology: tpu7x:2x2x1
jax: 0.10.2.dev20260603
libtpu: 0.0.44.dev20260713+nightly
codegen_flags: <defaults>
</compile_context>

<pallas_src>
import functools

import jax
import jax.numpy as jnp
from jax import lax
from jax.experimental import pallas as pl
from jax.experimental.pallas import tpu as pltpu
from jax.experimental.pallas import tpu_sc as plsc

N_NODES = 100000
HIDDEN = 128
NUM_SEGMENTS = 1024

BLOCK_R = 2048
TC_BLOCKS = 21
N_TC = TC_BLOCKS * BLOCK_R
WIN = 128
NWIN = NUM_SEGMENTS // WIN

CHUNK = 128
NUM_WORKERS = 32
N_SC = N_NODES - N_TC
SC_FULL = N_SC // CHUNK
TAIL = N_SC - SC_FULL * CHUNK
K_UNIF = SC_FULL // NUM_WORKERS
NUM_EXTRA = SC_FULL - K_UNIF * NUM_WORKERS
NBUF = 4
ROWS_PER_SUBCORE = NUM_SEGMENTS // 16
LANES = 16


def _sc_pool(x_hbm, ids_hbm, acc_hbm,
             ids_all, extra_ids_v, tail_ids_v, xbuf, shared_acc,
             load_sems, scat_sems, ids_sems):
    cid = lax.axis_index("c")
    sid = lax.axis_index("s")
    wid = sid * 2 + cid
    base_row = N_TC + wid * K_UNIF * CHUNK

    ih = {
        k: pltpu.async_copy(
            ids_hbm.at[pl.ds(base_row + k * CHUNK, CHUNK)],
            ids_all.at[k], ids_sems.at[k])
        for k in range(K_UNIF)
    }

    zbuf = xbuf.at[NBUF]

    @pl.loop(0, ROWS_PER_SUBCORE)
    def _(r):
        for l in range(HIDDEN // LANES):
            zbuf[r, pl.ds(l * LANES, LANES)] = jnp.zeros((LANES,), jnp.float32)

    pltpu.sync_copy(zbuf.at[pl.ds(0, ROWS_PER_SUBCORE)],
                    shared_acc.at[pl.ds(sid * ROWS_PER_SUBCORE,
                                        ROWS_PER_SUBCORE)])
    plsc.subcore_barrier()

    def load(k, b):
        return pltpu.async_copy(
            x_hbm.at[pl.ds(base_row + k * CHUNK, CHUNK)],
            xbuf.at[b], load_sems.at[b])

    lh = {k: load(k, k % NBUF) for k in range(min(NBUF, K_UNIF))}
    sh = {}
    for k in range(K_UNIF):
        b = k % NBUF
        lh[k].wait()
        ih[k].wait()
        sh[k] = pltpu.async_copy(xbuf.at[b], shared_acc.at[ids_all.at[k]],
                                 scat_sems.at[b], add=True)
        if k + NBUF < K_UNIF:
            sh[k].wait()
            lh[k + NBUF] = load(k + NBUF, b)
    for k in range(max(K_UNIF - NBUF, 0), K_UNIF):
        sh[k].wait()

    @pl.when(wid < NUM_EXTRA)
    def _():
        base = N_TC + (K_UNIF * NUM_WORKERS + wid) * CHUNK
        pltpu.sync_copy(ids_hbm.at[pl.ds(base, CHUNK)], extra_ids_v.at[0])
        pltpu.sync_copy(x_hbm.at[pl.ds(base, CHUNK)], xbuf.at[0])
        pltpu.sync_copy(xbuf.at[0], shared_acc.at[extra_ids_v.at[0]], add=True)

    @pl.when(wid == NUM_WORKERS - 1)
    def _():
        base = N_TC + SC_FULL * CHUNK
        pltpu.sync_copy(ids_hbm.at[pl.ds(base, TAIL)], tail_ids_v.at[0])
        pltpu.sync_copy(x_hbm.at[pl.ds(base, TAIL)],
                        xbuf.at[1].at[pl.ds(0, TAIL)])
        pltpu.sync_copy(xbuf.at[1].at[pl.ds(0, TAIL)],
                        shared_acc.at[tail_ids_v.at[0]], add=True)

    plsc.subcore_barrier()

    sl = pl.ds(sid * ROWS_PER_SUBCORE, ROWS_PER_SUBCORE)
    pltpu.sync_copy(shared_acc.at[sl], acc_hbm.at[cid].at[sl])


def _tc_pool(ids_ref, x_ref, out_ref):
    i = pl.program_id(0)

    @pl.when(i == 0)
    def _():
        out_ref[...] = jnp.zeros_like(out_ref)

    ids = ids_ref[:]
    x = x_ref[...].astype(jnp.bfloat16)

    c0 = ids_ref[0] // WIN
    c1 = ids_ref[BLOCK_R - 1] // WIN

    seg = jax.lax.broadcasted_iota(
        jnp.int32, (WIN, BLOCK_R), 0).astype(jnp.bfloat16)

    def body(c, _):
        lids = (ids - c * WIN).astype(jnp.bfloat16)
        one_hot = jnp.where(seg == lids[None, :],
                            jnp.bfloat16(1), jnp.bfloat16(0))
        out_ref[c, :, :] += jnp.dot(
            one_hot, x, preferred_element_type=jnp.float32)
        return 0

    lax.fori_loop(c0, c1 + 1, body, 0)


def _combine(acc_ref, tc_ref, out_ref):
    out_ref[...] = acc_ref[0] + acc_ref[1] + tc_ref[...]


def kernel(node_states, segment_ids):
    ids32 = segment_ids.astype(jnp.int32)

    sc_pool = pl.kernel(
        _sc_pool,
        out_type=jax.ShapeDtypeStruct((2, NUM_SEGMENTS, HIDDEN), jnp.float32),
        mesh=plsc.VectorSubcoreMesh(core_axis_name="c", subcore_axis_name="s"),
        scratch_types=[
            pltpu.VMEM((K_UNIF, CHUNK), jnp.int32),
            pltpu.VMEM((1, CHUNK), jnp.int32),
            pltpu.VMEM((1, TAIL), jnp.int32),
            pltpu.VMEM((NBUF + 1, CHUNK, HIDDEN), jnp.float32),
            pltpu.VMEM_SHARED((NUM_SEGMENTS, HIDDEN), jnp.float32),
            pltpu.SemaphoreType.DMA((NBUF,)),
            pltpu.SemaphoreType.DMA((NBUF,)),
            pltpu.SemaphoreType.DMA((K_UNIF,)),
        ],
    )
    acc = sc_pool(node_states, ids32)

    tc_out = pl.pallas_call(
        _tc_pool,
        grid=(TC_BLOCKS,),
        in_specs=[
            pl.BlockSpec((BLOCK_R,), lambda i: (i,)),
            pl.BlockSpec((BLOCK_R, HIDDEN), lambda i: (i, 0)),
        ],
        out_specs=pl.BlockSpec((NWIN, WIN, HIDDEN), lambda i: (0, 0, 0)),
        out_shape=jax.ShapeDtypeStruct((NWIN, WIN, HIDDEN), jnp.float32),
        compiler_params=pltpu.CompilerParams(
            dimension_semantics=("arbitrary",),
        ),
    )(ids32, node_states)
    tc_out = tc_out.reshape(NUM_SEGMENTS, HIDDEN)

    return pl.pallas_call(
        _combine,
        out_shape=jax.ShapeDtypeStruct((NUM_SEGMENTS, HIDDEN), jnp.float32),
    )(acc, tc_out)

# --- scband reference (transcript-rebuilt; emitter-appended) ---
"""Pipeline reference for scband-hidden-state-pooling-1357209666170 (READ-ONLY COPY).

The authoritative reference and input builder live on the scoring server;
editing this copy changes nothing except your own understanding.
"""

import jax, jax.numpy as jnp
import numpy as np

NUM_GRAPHS = 1024
N_NODES = 100000
HIDDEN = 128

def setup_inputs(seed: int = 0) -> dict:
    key = jax.random.key(seed)
    k1, k2 = jax.random.split(key)
    node_states = jax.random.normal(k1, (N_NODES, HIDDEN), dtype=jnp.float32)
    segment_ids = jnp.sort(jax.random.randint(k2, (N_NODES,), 0, NUM_GRAPHS, dtype=jnp.int64))
    return {"node_states": node_states, "segment_ids": segment_ids}

def reference(node_states, segment_ids):
    # tfgnn.keras.layers.Pool(tag=CONTEXT, reduce_type='sum') over node set 'node':
    # sums the per-node hidden states into one context ('graph') hidden state
    # per graph component. The returned tensor is the new context feature
    # 'hidden_state' of shape [num_graphs, hidden_size].
    pooled_hidden_state = jax.ops.segment_sum(node_states, segment_ids, num_segments=NUM_GRAPHS)
    return pooled_hidden_state

if __name__ == "__main__":
    import jax
    _d = setup_inputs()
    print(jax.jit(kernel)(*tuple(_d.values())))

</pallas_src>

<mosaic_0001>
#map = affine_map<(d0, d1) -> (0, 0)>
#map1 = affine_map<(d0, d1) -> (0)>
#map2 = affine_map<(d0, d1) -> (0, 0, 0)>
module attributes {stable_mosaic.version = 14 : i64} {
  func.func @_sc_pool(%arg0: i32, %arg1: i32, %arg2: memref<100000x128xf32, #tpu.memory_space<hbm>>, %arg3: memref<100000xi32, #tpu.memory_space<hbm>>, %arg4: memref<2x1024x128xf32, #tpu.memory_space<hbm>>, %arg5: memref<13x128xi32, #tpu.memory_space<vmem>>, %arg6: memref<1x128xi32, #tpu.memory_space<vmem>>, %arg7: memref<1x32xi32, #tpu.memory_space<vmem>>, %arg8: memref<5x128x128xf32, #tpu.memory_space<vmem>>, %arg9: memref<1024x128xf32, #tpu.memory_space<vmem_shared>>, %arg10: memref<4x!tpu.dma_semaphore, #tpu.memory_space<semaphore_mem>>, %arg11: memref<4x!tpu.dma_semaphore, #tpu.memory_space<semaphore_mem>>, %arg12: memref<13x!tpu.dma_semaphore, #tpu.memory_space<semaphore_mem>>) attributes {dimension_semantics = [#tpu.dimension_semantics<core_parallel>, #tpu.dimension_semantics<subcore_parallel>], iteration_bounds = array<i64: 2, 16>, scalar_prefetch = 0 : i64, scratch_operands = 8 : i64, tpu.core_type = #tpu.core_type<sc_vector_subcore>, window_params = [{transform_indices = #map}, {transform_indices = #map1}, {transform_indices = #map2}]} {
    %mul3A = arith.constant 2 : i32
    %mul3A_0 = arith.muli %arg1, %mul3A : i32
    %add3A = arith.addi %mul3A_0, %arg0 : i32
    %mul3A_1 = arith.constant 13 : i32
    %mul3A_2 = arith.muli %add3A, %mul3A_1 : i32
    %mul3A_3 = arith.constant 128 : i32
    %mul3A_4 = arith.muli %mul3A_2, %mul3A_3 : i32
    %add3A_5 = arith.constant 43008 : i32
    %add3A_6 = arith.addi %add3A_5, %mul3A_4 : i32
    %add3A_7 = arith.constant 0 : i32
    %add3A_8 = arith.addi %add3A_6, %add3A_7 : i32
    %dma_start3A = arith.constant 0 : i32
    %dma_start3A_9 = arith.constant 0 : i32
    %dma_start3A_10 = arith.constant 0 : i32
    %dma_start3A_11 = tpu.memref_slice %arg5[%dma_start3A, %dma_start3A_10] : memref<13x128xi32, #tpu.memory_space<vmem>> -> memref<1x128xi32, #tpu.memory_space<vmem>>
    %dma_start3A_12 = tpu.memref_squeeze %dma_start3A_11 : memref<1x128xi32, #tpu.memory_space<vmem>> -> memref<128xi32, #tpu.memory_space<vmem>>
    %dma_start3A_13 = tpu.memref_slice %arg3[%add3A_8] : memref<100000xi32, #tpu.memory_space<hbm>> -> memref<128xi32, #tpu.memory_space<hbm>>
    %dma_start3A_14 = tpu.memref_slice %arg12[%dma_start3A_9] : memref<13x!tpu.dma_semaphore, #tpu.memory_space<semaphore_mem>> -> memref<1x!tpu.dma_semaphore, #tpu.memory_space<semaphore_mem>>
    %dma_start3A_15 = tpu.memref_squeeze %dma_start3A_14 : memref<1x!tpu.dma_semaphore, #tpu.memory_space<semaphore_mem>> -> memref<!tpu.dma_semaphore, #tpu.memory_space<semaphore_mem>>
    %dma_start3A_16 = arith.constant 0 : i32
    %dma_start3A_17 = tpu.memref_slice %arg5[%dma_start3A, %dma_start3A_16] : memref<13x128xi32, #tpu.memory_space<vmem>> -> memref<1x128xi32, #tpu.memory_space<vmem>>
    %dma_start3A_18 = tpu.memref_squeeze %dma_start3A_17 : memref<1x128xi32, #tpu.memory_space<vmem>> -> memref<128xi32, #tpu.memory_space<vmem>>
    %dma_start3A_19 = tpu.memref_slice %arg3[%add3A_8] : memref<100000xi32, #tpu.memory_space<hbm>> -> memref<128xi32, #tpu.memory_space<hbm>>
    tpu.enqueue_dma source(%dma_start3A_19 : memref<128xi32, #tpu.memory_space<hbm>>) target(%dma_start3A_18 : memref<128xi32, #tpu.memory_space<vmem>>) target_semaphore(%dma_start3A_15 : memref<!tpu.dma_semaphore, #tpu.memory_space<semaphore_mem>>)
    %add3A_20 = arith.constant 128 : i32
    %add3A_21 = arith.addi %add3A_6, %add3A_20 : i32
    %dma_start3A_22 = arith.constant 1 : i32
    %dma_start3A_23 = arith.constant 1 : i32
    %dma_start3A_24 = arith.constant 0 : i32
    %dma_start3A_25 = tpu.memref_slice %arg5[%dma_start3A_22, %dma_start3A_24] : memref<13x128xi32, #tpu.memory_space<vmem>> -> memref<1x128xi32, #tpu.memory_space<vmem>>
    %dma_start3A_26 = tpu.memref_squeeze %dma_start3A_25 : memref<1x128xi32, #tpu.memory_space<vmem>> -> memref<128xi32, #tpu.memory_space<vmem>>
    %dma_start3A_27 = tpu.memref_slice %arg3[%add3A_21] : memref<100000xi32, #tpu.memory_space<hbm>> -> memref<128xi32, #tpu.memory_space<hbm>>
    %dma_start3A_28 = tpu.memref_slice %arg12[%dma_start3A_23] : memref<13x!tpu.dma_semaphore, #tpu.memory_space<semaphore_mem>> -> memref<1x!tpu.dma_semaphore, #tpu.memory_space<semaphore_mem>>
    %dma_start3A_29 = tpu.memref_squeeze %dma_start3A_28 : memref<1x!tpu.dma_semaphore, #tpu.memory_space<semaphore_mem>> -> memref<!tpu.dma_semaphore, #tpu.memory_space<semaphore_mem>>
    %dma_start3A_30 = arith.constant 0 : i32
    %dma_start3A_31 = tpu.memref_slice %arg5[%dma_start3A_22, %dma_start3A_30] : memref<13x128xi32, #tpu.memory_space<vmem>> -> memref<1x128xi32, #tpu.memory_space<vmem>>
    %dma_start3A_32 = tpu.memref_squeeze %dma_start3A_31 : memref<1x128xi32, #tpu.memory_space<vmem>> -> memref<128xi32, #tpu.memory_space<vmem>>
    %dma_start3A_33 = tpu.memref_slice %arg3[%add3A_21] : memref<100000xi32, #tpu.memory_space<hbm>> -> memref<128xi32, #tpu.memory_space<hbm>>
    tpu.enqueue_dma source(%dma_start3A_33 : memref<128xi32, #tpu.memory_space<hbm>>) target(%dma_start3A_32 : memref<128xi32, #tpu.memory_space<vmem>>) target_semaphore(%dma_start3A_29 : memref<!tpu.dma_semaphore, #tpu.memory_space<semaphore_mem>>)
    %add3A_34 = arith.constant 256 : i32
    %add3A_35 = arith.addi %add3A_6, %add3A_34 : i32
    %dma_start3A_36 = arith.constant 2 : i32
    %dma_start3A_37 = arith.constant 2 : i32
    %dma_start3A_38 = arith.constant 0 : i32
    %dma_start3A_39 = tpu.memref_slice %arg5[%dma_start3A_36, %dma_start3A_38] : memref<13x128xi32, #tpu.memory_space<vmem>> -> memref<1x128xi32, #tpu.memory_space<vmem>>
    %dma_start3A_40 = tpu.memref_squeeze %dma_start3A_39 : memref<1x128xi32, #tpu.memory_space<vmem>> -> memref<128xi32, #tpu.memory_space<vmem>>
    %dma_start3A_41 = tpu.memref_slice %arg3[%add3A_35] : memref<100000xi32, #tpu.memory_space<hbm>> -> memref<128xi32, #tpu.memory_space<hbm>>
    %dma_start3A_42 = tpu.memref_slice %arg12[%dma_start3A_37] : memref<13x!tpu.dma_semaphore, #tpu.memory_space<semaphore_mem>> -> memref<1x!tpu.dma_semaphore, #tpu.memory_space<semaphore_mem>>
    %dma_start3A_43 = tpu.memref_squeeze %dma_start3A_42 : memref<1x!tpu.dma_semaphore, #tpu.memory_space<semaphore_mem>> -> memref<!tpu.dma_semaphore, #tpu.memory_space<semaphore_mem>>
    %dma_start3A_44 = arith.constant 0 : i32
    %dma_start3A_45 = tpu.memref_slice %arg5[%dma_start3A_36, %dma_start3A_44] : memref<13x128xi32, #tpu.memory_space<vmem>> -> memref<1x128xi32, #tpu.memory_space<vmem>>
    %dma_start3A_46 = tpu.memref_squeeze %dma_start3A_45 : memref<1x128xi32, #tpu.memory_space<vmem>> -> memref<128xi32, #tpu.memory_space<vmem>>
    %dma_start3A_47 = tpu.memref_slice %arg3[%add3A_35] : memref<100000xi32, #tpu.memory_space<hbm>> -> memref<128xi32, #tpu.memory_space<hbm>>
    tpu.enqueue_dma source(%dma_start3A_47 : memref<128xi32, #tpu.memory_space<hbm>>) target(%dma_start3A_46 : memref<128xi32, #tpu.memory_space<vmem>>) target_semaphore(%dma_start3A_43 : memref<!tpu.dma_semaphore, #tpu.memory_space<semaphore_mem>>)
    %add3A_48 = arith.constant 384 : i32
    %add3A_49 = arith.addi %add3A_6, %add3A_48 : i32
    %dma_start3A_50 = arith.constant 3 : i32
    %dma_start3A_51 = arith.constant 3 : i32
    %dma_start3A_52 = arith.constant 0 : i32
    %dma_start3A_53 = tpu.memref_slice %arg5[%dma_start3A_50, %dma_start3A_52] : memref<13x128xi32, #tpu.memory_space<vmem>> -> memref<1x128xi32, #tpu.memory_space<vmem>>
    %dma_start3A_54 = tpu.memref_squeeze %dma_start3A_53 : memref<1x128xi32, #tpu.memory_space<vmem>> -> memref<128xi32, #tpu.memory_space<vmem>>
    %dma_start3A_55 = tpu.memref_slice %arg3[%add3A_49] : memref<100000xi32, #tpu.memory_space<hbm>> -> memref<128xi32, #tpu.memory_space<hbm>>
    %dma_start3A_56 = tpu.memref_slice %arg12[%dma_start3A_51] : memref<13x!tpu.dma_semaphore, #tpu.memory_space<semaphore_mem>> -> memref<1x!tpu.dma_semaphore, #tpu.memory_space<semaphore_mem>>
    %dma_start3A_57 = tpu.memref_squeeze %dma_start3A_56 : memref<1x!tpu.dma_semaphore, #tpu.memory_space<semaphore_mem>> -> memref<!tpu.dma_semaphore, #tpu.memory_space<semaphore_mem>>
    %dma_start3A_58 = arith.constant 0 : i32
    %dma_start3A_59 = tpu.memref_slice %arg5[%dma_start3A_50, %dma_start3A_58] : memref<13x128xi32, #tpu.memory_space<vmem>> -> memref<1x128xi32, #tpu.memory_space<vmem>>
    %dma_start3A_60 = tpu.memref_squeeze %dma_start3A_59 : memref<1x128xi32, #tpu.memory_space<vmem>> -> memref<128xi32, #tpu.memory_space<vmem>>
    %dma_start3A_61 = tpu.memref_slice %arg3[%add3A_49] : memref<100000xi32, #tpu.memory_space<hbm>> -> memref<128xi32, #tpu.memory_space<hbm>>
    tpu.enqueue_dma source(%dma_start3A_61 : memref<128xi32, #tpu.memory_space<hbm>>) target(%dma_start3A_60 : memref<128xi32, #tpu.memory_space<vmem>>) target_semaphore(%dma_start3A_57 : memref<!tpu.dma_semaphore, #tpu.memory_space<semaphore_mem>>)
    %add3A_62 = arith.constant 512 : i32
    %add3A_63 = arith.addi %add3A_6, %add3A_62 : i32
    %dma_start3A_64 = arith.constant 4 : i32
    %dma_start3A_65 = arith.constant 4 : i32
    %dma_start3A_66 = arith.constant 0 : i32
    %dma_start3A_67 = tpu.memref_slice %arg5[%dma_start3A_64, %dma_start3A_66] : memref<13x128xi32, #tpu.memory_space<vmem>> -> memref<1x128xi32, #tpu.memory_space<vmem>>
    %dma_start3A_68 = tpu.memref_squeeze %dma_start3A_67 : memref<1x128xi32, #tpu.memory_space<vmem>> -> memref<128xi32, #tpu.memory_space<vmem>>
    %dma_start3A_69 = tpu.memref_slice %arg3[%add3A_63] : memref<100000xi32, #tpu.memory_space<hbm>> -> memref<128xi32, #tpu.memory_space<hbm>>
    %dma_start3A_70 = tpu.memref_slice %arg12[%dma_start3A_65] : memref<13x!tpu.dma_semaphore, #tpu.memory_space<semaphore_mem>> -> memref<1x!tpu.dma_semaphore, #tpu.memory_space<semaphore_mem>>
    %dma_start3A_71 = tpu.memref_squeeze %dma_start3A_70 : memref<1x!tpu.dma_semaphore, #tpu.memory_space<semaphore_mem>> -> memref<!tpu.dma_semaphore, #tpu.memory_space<semaphore_mem>>
    %dma_start3A_72 = arith.constant 0 : i32
    %dma_start3A_73 = tpu.memref_slice %arg5[%dma_start3A_64, %dma_start3A_72] : memref<13x128xi32, #tpu.memory_space<vmem>> -> memref<1x128xi32, #tpu.memory_space<vmem>>
    %dma_start3A_74 = tpu.memref_squeeze %dma_start3A_73 : memref<1x128xi32, #tpu.memory_space<vmem>> -> memref<128xi32, #tpu.memory_space<vmem>>
    %dma_start3A_75 = tpu.memref_slice %arg3[%add3A_63] : memref<100000xi32, #tpu.memory_space<hbm>> -> memref<128xi32, #tpu.memory_space<hbm>>
    tpu.enqueue_dma source(%dma_start3A_75 : memref<128xi32, #tpu.memory_space<hbm>>) target(%dma_start3A_74 : memref<128xi32, #tpu.memory_space<vmem>>) target_semaphore(%dma_start3A_71 : memref<!tpu.dma_semaphore, #tpu.memory_space<semaphore_mem>>)
    %add3A_76 = arith.constant 640 : i32
    %add3A_77 = arith.addi %add3A_6, %add3A_76 : i32
    %dma_start3A_78 = arith.constant 5 : i32
    %dma_start3A_79 = arith.constant 5 : i32
    %dma_start3A_80 = arith.constant 0 : i32
    %dma_start3A_81 = tpu.memref_slice %arg5[%dma_start3A_78, %dma_start3A_80] : memref<13x128xi32, #tpu.memory_space<vmem>> -> memref<1x128xi32, #tpu.memory_space<vmem>>
    %dma_start3A_82 = tpu.memref_squeeze %dma_start3A_81 : memref<1x128xi32, #tpu.memory_space<vmem>> -> memref<128xi32, #tpu.memory_space<vmem>>
    %dma_start3A_83 = tpu.memref_slice %arg3[%add3A_77] : memref<100000xi32, #tpu.memory_space<hbm>> -> memref<128xi32, #tpu.memory_space<hbm>>
    %dma_start3A_84 = tpu.memref_slice %arg12[%dma_start3A_79] : memref<13x!tpu.dma_semaphore, #tpu.memory_space<semaphore_mem>> -> memref<1x!tpu.dma_semaphore, #tpu.memory_space<semaphore_mem>>
    %dma_start3A_85 = tpu.memref_squeeze %dma_start3A_84 : memref<1x!tpu.dma_semaphore, #tpu.memory_space<semaphore_mem>> -> memref<!tpu.dma_semaphore, #tpu.memory_space<semaphore_mem>>
    %dma_start3A_86 = arith.constant 0 : i32
    %dma_start3A_87 = tpu.memref_slice %arg5[%dma_start3A_78, %dma_start3A_86] : memref<13x128xi32, #tpu.memory_space<vmem>> -> memref<1x128xi32, #tpu.memory_space<vmem>>
    %dma_start3A_88 = tpu.memref_squeeze %dma_start3A_87 : memref<1x128xi32, #tpu.memory_space<vmem>> -> memref<128xi32, #tpu.memory_space<vmem>>
    %dma_start3A_89 = tpu.memref_slice %arg3[%add3A_77] : memref<100000xi32, #tpu.memory_space<hbm>> -> memref<128xi32, #tpu.memory_space<hbm>>
    tpu.enqueue_dma source(%dma_start3A_89 : memref<128xi32, #tpu.memory_space<hbm>>) target(%dma_start3A_88 : memref<128xi32, #tpu.memory_space<vmem>>) target_semaphore(%dma_start3A_85 : memref<!tpu.dma_semaphore, #tpu.memory_space<semaphore_mem>>)
    %add3A_90 = arith.constant 768 : i32
    %add3A_91 = arith.addi %add3A_6, %add3A_90 : i32
    %dma_start3A_92 = arith.constant 6 : i32
    %dma_start3A_93 = arith.constant 6 : i32
    %dma_start3A_94 = arith.constant 0 : i32
    %dma_start3A_95 = tpu.memref_slice %arg5[%dma_start3A_92, %dma_start3A_94] : memref<13x128xi32, #tpu.memory_space<vmem>> -> memref<1x128xi32, #tpu.memory_space<vmem>>
    %dma_start3A_96 = tpu.memref_squeeze %dma_start3A_95 : memref<1x128xi32, #tpu.memory_space<vmem>> -> memref<128xi32, #tpu.memory_space<vmem>>
    %dma_start3A_97 = tpu.memref_slice %arg3[%add3A_91] : memref<100000xi32, #tpu.memory_space<hbm>> -> memref<128xi32, #tpu.memory_space<hbm>>
    %dma_start3A_98 = tpu.memref_slice %arg12[%dma_start3A_93] : memref<13x!tpu.dma_semaphore, #tpu.memory_space<semaphore_mem>> -> memref<1x!tpu.dma_semaphore, #tpu.memory_space<semaphore_mem>>
    %dma_start3A_99 = tpu.memref_squeeze %dma_start3A_98 : memref<1x!tpu.dma_semaphore, #tpu.memory_space<semaphore_mem>> -> memref<!tpu.dma_semaphore, #tpu.memory_space<semaphore_mem>>
    %dma_start3A_100 = arith.constant 0 : i32
    %dma_start3A_101 = tpu.memref_slice %arg5[%dma_start3A_92, %dma_start3A_100] : memref<13x128xi32, #tpu.memory_space<vmem>> -> memref<1x128xi32, #tpu.memory_space<vmem>>
    %dma_start3A_102 = tpu.memref_squeeze %dma_start3A_101 : memref<1x128xi32, #tpu.memory_space<vmem>> -> memref<128xi32, #tpu.memory_space<vmem>>
    %dma_start3A_103 = tpu.memref_slice %arg3[%add3A_91] : memref<100000xi32, #tpu.memory_space<hbm>> -> memref<128xi32, #tpu.memory_space<hbm>>
    tpu.enqueue_dma source(%dma_start3A_103 : memref<128xi32, #tpu.memory_space<hbm>>) target(%dma_start3A_102 : memref<128xi32, #tpu.memory_space<vmem>>) target_semaphore(%dma_start3A_99 : memref<!tpu.dma_semaphore, #tpu.memory_space<semaphore_mem>>)
    %add3A_104 = arith.constant 896 : i32
    %add3A_105 = arith.addi %add3A_6, %add3A_104 : i32
    %dma_start3A_106 = arith.constant 7 : i32
    %dma_start3A_107 = arith.constant 7 : i32
    %dma_start3A_108 = arith.constant 0 : i32
    %dma_start3A_109 = tpu.memref_slice %arg5[%dma_start3A_106, %dma_start3A_108] : memref<13x128xi32, #tpu.memory_space<vmem>> -> memref<1x128xi32, #tpu.memory_space<vmem>>
    %dma_start3A_110 = tpu.memref_squeeze %dma_start3A_109 : memref<1x128xi32, #tpu.memory_space<vmem>> -> memref<128xi32, #tpu.memory_space<vmem>>
    %dma_start3A_111 = tpu.memref_slice %arg3[%add3A_105] : memref<100000xi32, #tpu.memory_space<hbm>> -> memref<128xi32, #tpu.memory_space<hbm>>
    %dma_start3A_112 = tpu.memref_slice %arg12[%dma_start3A_107] : memref<13x!tpu.dma_semaphore, #tpu.memory_space<semaphore_mem>> -> memref<1x!tpu.dma_semaphore, #tpu.memory_space<semaphore_mem>>
    %dma_start3A_113 = tpu.memref_squeeze %dma_start3A_112 : memref<1x!tpu.dma_semaphore, #tpu.memory_space<semaphore_mem>> -> memref<!tpu.dma_semaphore, #tpu.memory_space<semaphore_mem>>
    %dma_start3A_114 = arith.constant 0 : i32
    %dma_start3A_115 = tpu.memref_slice %arg5[%dma_start3A_106, %dma_start3A_114] : memref<13x128xi32, #tpu.memory_space<vmem>> -> memref<1x128xi32, #tpu.memory_space<vmem>>
    %dma_start3A_116 = tpu.memref_squeeze %dma_start3A_115 : memref<1x128xi32, #tpu.memory_space<vmem>> -> memref<128xi32, #tpu.memory_space<vmem>>
    %dma_start3A_117 = tpu.memref_slice %arg3[%add3A_105] : memref<100000xi32, #tpu.memory_space<hbm>> -> memref<128xi32, #tpu.memory_space<hbm>>
    tpu.enqueue_dma source(%dma_start3A_117 : memref<128xi32, #tpu.memory_space<hbm>>) target(%dma_start3A_116 : memref<128xi32, #tpu.memory_space<vmem>>) target_semaphore(%dma_start3A_113 : memref<!tpu.dma_semaphore, #tpu.memory_space<semaphore_mem>>)
    %add3A_118 = arith.constant 1024 : i32
    %add3A_119 = arith.addi %add3A_6, %add3A_118 : i32
    %dma_start3A_120 = arith.constant 8 : i32
    %dma_start3A_121 = arith.constant 8 : i32
    %dma_start3A_122 = arith.constant 0 : i32
    %dma_start3A_123 = tpu.memref_slice %arg5[%dma_start3A_120, %dma_start3A_122] : memref<13x128xi32, #tpu.memory_space<vmem>> -> memref<1x128xi32, #tpu.memory_space<vmem>>
    %dma_start3A_124 = tpu.memref_squeeze %dma_start3A_123 : memref<1x128xi32, #tpu.memory_space<vmem>> -> memref<128xi32, #tpu.memory_space<vmem>>
    %dma_start3A_125 = tpu.memref_slice %arg3[%add3A_119] : memref<100000xi32, #tpu.memory_space<hbm>> -> memref<128xi32, #tpu.memory_space<hbm>>
    %dma_start3A_126 = tpu.memref_slice %arg12[%dma_start3A_121] : memref<13x!tpu.dma_semaphore, #tpu.memory_space<semaphore_mem>> -> memref<1x!tpu.dma_semaphore, #tpu.memory_space<semaphore_mem>>
    %dma_start3A_127 = tpu.memref_squeeze %dma_start3A_126 : memref<1x!tpu.dma_semaphore, #tpu.memory_space<semaphore_mem>> -> memref<!tpu.dma_semaphore, #tpu.memory_space<semaphore_mem>>
    %dma_start3A_128 = arith.constant 0 : i32
    %dma_start3A_129 = tpu.memref_slice %arg5[%dma_start3A_120, %dma_start3A_128] : memref<13x128xi32, #tpu.memory_space<vmem>> -> memref<1x128xi32, #tpu.memory_space<vmem>>
    %dma_start3A_130 = tpu.memref_squeeze %dma_start3A_129 : memref<1x128xi32, #tpu.memory_space<vmem>> -> memref<128xi32, #tpu.memory_space<vmem>>
    %dma_start3A_131 = tpu.memref_slice %arg3[%add3A_119] : memref<100000xi32, #tpu.memory_space<hbm>> -> memref<128xi32, #tpu.memory_space<hbm>>
    tpu.enqueue_dma source(%dma_start3A_131 : memref<128xi32, #tpu.memory_space<hbm>>) target(%dma_start3A_130 : memref<128xi32, #tpu.memory_space<vmem>>) target_semaphore(%dma_start3A_127 : memref<!tpu.dma_semaphore, #tpu.memory_space<semaphore_mem>>)
    %add3A_132 = arith.constant 1152 : i32
    %add3A_133 = arith.addi %add3A_6, %add3A_132 : i32
    %dma_start3A_134 = arith.constant 9 : i32
    %dma_start3A_135 = arith.constant 9 : i32
    %dma_start3A_136 = arith.constant 0 : i32
    %dma_start3A_137 = tpu.memref_slice %arg5[%dma_start3A_134, %dma_start3A_136] : memref<13x128xi32, #tpu.memory_space<vmem>> -> memref<1x128xi32, #tpu.memory_space<vmem>>
    %dma_start3A_138 = tpu.memref_squeeze %dma_start3A_137 : memref<1x128xi32, #tpu.memory_space<vmem>> -> memref<128xi32, #tpu.memory_space<vmem>>
    %dma_start3A_139 = tpu.memref_slice %arg3[%add3A_133] : memref<100000xi32, #tpu.memory_space<hbm>> -> memref<128xi32, #tpu.memory_space<hbm>>
    %dma_start3A_140 = tpu.memref_slice %arg12[%dma_start3A_135] : memref<13x!tpu.dma_semaphore, #tpu.memory_space<semaphore_mem>> -> memref<1x!tpu.dma_semaphore, #tpu.memory_space<semaphore_mem>>
    %dma_start3A_141 = tpu.memref_squeeze %dma_start3A_140 : memref<1x!tpu.dma_semaphore, #tpu.memory_space<semaphore_mem>> -> memref<!tpu.dma_semaphore, #tpu.memory_space<semaphore_mem>>
    %dma_start3A_142 = arith.constant 0 : i32
    %dma_start3A_143 = tpu.memref_slice %arg5[%dma_start3A_134, %dma_start3A_142] : memref<13x128xi32, #tpu.memory_space<vmem>> -> memref<1x128xi32, #tpu.memory_space<vmem>>
    %dma_start3A_144 = tpu.memref_squeeze %dma_start3A_143 : memref<1x128xi32, #tpu.memory_space<vmem>> -> memref<128xi32, #tpu.memory_space<vmem>>
    %dma_start3A_145 = tpu.memref_slice %arg3[%add3A_133] : memref<100000xi32, #tpu.memory_space<hbm>> -> memref<128xi32, #tpu.memory_space<hbm>>
    tpu.enqueue_dma source(%dma_start3A_145 : memref<128xi32, #tpu.memory_space<hbm>>) target(%dma_start3A_144 : memref<128xi32, #tpu.memory_space<vmem>>) target_semaphore(%dma_start3A_141 : memref<!tpu.dma_semaphore, #tpu.memory_space<semaphore_mem>>)
    %add3A_146 = arith.constant 1280 : i32
    %add3A_147 = arith.addi %add3A_6, %add3A_146 : i32
    %dma_start3A_148 = arith.constant 10 : i32
    %dma_start3A_149 = arith.constant 10 : i32
    %dma_start3A_150 = arith.constant 0 : i32
    %dma_start3A_151 = tpu.memref_slice %arg5[%dma_start3A_148, %dma_start3A_150] : memref<13x128xi32, #tpu.memory_space<vmem>> -> memref<1x128xi32, #tpu.memory_space<vmem>>
    %dma_start3A_152 = tpu.memref_squeeze %dma_start3A_151 : memref<1x128xi32, #tpu.memory_space<vmem>> -> memref<128xi32, #tpu.memory_space<vmem>>
    %dma_start3A_153 = tpu.memref_slice %arg3[%add3A_147] : memref<100000xi32, #tpu.memory_space<hbm>> -> memref<128xi32, #tpu.memory_space<hbm>>
    %dma_start3A_154 = tpu.memref_slice %arg12[%dma_start3A_149] : memref<13x!tpu.dma_semaphore, #tpu.memory_space<semaphore_mem>> -> memref<1x!tpu.dma_semaphore, #tpu.memory_space<semaphore_mem>>
    %dma_start3A_155 = tpu.memref_squeeze %dma_start3A_154 : memref<1x!tpu.dma_semaphore, #tpu.memory_space<semaphore_mem>> -> memref<!tpu.dma_semaphore, #tpu.memory_space<semaphore_mem>>
    %dma_start3A_156 = arith.constant 0 : i32
    %dma_start3A_157 = tpu.memref_slice %arg5[%dma_start3A_148, %dma_start3A_156] : memref<13x128xi32, #tpu.memory_space<vmem>> -> memref<1x128xi32, #tpu.memory_space<vmem>>
    %dma_start3A_158 = tpu.memref_squeeze %dma_start3A_157 : memref<1x128xi32, #tpu.memory_space<vmem>> -> memref<128xi32, #tpu.memory_space<vmem>>
    %dma_start3A_159 = tpu.memref_slice %arg3[%add3A_147] : memref<100000xi32, #tpu.memory_space<hbm>> -> memref<128xi32, #tpu.memory_space<hbm>>
    tpu.enqueue_dma source(%dma_start3A_159 : memref<128xi32, #tpu.memory_space<hbm>>) target(%dma_start3A_158 : memref<128xi32, #tpu.memory_space<vmem>>) target_semaphore(%dma_start3A_155 : memref<!tpu.dma_semaphore, #tpu.memory_space<semaphore_mem>>)
    %add3A_160 = arith.constant 1408 : i32
    %add3A_161 = arith.addi %add3A_6, %add3A_160 : i32
    %dma_start3A_162 = arith.constant 11 : i32
    %dma_start3A_163 = arith.constant 11 : i32
    %dma_start3A_164 = arith.constant 0 : i32
    %dma_start3A_165 = tpu.memref_slice %arg5[%dma_start3A_162, %dma_start3A_164] : memref<13x128xi32, #tpu.memory_space<vmem>> -> memref<1x128xi32, #tpu.memory_space<vmem>>
    %dma_start3A_166 = tpu.memref_squeeze %dma_start3A_165 : memref<1x128xi32, #tpu.memory_space<vmem>> -> memref<128xi32, #tpu.memory_space<vmem>>
    %dma_start3A_167 = tpu.memref_slice %arg3[%add3A_161] : memref<100000xi32, #tpu.memory_space<hbm>> -> memref<128xi32, #tpu.memory_space<hbm>>
    %dma_start3A_168 = tpu.memref_slice %arg12[%dma_start3A_163] : memref<13x!tpu.dma_semaphore, #tpu.memory_space<semaphore_mem>> -> memref<1x!tpu.dma_semaphore, #tpu.memory_space<semaphore_mem>>
    %dma_start3A_169 = tpu.memref_squeeze %dma_start3A_168 : memref<1x!tpu.dma_semaphore, #tpu.memory_space<semaphore_mem>> -> memref<!tpu.dma_semaphore, #tpu.memory_space<semaphore_mem>>
    %dma_start3A_170 = arith.constant 0 : i32
    %dma_start3A_171 = tpu.memref_slice %arg5[%dma_start3A_162, %dma_start3A_170] : memref<13x128xi32, #tpu.memory_space<vmem>> -> memref<1x128xi32, #tpu.memory_space<vmem>>
    %dma_start3A_172 = tpu.memref_squeeze %dma_start3A_171 : memref<1x128xi32, #tpu.memory_space<vmem>> -> memref<128xi32, #tpu.memory_space<vmem>>
    %dma_start3A_173 = tpu.memref_slice %arg3[%add3A_161] : memref<100000xi32, #tpu.memory_space<hbm>> -> memref<128xi32, #tpu.memory_space<hbm>>
    tpu.enqueue_dma source(%dma_start3A_173 : memref<128xi32, #tpu.memory_space<hbm>>) target(%dma_start3A_172 : memref<128xi32, #tpu.memory_space<vmem>>) target_semaphore(%dma_start3A_169 : memref<!tpu.dma_semaphore, #tpu.memory_space<semaphore_mem>>)
    %add3A_174 = arith.constant 1536 : i32
    %add3A_175 = arith.addi %add3A_6, %add3A_174 : i32
    %dma_start3A_176 = arith.constant 12 : i32
    %dma_start3A_177 = arith.constant 12 : i32
    %dma_start3A_178 = arith.constant 0 : i32
    %dma_start3A_179 = tpu.memref_slice %arg5[%dma_start3A_176, %dma_start3A_178] : memref<13x128xi32, #tpu.memory_space<vmem>> -> memref<1x128xi32, #tpu.memory_space<vmem>>
    %dma_start3A_180 = tpu.memref_squeeze %dma_start3A_179 : memref<1x128xi32, #tpu.memory_space<vmem>> -> memref<128xi32, #tpu.memory_space<vmem>>
    %dma_start3A_181 = tpu.memref_slice %arg3[%add3A_175] : memref<100000xi32, #tpu.memory_space<hbm>> -> memref<128xi32, #tpu.memory_space<hbm>>
    %dma_start3A_182 = tpu.memref_slice %arg12[%dma_start3A_177] : memref<13x!tpu.dma_semaphore, #tpu.memory_space<semaphore_mem>> -> memref<1x!tpu.dma_semaphore, #tpu.memory_space<semaphore_mem>>
    %dma_start3A_183 = tpu.memref_squeeze %dma_start3A_182 : memref<1x!tpu.dma_semaphore, #tpu.memory_space<semaphore_mem>> -> memref<!tpu.dma_semaphore, #tpu.memory_space<semaphore_mem>>
    %dma_start3A_184 = arith.constant 0 : i32
    %dma_start3A_185 = tpu.memref_slice %arg5[%dma_start3A_176, %dma_start3A_184] : memref<13x128xi32, #tpu.memory_space<vmem>> -> memref<1x128xi32, #tpu.memory_space<vmem>>
    %dma_start3A_186 = tpu.memref_squeeze %dma_start3A_185 : memref<1x128xi32, #tpu.memory_space<vmem>> -> memref<128xi32, #tpu.memory_space<vmem>>
    %dma_start3A_187 = tpu.memref_slice %arg3[%add3A_175] : memref<100000xi32, #tpu.memory_space<hbm>> -> memref<128xi32, #tpu.memory_space<hbm>>
    tpu.enqueue_dma source(%dma_start3A_187 : memref<128xi32, #tpu.memory_space<hbm>>) target(%dma_start3A_186 : memref<128xi32, #tpu.memory_space<vmem>>) target_semaphore(%dma_start3A_183 : memref<!tpu.dma_semaphore, #tpu.memory_space<semaphore_mem>>)
    %scan3A = arith.constant 4 : i32
    %scan3A_188 = arith.constant 0 : i32
    %scan3A_189 = arith.constant 64 : i32
    %scan3A_190 = arith.addi %scan3A_188, %scan3A_189 : i32
    %scan3A_191 = arith.constant 1 : i32
    scf.for %scan3A_1191 = %scan3A_188 to %scan3A_190 step %scan3A_191  : i32 {
      %mul3A_1192 = arith.constant 1 : i32
      %mul3A_1193 = arith.muli %scan3A_1191, %mul3A_1192 : i32
      %add3A_1194 = arith.constant 0 : i32
      %add3A_1195 = arith.addi %add3A_1194, %mul3A_1193 : i32
      %broadcast_in_dim3A = arith.constant 0.000000e+00 : f32
      %broadcast_in_dim3A_1196 = vector.broadcast %broadcast_in_dim3A : f32 to vector<16xf32>
      %swap3A = arith.constant 0 : i32
      %swap3A_1197 = arith.constant 0 : i32
      %swap3A_1198 = tpu.memref_slice %arg8[%scan3A, %swap3A, %swap3A_1197] : memref<5x128x128xf32, #tpu.memory_space<vmem>> -> memref<1x128x128xf32, #tpu.memory_space<vmem>>
      %swap3A_1199 = tpu.memref_squeeze %swap3A_1198 : memref<1x128x128xf32, #tpu.memory_space<vmem>> -> memref<128x128xf32, #tpu.memory_space<vmem>>
      %swap3A_1200 = arith.index_cast %add3A_1195 : i32 to index
      %swap3A_1201 = arith.constant 0 : index
      %swap3A_1202 = tpu.vector_load %swap3A_1199[%swap3A_1200, %swap3A_1201] {strides = array<i32>} : memref<128x128xf32, #tpu.memory_space<vmem>>, vector<1x16xf32>,
      %swap3A_1203 = vector.shape_cast %swap3A_1202 : vector<1x16xf32> to vector<16xf32>
      %swap3A_1204 = vector.shape_cast %broadcast_in_dim3A_1196 : vector<16xf32> to vector<1x16xf32>
      tpu.vector_store %swap3A_1199[%swap3A_1200, %swap3A_1201], %swap3A_1204 {strides = array<i32>} : memref<128x128xf32, #tpu.memory_space<vmem>>, vector<1x16xf32>,
      %broadcast_in_dim3A_1205 = arith.constant 0.000000e+00 : f32
      %broadcast_in_dim3A_1206 = vector.broadcast %broadcast_in_dim3A_1205 : f32 to vector<16xf32>
      %swap3A_1207 = arith.constant 0 : i32
      %swap3A_1208 = arith.constant 0 : i32
      %swap3A_1209 = tpu.memref_slice %arg8[%scan3A, %swap3A_1207, %swap3A_1208] : memref<5x128x128xf32, #tpu.memory_space<vmem>> -> memref<1x128x128xf32, #tpu.memory_space<vmem>>
      %swap3A_1210 = tpu.memref_squeeze %swap3A_1209 : memref<1x128x128xf32, #tpu.memory_space<vmem>> -> memref<128x128xf32, #tpu.memory_space<vmem>>
      %swap3A_1211 = arith.index_cast %add3A_1195 : i32 to index
      %swap3A_1212 = arith.constant 16 : index
      %swap3A_1213 = tpu.vector_load %swap3A_1210[%swap3A_1211, %swap3A_1212] {strides = array<i32>} : memref<128x128xf32, #tpu.memory_space<vmem>>, vector<1x16xf32>,
      %swap3A_1214 = vector.shape_cast %swap3A_1213 : vector<1x16xf32> to vector<16xf32>
      %swap3A_1215 = vector.shape_cast %broadcast_in_dim3A_1206 : vector<16xf32> to vector<1x16xf32>
      tpu.vector_store %swap3A_1210[%swap3A_1211, %swap3A_1212], %swap3A_1215 {strides = array<i32>} : memref<128x128xf32, #tpu.memory_space<vmem>>, vector<1x16xf32>,
      %broadcast_in_dim3A_1216 = arith.constant 0.000000e+00 : f32
      %broadcast_in_dim3A_1217 = vector.broadcast %broadcast_in_dim3A_1216 : f32 to vector<16xf32>
      %swap3A_1218 = arith.constant 0 : i32
      %swap3A_1219 = arith.constant 0 : i32
      %swap3A_1220 = tpu.memref_slice %arg8[%scan3A, %swap3A_1218, %swap3A_1219] : memref<5x128x128xf32, #tpu.memory_space<vmem>> -> memref<1x128x128xf32, #tpu.memory_space<vmem>>
      %swap3A_1221 = tpu.memref_squeeze %swap3A_1220 : memref<1x128x128xf32, #tpu.memory_space<vmem>> -> memref<128x128xf32, #tpu.memory_space<vmem>>
      %swap3A_1222 = arith.index_cast %add3A_1195 : i32 to index
      %swap3A_1223 = arith.constant 32 : index
      %swap3A_1224 = tpu.vector_load %swap3A_1221[%swap3A_1222, %swap3A_1223] {strides = array<i32>} : memref<128x128xf32, #tpu.memory_space<vmem>>, vector<1x16xf32>,
      %swap3A_1225 = vector.shape_cast %swap3A_1224 : vector<1x16xf32> to vector<16xf32>
      %swap3A_1226 = vector.shape_cast %broadcast_in_dim3A_1217 : vector<16xf32> to vector<1x16xf32>
      tpu.vector_store %swap3A_1221[%swap3A_1222, %swap3A_1223], %swap3A_1226 {strides = array<i32>} : memref<128x128xf32, #tpu.memory_space<vmem>>, vector<1x16xf32>,
      %broadcast_in_dim3A_1227 = arith.constant 0.000000e+00 : f32
      %broadcast_in_dim3A_1228 = vector.broadcast %broadcast_in_dim3A_1227 : f32 to vector<16xf32>
      %swap3A_1229 = arith.constant 0 : i32
      %swap3A_1230 = arith.constant 0 : i32
      %swap3A_1231 = tpu.memref_slice %arg8[%scan3A, %swap3A_1229, %swap3A_1230] : memref<5x128x128xf32, #tpu.memory_space<vmem>> -> memref<1x128x128xf32, #tpu.memory_space<vmem>>
      %swap3A_1232 = tpu.memref_squeeze %swap3A_1231 : memref<1x128x128xf32, #tpu.memory_space<vmem>> -> memref<128x128xf32, #tpu.memory_space<vmem>>
      %swap3A_1233 = arith.index_cast %add3A_1195 : i32 to index
      %swap3A_1234 = arith.constant 48 : index
      %swap3A_1235 = tpu.vector_load %swap3A_1232[%swap3A_1233, %swap3A_1234] {strides = array<i32>} : memref<128x128xf32, #tpu.memory_space<vmem>>, vector<1x16xf32>,
      %swap3A_1236 = vector.shape_cast %swap3A_1235 : vector<1x16xf32> to vector<16xf32>
      %swap3A_1237 = vector.shape_cast %broadcast_in_dim3A_1228 : vector<16xf32> to vector<1x16xf32>
      tpu.vector_store %swap3A_1232[%swap3A_1233, %swap3A_1234], %swap3A_1237 {strides = array<i32>} : memref<128x128xf32, #tpu.memory_space<vmem>>, vector<1x16xf32>,
      %broadcast_in_dim3A_1238 = arith.constant 0.000000e+00 : f32
      %broadcast_in_dim3A_1239 = vector.broadcast %broadcast_in_dim3A_1238 : f32 to vector<16xf32>
      %swap3A_1240 = arith.constant 0 : i32
      %swap3A_1241 = arith.constant 0 : i32
      %swap3A_1242 = tpu.memref_slice %arg8[%scan3A, %swap3A_1240, %swap3A_1241] : memref<5x128x128xf32, #tpu.memory_space<vmem>> -> memref<1x128x128xf32, #tpu.memory_space<vmem>>
      %swap3A_1243 = tpu.memref_squeeze %swap3A_1242 : memref<1x128x128xf32, #tpu.memory_space<vmem>> -> memref<128x128xf32, #tpu.memory_space<vmem>>
      %swap3A_1244 = arith.index_cast %add3A_1195 : i32 to index
      %swap3A_1245 = arith.constant 64 : index
      %swap3A_1246 = tpu.vector_load %swap3A_1243[%swap3A_1244, %swap3A_1245] {strides = array<i32>} : memref<128x128xf32, #tpu.memory_space<vmem>>, vector<1x16xf32>,
      %swap3A_1247 = vector.shape_cast %swap3A_1246 : vector<1x16xf32> to vector<16xf32>
      %swap3A_1248 = vector.shape_cast %broadcast_in_dim3A_1239 : vector<16xf32> to vector<1x16xf32>
      tpu.vector_store %swap3A_1243[%swap3A_1244, %swap3A_1245], %swap3A_1248 {strides = array<i32>} : memref<128x128xf32, #tpu.memory_space<vmem>>, vector<1x16xf32>,
      %broadcast_in_dim3A_1249 = arith.constant 0.000000e+00 : f32
      %broadcast_in_dim3A_1250 = vector.broadcast %broadcast_in_dim3A_1249 : f32 to vector<16xf32>
      %swap3A_1251 = arith.constant 0 : i32
      %swap3A_1252 = arith.constant 0 : i32
      %swap3A_1253 = tpu.memref_slice %arg8[%scan3A, %swap3A_1251, %swap3A_1252] : memref<5x128x128xf32, #tpu.memory_space<vmem>> -> memref<1x128x128xf32, #tpu.memory_space<vmem>>
      %swap3A_1254 = tpu.memref_squeeze %swap3A_1253 : memref<1x128x128xf32, #tpu.memory_space<vmem>> -> memref<128x128xf32, #tpu.memory_space<vmem>>
      %swap3A_1255 = arith.index_cast %add3A_1195 : i32 to index
      %swap3A_1256 = arith.constant 80 : index
      %swap3A_1257 = tpu.vector_load %swap3A_1254[%swap3A_1255, %swap3A_1256] {strides = array<i32>} : memref<128x128xf32, #tpu.memory_space<vmem>>, vector<1x16xf32>,
      %swap3A_1258 = vector.shape_cast %swap3A_1257 : vector<1x16xf32> to vector<16xf32>
      %swap3A_1259 = vector.shape_cast %broadcast_in_dim3A_1250 : vector<16xf32> to vector<1x16xf32>
      tpu.vector_store %swap3A_1254[%swap3A_1255, %swap3A_1256], %swap3A_1259 {strides = array<i32>} : memref<128x128xf32, #tpu.memory_space<vmem>>, vector<1x16xf32>,
      %broadcast_in_dim3A_1260 = arith.constant 0.000000e+00 : f32
      %broadcast_in_dim3A_1261 = vector.broadcast %broadcast_in_dim3A_1260 : f32 to vector<16xf32>
      %swap3A_1262 = arith.constant 0 : i32
      %swap3A_1263 = arith.constant 0 : i32
      %swap3A_1264 = tpu.memref_slice %arg8[%scan3A, %swap3A_1262, %swap3A_1263] : memref<5x128x128xf32, #tpu.memory_space<vmem>> -> memref<1x128x128xf32, #tpu.memory_space<vmem>>
      %swap3A_1265 = tpu.memref_squeeze %swap3A_1264 : memref<1x128x128xf32, #tpu.memory_space<vmem>> -> memref<128x128xf32, #tpu.memory_space<vmem>>
      %swap3A_1266 = arith.index_cast %add3A_1195 : i32 to index
      %swap3A_1267 = arith.constant 96 : index
      %swap3A_1268 = tpu.vector_load %swap3A_1265[%swap3A_1266, %swap3A_1267] {strides = array<i32>} : memref<128x128xf32, #tpu.memory_space<vmem>>, vector<1x16xf32>,
      %swap3A_1269 = vector.shape_cast %swap3A_1268 : vector<1x16xf32> to vector<16xf32>
      %swap3A_1270 = vector.shape_cast %broadcast_in_dim3A_1261 : vector<16xf32> to vector<1x16xf32>
      tpu.vector_store %swap3A_1265[%swap3A_1266, %swap3A_1267], %swap3A_1270 {strides = array<i32>} : memref<128x128xf32, #tpu.memory_space<vmem>>, vector<1x16xf32>,
      %broadcast_in_dim3A_1271 = arith.constant 0.000000e+00 : f32
      %broadcast_in_dim3A_1272 = vector.broadcast %broadcast_in_dim3A_1271 : f32 to vector<16xf32>
      %swap3A_1273 = arith.constant 0 : i32
      %swap3A_1274 = arith.constant 0 : i32
      %swap3A_1275 = tpu.memref_slice %arg8[%scan3A, %swap3A_1273, %swap3A_1274] : memref<5x128x128xf32, #tpu.memory_space<vmem>> -> memref<1x128x128xf32, #tpu.memory_space<vmem>>
      %swap3A_1276 = tpu.memref_squeeze %swap3A_1275 : memref<1x128x128xf32, #tpu.memory_space<vmem>> -> memref<128x128xf32, #tpu.memory_space<vmem>>
      %swap3A_1277 = arith.index_cast %add3A_1195 : i32 to index
      %swap3A_1278 = arith.constant 112 : index
      %swap3A_1279 = tpu.vector_load %swap3A_1276[%swap3A_1277, %swap3A_1278] {strides = array<i32>} : memref<128x128xf32, #tpu.memory_space<vmem>>, vector<1x16xf32>,
      %swap3A_1280 = vector.shape_cast %swap3A_1279 : vector<1x16xf32> to vector<16xf32>
      %swap3A_1281 = vector.shape_cast %broadcast_in_dim3A_1272 : vector<16xf32> to vector<1x16xf32>
      tpu.vector_store %swap3A_1276[%swap3A_1277, %swap3A_1278], %swap3A_1281 {strides = array<i32>} : memref<128x128xf32, #tpu.memory_space<vmem>>, vector<1x16xf32>,
    }
    %scan3A_192 = arith.constant 64 : i32
    %mul3A_193 = arith.constant 64 : i32
    %mul3A_194 = arith.muli %arg1, %mul3A_193 : i32
    %run_scoped3A = arith.constant 4 : i32
    "tpu.region"() ({
      %run_scoped3A_1191 = tpu.sem_alloc : memref<!tpu.dma_semaphore, #tpu.memory_space<semaphore_mem>>
      %dma_start3A_1192 = arith.constant 0 : i32
      %dma_start3A_1193 = arith.constant 0 : i32
      %dma_start3A_1194 = tpu.memref_slice %arg8[%run_scoped3A, %dma_start3A_1192, %dma_start3A_1193] : memref<5x128x128xf32, #tpu.memory_space<vmem>> -> memref<1x128x128xf32, #tpu.memory_space<vmem>>
      %dma_start3A_1195 = tpu.memref_squeeze %dma_start3A_1194 : memref<1x128x128xf32, #tpu.memory_space<vmem>> -> memref<128x128xf32, #tpu.memory_space<vmem>>
      %dma_start3A_1196 = arith.constant 0 : i32
      %dma_start3A_1197 = arith.constant 0 : i32
      %dma_start3A_1198 = tpu.memref_slice %dma_start3A_1195[%dma_start3A_1196, %dma_start3A_1197] : memref<128x128xf32, #tpu.memory_space<vmem>> -> memref<64x128xf32, #tpu.memory_space<vmem>>
      %dma_start3A_1199 = arith.constant 0 : i32
      %dma_start3A_1200 = tpu.memref_slice %arg9[%mul3A_194, %dma_start3A_1199] : memref<1024x128xf32, #tpu.memory_space<vmem_shared>> -> memref<64x128xf32, #tpu.memory_space<vmem_shared>>
      %dma_start3A_1201 = arith.constant 0 : i32
      %dma_start3A_1202 = tpu.memref_slice %arg9[%mul3A_194, %dma_start3A_1201] : memref<1024x128xf32, #tpu.memory_space<vmem_shared>> -> memref<64x128xf32, #tpu.memory_space<vmem_shared>>
      %dma_start3A_1203 = arith.constant 0 : i32
      %dma_start3A_1204 = arith.constant 0 : i32
      %dma_start3A_1205 = tpu.memref_slice %arg8[%run_scoped3A, %dma_start3A_1203, %dma_start3A_1204] : memref<5x128x128xf32, #tpu.memory_space<vmem>> -> memref<1x128x128xf32, #tpu.memory_space<vmem>>
      %dma_start3A_1206 = tpu.memref_squeeze %dma_start3A_1205 : memref<1x128x128xf32, #tpu.memory_space<vmem>> -> memref<128x128xf32, #tpu.memory_space<vmem>>
      %dma_start3A_1207 = arith.constant 0 : i32
      %dma_start3A_1208 = arith.constant 0 : i32
      %dma_start3A_1209 = tpu.memref_slice %dma_start3A_1206[%dma_start3A_1207, %dma_start3A_1208] : memref<128x128xf32, #tpu.memory_space<vmem>> -> memref<64x128xf32, #tpu.memory_space<vmem>>
      tpu.enqueue_dma source(%dma_start3A_1209 : memref<64x128xf32, #tpu.memory_space<vmem>>) target(%dma_start3A_1202 : memref<64x128xf32, #tpu.memory_space<vmem_shared>>) target_semaphore(%run_scoped3A_1191 : memref<!tpu.dma_semaphore, #tpu.memory_space<semaphore_mem>>)
      %dma_wait3A_1210 = arith.constant 0 : i32
      %dma_wait3A_1211 = arith.constant 0 : i32
      %dma_wait3A_1212 = tpu.memref_slice %arg8[%run_scoped3A, %dma_wait3A_1210, %dma_wait3A_1211] : memref<5x128x128xf32, #tpu.memory_space<vmem>> -> memref<1x128x128xf32, #tpu.memory_space<vmem>>
      %dma_wait3A_1213 = tpu.memref_squeeze %dma_wait3A_1212 : memref<1x128x128xf32, #tpu.memory_space<vmem>> -> memref<128x128xf32, #tpu.memory_space<vmem>>
      %dma_wait3A_1214 = arith.constant 0 : i32
      %dma_wait3A_1215 = arith.constant 0 : i32
      %dma_wait3A_1216 = tpu.memref_slice %dma_wait3A_1213[%dma_wait3A_1214, %dma_wait3A_1215] : memref<128x128xf32, #tpu.memory_space<vmem>> -> memref<64x128xf32, #tpu.memory_space<vmem>>
      %dma_wait3A_1217 = arith.constant 0 : i32
      %dma_wait3A_1218 = tpu.memref_slice %arg9[%mul3A_194, %dma_wait3A_1217] : memref<1024x128xf32, #tpu.memory_space<vmem_shared>> -> memref<64x128xf32, #tpu.memory_space<vmem_shared>>
      %dma_wait3A_1219 = arith.constant 0 : i32
      %dma_wait3A_1220 = tpu.memref_slice %arg9[%mul3A_194, %dma_wait3A_1219] : memref<1024x128xf32, #tpu.memory_space<vmem_shared>> -> memref<64x128xf32, #tpu.memory_space<vmem_shared>>
      %dma_wait3A_1221 = arith.constant 0 : i32
      %dma_wait3A_1222 = arith.constant 0 : i32
      %dma_wait3A_1223 = tpu.memref_slice %arg8[%run_scoped3A, %dma_wait3A_1221, %dma_wait3A_1222] : memref<5x128x128xf32, #tpu.memory_space<vmem>> -> memref<1x128x128xf32, #tpu.memory_space<vmem>>
      %dma_wait3A_1224 = tpu.memref_squeeze %dma_wait3A_1223 : memref<1x128x128xf32, #tpu.memory_space<vmem>> -> memref<128x128xf32, #tpu.memory_space<vmem>>
      %dma_wait3A_1225 = arith.constant 0 : i32
      %dma_wait3A_1226 = arith.constant 0 : i32
      %dma_wait3A_1227 = tpu.memref_slice %dma_wait3A_1224[%dma_wait3A_1225, %dma_wait3A_1226] : memref<128x128xf32, #tpu.memory_space<vmem>> -> memref<64x128xf32, #tpu.memory_space<vmem>>
      tpu.wait_dma2 semaphore(%run_scoped3A_1191 : memref<!tpu.dma_semaphore, #tpu.memory_space<semaphore_mem>>) src(%dma_wait3A_1227 : memref<64x128xf32, #tpu.memory_space<vmem>>) dst(%dma_wait3A_1220 : memref<64x128xf32, #tpu.memory_space<vmem_shared>>)
      tpu.yield
    }) : () -> ()
    %barrier3A = arith.constant 0 : index
    tpu.barrier barrier_id(%barrier3A)
    %add3A_195 = arith.constant 0 : i32
    %add3A_196 = arith.addi %add3A_6, %add3A_195 : i32
    %dma_start3A_197 = arith.constant 0 : i32
    %dma_start3A_198 = arith.constant 0 : i32
    %dma_start3A_199 = arith.constant 0 : i32
    %dma_start3A_200 = arith.constant 0 : i32
    %dma_start3A_201 = tpu.memref_slice %arg8[%dma_start3A_197, %dma_start3A_199, %dma_start3A_200] : memref<5x128x128xf32, #tpu.memory_space<vmem>> -> memref<1x128x128xf32, #tpu.memory_space<vmem>>
    %dma_start3A_202 = tpu.memref_squeeze %dma_start3A_201 : memref<1x128x128xf32, #tpu.memory_space<vmem>> -> memref<128x128xf32, #tpu.memory_space<vmem>>
    %dma_start3A_203 = arith.constant 0 : i32
    %dma_start3A_204 = tpu.memref_slice %arg2[%add3A_196, %dma_start3A_203] : memref<100000x128xf32, #tpu.memory_space<hbm>> -> memref<128x128xf32, #tpu.memory_space<hbm>>
    %dma_start3A_205 = tpu.memref_slice %arg10[%dma_start3A_198] : memref<4x!tpu.dma_semaphore, #tpu.memory_space<semaphore_mem>> -> memref<1x!tpu.dma_semaphore, #tpu.memory_space<semaphore_mem>>
    %dma_start3A_206 = tpu.memref_squeeze %dma_start3A_205 : memref<1x!tpu.dma_semaphore, #tpu.memory_space<semaphore_mem>> -> memref<!tpu.dma_semaphore, #tpu.memory_space<semaphore_mem>>
    %dma_start3A_207 = arith.constant 0 : i32
    %dma_start3A_208 = arith.constant 0 : i32
    %dma_start3A_209 = tpu.memref_slice %arg8[%dma_start3A_197, %dma_start3A_207, %dma_start3A_208] : memref<5x128x128xf32, #tpu.memory_space<vmem>> -> memref<1x128x128xf32, #tpu.memory_space<vmem>>
    %dma_start3A_210 = tpu.memref_squeeze %dma_start3A_209 : memref<1x128x128xf32, #tpu.memory_space<vmem>> -> memref<128x128xf32, #tpu.memory_space<vmem>>
    %dma_start3A_211 = arith.constant 0 : i32
    %dma_start3A_212 = tpu.memref_slice %arg2[%add3A_196, %dma_start3A_211] : memref<100000x128xf32, #tpu.memory_space<hbm>> -> memref<128x128xf32, #tpu.memory_space<hbm>>
    tpu.enqueue_dma source(%dma_start3A_212 : memref<128x128xf32, #tpu.memory_space<hbm>>) target(%dma_start3A_210 : memref<128x128xf32, #tpu.memory_space<vmem>>) target_semaphore(%dma_start3A_206 : memref<!tpu.dma_semaphore, #tpu.memory_space<semaphore_mem>>)
    %add3A_213 = arith.constant 128 : i32
    %add3A_214 = arith.addi %add3A_6, %add3A_213 : i32
    %dma_start3A_215 = arith.constant 1 : i32
    %dma_start3A_216 = arith.constant 1 : i32
    %dma_start3A_217 = arith.constant 0 : i32
    %dma_start3A_218 = arith.constant 0 : i32
    %dma_start3A_219 = tpu.memref_slice %arg8[%dma_start3A_215, %dma_start3A_217, %dma_start3A_218] : memref<5x128x128xf32, #tpu.memory_space<vmem>> -> memref<1x128x128xf32, #tpu.memory_space<vmem>>
    %dma_start3A_220 = tpu.memref_squeeze %dma_start3A_219 : memref<1x128x128xf32, #tpu.memory_space<vmem>> -> memref<128x128xf32, #tpu.memory_space<vmem>>
    %dma_start3A_221 = arith.constant 0 : i32
    %dma_start3A_222 = tpu.memref_slice %arg2[%add3A_214, %dma_start3A_221] : memref<100000x128xf32, #tpu.memory_space<hbm>> -> memref<128x128xf32, #tpu.memory_space<hbm>>
    %dma_start3A_223 = tpu.memref_slice %arg10[%dma_start3A_216] : memref<4x!tpu.dma_semaphore, #tpu.memory_space<semaphore_mem>> -> memref<1x!tpu.dma_semaphore, #tpu.memory_space<semaphore_mem>>
    %dma_start3A_224 = tpu.memref_squeeze %dma_start3A_223 : memref<1x!tpu.dma_semaphore, #tpu.memory_space<semaphore_mem>> -> memref<!tpu.dma_semaphore, #tpu.memory_space<semaphore_mem>>
    %dma_start3A_225 = arith.constant 0 : i32
    %dma_start3A_226 = arith.constant 0 : i32
    %dma_start3A_227 = tpu.memref_slice %arg8[%dma_start3A_215, %dma_start3A_225, %dma_start3A_226] : memref<5x128x128xf32, #tpu.memory_space<vmem>> -> memref<1x128x128xf32, #tpu.memory_space<vmem>>
    %dma_start3A_228 = tpu.memref_squeeze %dma_start3A_227 : memref<1x128x128xf32, #tpu.memory_space<vmem>> -> memref<128x128xf32, #tpu.memory_space<vmem>>
    %dma_start3A_229 = arith.constant 0 : i32
    %dma_start3A_230 = tpu.memref_slice %arg2[%add3A_214, %dma_start3A_229] : memref<100000x128xf32, #tpu.memory_space<hbm>> -> memref<128x128xf32, #tpu.memory_space<hbm>>
    tpu.enqueue_dma source(%dma_start3A_230 : memref<128x128xf32, #tpu.memory_space<hbm>>) target(%dma_start3A_228 : memref<128x128xf32, #tpu.memory_space<vmem>>) target_semaphore(%dma_start3A_224 : memref<!tpu.dma_semaphore, #tpu.memory_space<semaphore_mem>>)
    %add3A_231 = arith.constant 256 : i32
    %add3A_232 = arith.addi %add3A_6, %add3A_231 : i32
    %dma_start3A_233 = arith.constant 2 : i32
    %dma_start3A_234 = arith.constant 2 : i32
    %dma_start3A_235 = arith.constant 0 : i32
    %dma_start3A_236 = arith.constant 0 : i32
    %dma_start3A_237 = tpu.memref_slice %arg8[%dma_start3A_233, %dma_start3A_235, %dma_start3A_236] : memref<5x128x128xf32, #tpu.memory_space<vmem>> -> memref<1x128x128xf32, #tpu.memory_space<vmem>>
    %dma_start3A_238 = tpu.memref_squeeze %dma_start3A_237 : memref<1x128x128xf32, #tpu.memory_space<vmem>> -> memref<128x128xf32, #tpu.memory_space<vmem>>
    %dma_start3A_239 = arith.constant 0 : i32
    %dma_start3A_240 = tpu.memref_slice %arg2[%add3A_232, %dma_start3A_239] : memref<100000x128xf32, #tpu.memory_space<hbm>> -> memref<128x128xf32, #tpu.memory_space<hbm>>
    %dma_start3A_241 = tpu.memref_slice %arg10[%dma_start3A_234] : memref<4x!tpu.dma_semaphore, #tpu.memory_space<semaphore_mem>> -> memref<1x!tpu.dma_semaphore, #tpu.memory_space<semaphore_mem>>
    %dma_start3A_242 = tpu.memref_squeeze %dma_start3A_241 : memref<1x!tpu.dma_semaphore, #tpu.memory_space<semaphore_mem>> -> memref<!tpu.dma_semaphore, #tpu.memory_space<semaphore_mem>>
    %dma_start3A_243 = arith.constant 0 : i32
    %dma_start3A_244 = arith.constant 0 : i32
    %dma_start3A_245 = tpu.memref_slice %arg8[%dma_start3A_233, %dma_start3A_243, %dma_start3A_244] : memref<5x128x128xf32, #tpu.memory_space<vmem>> -> memref<1x128x128xf32, #tpu.memory_space<vmem>>
    %dma_start3A_246 = tpu.memref_squeeze %dma_start3A_245 : memref<1x128x128xf32, #tpu.memory_space<vmem>> -> memref<128x128xf32, #tpu.memory_space<vmem>>
    %dma_start3A_247 = arith.constant 0 : i32
    %dma_start3A_248 = tpu.memref_slice %arg2[%add3A_232, %dma_start3A_247] : memref<100000x128xf32, #tpu.memory_space<hbm>> -> memref<128x128xf32, #tpu.memory_space<hbm>>
    tpu.enqueue_dma source(%dma_start3A_248 : memref<128x128xf32, #tpu.memory_space<hbm>>) target(%dma_start3A_246 : memref<128x128xf32, #tpu.memory_space<vmem>>) target_semaphore(%dma_start3A_242 : memref<!tpu.dma_semaphore, #tpu.memory_space<semaphore_mem>>)
    %add3A_249 = arith.constant 384 : i32
    %add3A_250 = arith.addi %add3A_6, %add3A_249 : i32
    %dma_start3A_251 = arith.constant 3 : i32
    %dma_start3A_252 = arith.constant 3 : i32
    %dma_start3A_253 = arith.constant 0 : i32
    %dma_start3A_254 = arith.constant 0 : i32
    %dma_start3A_255 = tpu.memref_slice %arg8[%dma_start3A_251, %dma_start3A_253, %dma_start3A_254] : memref<5x128x128xf32, #tpu.memory_space<vmem>> -> memref<1x128x128xf32, #tpu.memory_space<vmem>>
    %dma_start3A_256 = tpu.memref_squeeze %dma_start3A_255 : memref<1x128x128xf32, #tpu.memory_space<vmem>> -> memref<128x128xf32, #tpu.memory_space<vmem>>
    %dma_start3A_257 = arith.constant 0 : i32
    %dma_start3A_258 = tpu.memref_slice %arg2[%add3A_250, %dma_start3A_257] : memref<100000x128xf32, #tpu.memory_space<hbm>> -> memref<128x128xf32, #tpu.memory_space<hbm>>
    %dma_start3A_259 = tpu.memref_slice %arg10[%dma_start3A_252] : memref<4x!tpu.dma_semaphore, #tpu.memory_space<semaphore_mem>> -> memref<1x!tpu.dma_semaphore, #tpu.memory_space<semaphore_mem>>
    %dma_start3A_260 = tpu.memref_squeeze %dma_start3A_259 : memref<1x!tpu.dma_semaphore, #tpu.memory_space<semaphore_mem>> -> memref<!tpu.dma_semaphore, #tpu.memory_space<semaphore_mem>>
    %dma_start3A_261 = arith.constant 0 : i32
    %dma_start3A_262 = arith.constant 0 : i32
    %dma_start3A_263 = tpu.memref_slice %arg8[%dma_start3A_251, %dma_start3A_261, %dma_start3A_262] : memref<5x128x128xf32, #tpu.memory_space<vmem>> -> memref<1x128x128xf32, #tpu.memory_space<vmem>>
    %dma_start3A_264 = tpu.memref_squeeze %dma_start3A_263 : memref<1x128x128xf32, #tpu.memory_space<vmem>> -> memref<128x128xf32, #tpu.memory_space<vmem>>
    %dma_start3A_265 = arith.constant 0 : i32
    %dma_start3A_266 = tpu.memref_slice %arg2[%add3A_250, %dma_start3A_265] : memref<100000x128xf32, #tpu.memory_space<hbm>> -> memref<128x128xf32, #tpu.memory_space<hbm>>
    tpu.enqueue_dma source(%dma_start3A_266 : memref<128x128xf32, #tpu.memory_space<hbm>>) target(%dma_start3A_264 : memref<128x128xf32, #tpu.memory_space<vmem>>) target_semaphore(%dma_start3A_260 : memref<!tpu.dma_semaphore, #tpu.memory_space<semaphore_mem>>)
    %dma_wait3A = arith.constant 0 : i32
    %dma_wait3A_267 = arith.constant 0 : i32
    %dma_wait3A_268 = arith.constant 0 : i32
    %dma_wait3A_269 = arith.constant 0 : i32
    %dma_wait3A_270 = tpu.memref_slice %arg8[%dma_wait3A, %dma_wait3A_268, %dma_wait3A_269] : memref<5x128x128xf32, #tpu.memory_space<vmem>> -> memref<1x128x128xf32, #tpu.memory_space<vmem>>
    %dma_wait3A_271 = tpu.memref_squeeze %dma_wait3A_270 : memref<1x128x128xf32, #tpu.memory_space<vmem>> -> memref<128x128xf32, #tpu.memory_space<vmem>>
    %dma_wait3A_272 = arith.constant 0 : i32
    %dma_wait3A_273 = tpu.memref_slice %arg2[%add3A_196, %dma_wait3A_272] : memref<100000x128xf32, #tpu.memory_space<hbm>> -> memref<128x128xf32, #tpu.memory_space<hbm>>
    %dma_wait3A_274 = tpu.memref_slice %arg10[%dma_wait3A_267] : memref<4x!tpu.dma_semaphore, #tpu.memory_space<semaphore_mem>> -> memref<1x!tpu.dma_semaphore, #tpu.memory_space<semaphore_mem>>
    %dma_wait3A_275 = tpu.memref_squeeze %dma_wait3A_274 : memref<1x!tpu.dma_semaphore, #tpu.memory_space<semaphore_mem>> -> memref<!tpu.dma_semaphore, #tpu.memory_space<semaphore_mem>>
    %dma_wait3A_276 = arith.constant 0 : i32
    %dma_wait3A_277 = arith.constant 0 : i32
    %dma_wait3A_278 = tpu.memref_slice %arg8[%dma_wait3A, %dma_wait3A_276, %dma_wait3A_277] : memref<5x128x128xf32, #tpu.memory_space<vmem>> -> memref<1x128x128xf32, #tpu.memory_space<vmem>>
    %dma_wait3A_279 = tpu.memref_squeeze %dma_wait3A_278 : memref<1x128x128xf32, #tpu.memory_space<vmem>> -> memref<128x128xf32, #tpu.memory_space<vmem>>
    %dma_wait3A_280 = arith.constant 0 : i32
    %dma_wait3A_281 = tpu.memref_slice %arg2[%add3A_196, %dma_wait3A_280] : memref<100000x128xf32, #tpu.memory_space<hbm>> -> memref<128x128xf32, #tpu.memory_space<hbm>>
    tpu.wait_dma2 semaphore(%dma_wait3A_275 : memref<!tpu.dma_semaphore, #tpu.memory_space<semaphore_mem>>) src(%dma_wait3A_281 : memref<128x128xf32, #tpu.memory_space<hbm>>) dst(%dma_wait3A_279 : memref<128x128xf32, #tpu.memory_space<vmem>>)
    %dma_wait3A_282 = arith.constant 0 : i32
    %dma_wait3A_283 = arith.constant 0 : i32
    %dma_wait3A_284 = arith.constant 0 : i32
    %dma_wait3A_285 = tpu.memref_slice %arg5[%dma_wait3A_282, %dma_wait3A_284] : memref<13x128xi32, #tpu.memory_space<vmem>> -> memref<1x128xi32, #tpu.memory_space<vmem>>
    %dma_wait3A_286 = tpu.memref_squeeze %dma_wait3A_285 : memref<1x128xi32, #tpu.memory_space<vmem>> -> memref<128xi32, #tpu.memory_space<vmem>>
    %dma_wait3A_287 = tpu.memref_slice %arg3[%add3A_8] : memref<100000xi32, #tpu.memory_space<hbm>> -> memref<128xi32, #tpu.memory_space<hbm>>
    %dma_wait3A_288 = tpu.memref_slice %arg12[%dma_wait3A_283] : memref<13x!tpu.dma_semaphore, #tpu.memory_space<semaphore_mem>> -> memref<1x!tpu.dma_semaphore, #tpu.memory_space<semaphore_mem>>
    %dma_wait3A_289 = tpu.memref_squeeze %dma_wait3A_288 : memref<1x!tpu.dma_semaphore, #tpu.memory_space<semaphore_mem>> -> memref<!tpu.dma_semaphore, #tpu.memory_space<semaphore_mem>>
    %dma_wait3A_290 = arith.constant 0 : i32
    %dma_wait3A_291 = tpu.memref_slice %arg5[%dma_wait3A_282, %dma_wait3A_290] : memref<13x128xi32, #tpu.memory_space<vmem>> -> memref<1x128xi32, #tpu.memory_space<vmem>>
    %dma_wait3A_292 = tpu.memref_squeeze %dma_wait3A_291 : memref<1x128xi32, #tpu.memory_space<vmem>> -> memref<128xi32, #tpu.memory_space<vmem>>
    %dma_wait3A_293 = tpu.memref_slice %arg3[%add3A_8] : memref<100000xi32, #tpu.memory_space<hbm>> -> memref<128xi32, #tpu.memory_space<hbm>>
    tpu.wait_dma2 semaphore(%dma_wait3A_289 : memref<!tpu.dma_semaphore, #tpu.memory_space<semaphore_mem>>) src(%dma_wait3A_293 : memref<128xi32, #tpu.memory_space<hbm>>) dst(%dma_wait3A_292 : memref<128xi32, #tpu.memory_space<vmem>>)
    %dma_start3A_294 = arith.constant 0 : i32
    %dma_start3A_295 = arith.constant 0 : i32
    %dma_start3A_296 = arith.constant 0 : i32
    %dma_start3A_297 = arith.constant 0 : i32
    %dma_start3A_298 = arith.constant 0 : i32
    %dma_start3A_299 = tpu.memref_slice %arg8[%dma_start3A_294, %dma_start3A_297, %dma_start3A_298] : memref<5x128x128xf32, #tpu.memory_space<vmem>> -> memref<1x128x128xf32, #tpu.memory_space<vmem>>
    %dma_start3A_300 = tpu.memref_squeeze %dma_start3A_299 : memref<1x128x128xf32, #tpu.memory_space<vmem>> -> memref<128x128xf32, #tpu.memory_space<vmem>>
    %dma_start3A_301 = arith.constant 0 : i32
    %dma_start3A_302 = tpu.memref_slice %arg5[%dma_start3A_295, %dma_start3A_301] : memref<13x128xi32, #tpu.memory_space<vmem>> -> memref<1x128xi32, #tpu.memory_space<vmem>>
    %dma_start3A_303 = tpu.memref_squeeze %dma_start3A_302 : memref<1x128xi32, #tpu.memory_space<vmem>> -> memref<128xi32, #tpu.memory_space<vmem>>
    %dma_start3A_304 = arith.constant 0 : i32
    %dma_start3A_305 = arith.constant 0 : i32
    %dma_start3A_306 = tpu.memref_slice %arg9[%dma_start3A_304, %dma_start3A_305] : memref<1024x128xf32, #tpu.memory_space<vmem_shared>> -> memref<1024x128xf32, #tpu.memory_space<vmem_shared>>
    %dma_start3A_307 = tpu.memref_slice %arg11[%dma_start3A_296] : memref<4x!tpu.dma_semaphore, #tpu.memory_space<semaphore_mem>> -> memref<1x!tpu.dma_semaphore, #tpu.memory_space<semaphore_mem>>
    %dma_start3A_308 = tpu.memref_squeeze %dma_start3A_307 : memref<1x!tpu.dma_semaphore, #tpu.memory_space<semaphore_mem>> -> memref<!tpu.dma_semaphore, #tpu.memory_space<semaphore_mem>>
    tpu.enqueue_indirect_dma source(%dma_start3A_300 : memref<128x128xf32, #tpu.memory_space<vmem>>) target(%dma_start3A_306 : memref<1024x128xf32, #tpu.memory_space<vmem_shared>>) offsets(%dma_start3A_303 : memref<128xi32, #tpu.memory_space<vmem>>) semaphore(%dma_start3A_308 : memref<!tpu.dma_semaphore, #tpu.memory_space<semaphore_mem>>) {add = true}
    %dma_wait3A_309 = arith.constant 0 : i32
    %dma_wait3A_310 = arith.constant 0 : i32
    %dma_wait3A_311 = arith.constant 0 : i32
    %dma_wait3A_312 = arith.constant 0 : i32
    %dma_wait3A_313 = arith.constant 0 : i32
    %dma_wait3A_314 = tpu.memref_slice %arg8[%dma_wait3A_309, %dma_wait3A_312, %dma_wait3A_313] : memref<5x128x128xf32, #tpu.memory_space<vmem>> -> memref<1x128x128xf32, #tpu.memory_space<vmem>>
    %dma_wait3A_315 = tpu.memref_squeeze %dma_wait3A_314 : memref<1x128x128xf32, #tpu.memory_space<vmem>> -> memref<128x128xf32, #tpu.memory_space<vmem>>
    %dma_wait3A_316 = arith.constant 0 : i32
    %dma_wait3A_317 = tpu.memref_slice %arg5[%dma_wait3A_310, %dma_wait3A_316] : memref<13x128xi32, #tpu.memory_space<vmem>> -> memref<1x128xi32, #tpu.memory_space<vmem>>
    %dma_wait3A_318 = tpu.memref_squeeze %dma_wait3A_317 : memref<1x128xi32, #tpu.memory_space<vmem>> -> memref<128xi32, #tpu.memory_space<vmem>>
    %dma_wait3A_319 = arith.constant 0 : i32
    %dma_wait3A_320 = arith.constant 0 : i32
    %dma_wait3A_321 = tpu.memref_slice %arg9[%dma_wait3A_319, %dma_wait3A_320] : memref<1024x128xf32, #tpu.memory_space<vmem_shared>> -> memref<1024x128xf32, #tpu.memory_space<vmem_shared>>
    %dma_wait3A_322 = tpu.memref_slice %arg11[%dma_wait3A_311] : memref<4x!tpu.dma_semaphore, #tpu.memory_space<semaphore_mem>> -> memref<1x!tpu.dma_semaphore, #tpu.memory_space<semaphore_mem>>
    %dma_wait3A_323 = tpu.memref_squeeze %dma_wait3A_322 : memref<1x!tpu.dma_semaphore, #tpu.memory_space<semaphore_mem>> -> memref<!tpu.dma_semaphore, #tpu.memory_space<semaphore_mem>>
    tpu.wait_indirect_dma semaphore(%dma_wait3A_323 : memref<!tpu.dma_semaphore, #tpu.memory_space<semaphore_mem>>) src(%dma_wait3A_315 : memref<128x128xf32, #tpu.memory_space<vmem>>) dst(%dma_wait3A_321 : memref<1024x128xf32, #tpu.memory_space<vmem_shared>>)
    %add3A_324 = arith.constant 512 : i32
    %add3A_325 = arith.addi %add3A_6, %add3A_324 : i32
    %dma_start3A_326 = arith.constant 0 : i32
    %dma_start3A_327 = arith.constant 0 : i32
    %dma_start3A_328 = arith.constant 0 : i32
    %dma_start3A_329 = arith.constant 0 : i32
    %dma_start3A_330 = tpu.memref_slice %arg8[%dma_start3A_326, %dma_start3A_328, %dma_start3A_329] : memref<5x128x128xf32, #tpu.memory_space<vmem>> -> memref<1x128x128xf32, #tpu.memory_space<vmem>>
    %dma_start3A_331 = tpu.memref_squeeze %dma_start3A_330 : memref<1x128x128xf32, #tpu.memory_space<vmem>> -> memref<128x128xf32, #tpu.memory_space<vmem>>
    %dma_start3A_332 = arith.constant 0 : i32
    %dma_start3A_333 = tpu.memref_slice %arg2[%add3A_325, %dma_start3A_332] : memref<100000x128xf32, #tpu.memory_space<hbm>> -> memref<128x128xf32, #tpu.memory_space<hbm>>
    %dma_start3A_334 = tpu.memref_slice %arg10[%dma_start3A_327] : memref<4x!tpu.dma_semaphore, #tpu.memory_space<semaphore_mem>> -> memref<1x!tpu.dma_semaphore, #tpu.memory_space<semaphore_mem>>
    %dma_start3A_335 = tpu.memref_squeeze %dma_start3A_334 : memref<1x!tpu.dma_semaphore, #tpu.memory_space<semaphore_mem>> -> memref<!tpu.dma_semaphore, #tpu.memory_space<semaphore_mem>>
    %dma_start3A_336 = arith.constant 0 : i32
    %dma_start3A_337 = arith.constant 0 : i32
    %dma_start3A_338 = tpu.memref_slice %arg8[%dma_start3A_326, %dma_start3A_336, %dma_start3A_337] : memref<5x128x128xf32, #tpu.memory_space<vmem>> -> memref<1x128x128xf32, #tpu.memory_space<vmem>>
    %dma_start3A_339 = tpu.memref_squeeze %dma_start3A_338 : memref<1x128x128xf32, #tpu.memory_space<vmem>> -> memref<128x128xf32, #tpu.memory_space<vmem>>
    %dma_start3A_340 = arith.constant 0 : i32
    %dma_start3A_341 = tpu.memref_slice %arg2[%add3A_325, %dma_start3A_340] : memref<100000x128xf32, #tpu.memory_space<hbm>> -> memref<128x128xf32, #tpu.memory_space<hbm>>
    tpu.enqueue_dma source(%dma_start3A_341 : memref<128x128xf32, #tpu.memory_space<hbm>>) target(%dma_start3A_339 : memref<128x128xf32, #tpu.memory_space<vmem>>) target_semaphore(%dma_start3A_335 : memref<!tpu.dma_semaphore, #tpu.memory_space<semaphore_mem>>)
    %dma_wait3A_342 = arith.constant 1 : i32
    %dma_wait3A_343 = arith.constant 1 : i32
    %dma_wait3A_344 = arith.constant 0 : i32
    %dma_wait3A_345 = arith.constant 0 : i32
    %dma_wait3A_346 = tpu.memref_slice %arg8[%dma_wait3A_342, %dma_wait3A_344, %dma_wait3A_345] : memref<5x128x128xf32, #tpu.memory_space<vmem>> -> memref<1x128x128xf32, #tpu.memory_space<vmem>>
    %dma_wait3A_347 = tpu.memref_squeeze %dma_wait3A_346 : memref<1x128x128xf32, #tpu.memory_space<vmem>> -> memref<128x128xf32, #tpu.memory_space<vmem>>
    %dma_wait3A_348 = arith.constant 0 : i32
    %dma_wait3A_349 = tpu.memref_slice %arg2[%add3A_214, %dma_wait3A_348] : memref<100000x128xf32, #tpu.memory_space<hbm>> -> memref<128x128xf32, #tpu.memory_space<hbm>>
    %dma_wait3A_350 = tpu.memref_slice %arg10[%dma_wait3A_343] : memref<4x!tpu.dma_semaphore, #tpu.memory_space<semaphore_mem>> -> memref<1x!tpu.dma_semaphore, #tpu.memory_space<semaphore_mem>>
    %dma_wait3A_351 = tpu.memref_squeeze %dma_wait3A_350 : memref<1x!tpu.dma_semaphore, #tpu.memory_space<semaphore_mem>> -> memref<!tpu.dma_semaphore, #tpu.memory_space<semaphore_mem>>
    %dma_wait3A_352 = arith.constant 0 : i32
    %dma_wait3A_353 = arith.constant 0 : i32
    %dma_wait3A_354 = tpu.memref_slice %arg8[%dma_wait3A_342, %dma_wait3A_352, %dma_wait3A_353] : memref<5x128x128xf32, #tpu.memory_space<vmem>> -> memref<1x128x128xf32, #tpu.memory_space<vmem>>
    %dma_wait3A_355 = tpu.memref_squeeze %dma_wait3A_354 : memref<1x128x128xf32, #tpu.memory_space<vmem>> -> memref<128x128xf32, #tpu.memory_space<vmem>>
    %dma_wait3A_356 = arith.constant 0 : i32
    %dma_wait3A_357 = tpu.memref_slice %arg2[%add3A_214, %dma_wait3A_356] : memref<100000x128xf32, #tpu.memory_space<hbm>> -> memref<128x128xf32, #tpu.memory_space<hbm>>
    tpu.wait_dma2 semaphore(%dma_wait3A_351 : memref<!tpu.dma_semaphore, #tpu.memory_space<semaphore_mem>>) src(%dma_wait3A_357 : memref<128x128xf32, #tpu.memory_space<hbm>>) dst(%dma_wait3A_355 : memref<128x128xf32, #tpu.memory_space<vmem>>)
    %dma_wait3A_358 = arith.constant 1 : i32
    %dma_wait3A_359 = arith.constant 1 : i32
    %dma_wait3A_360 = arith.constant 0 : i32
    %dma_wait3A_361 = tpu.memref_slice %arg5[%dma_wait3A_358, %dma_wait3A_360] : memref<13x128xi32, #tpu.memory_space<vmem>> -> memref<1x128xi32, #tpu.memory_space<vmem>>
    %dma_wait3A_362 = tpu.memref_squeeze %dma_wait3A_361 : memref<1x128xi32, #tpu.memory_space<vmem>> -> memref<128xi32, #tpu.memory_space<vmem>>
    %dma_wait3A_363 = tpu.memref_slice %arg3[%add3A_21] : memref<100000xi32, #tpu.memory_space<hbm>> -> memref<128xi32, #tpu.memory_space<hbm>>
    %dma_wait3A_364 = tpu.memref_slice %arg12[%dma_wait3A_359] : memref<13x!tpu.dma_semaphore, #tpu.memory_space<semaphore_mem>> -> memref<1x!tpu.dma_semaphore, #tpu.memory_space<semaphore_mem>>
    %dma_wait3A_365 = tpu.memref_squeeze %dma_wait3A_364 : memref<1x!tpu.dma_semaphore, #tpu.memory_space<semaphore_mem>> -> memref<!tpu.dma_semaphore, #tpu.memory_space<semaphore_mem>>
    %dma_wait3A_366 = arith.constant 0 : i32
    %dma_wait3A_367 = tpu.memref_slice %arg5[%dma_wait3A_358, %dma_wait3A_366] : memref<13x128xi32, #tpu.memory_space<vmem>> -> memref<1x128xi32, #tpu.memory_space<vmem>>
    %dma_wait3A_368 = tpu.memref_squeeze %dma_wait3A_367 : memref<1x128xi32, #tpu.memory_space<vmem>> -> memref<128xi32, #tpu.memory_space<vmem>>
    %dma_wait3A_369 = tpu.memref_slice %arg3[%add3A_21] : memref<100000xi32, #tpu.memory_space<hbm>> -> memref<128xi32, #tpu.memory_space<hbm>>
    tpu.wait_dma2 semaphore(%dma_wait3A_365 : memref<!tpu.dma_semaphore, #tpu.memory_space<semaphore_mem>>) src(%dma_wait3A_369 : memref<128xi32, #tpu.memory_space<hbm>>) dst(%dma_wait3A_368 : memref<128xi32, #tpu.memory_space<vmem>>)
    %dma_start3A_370 = arith.constant 1 : i32
    %dma_start3A_371 = arith.constant 1 : i32
    %dma_start3A_372 = arith.constant 1 : i32
    %dma_start3A_373 = arith.constant 0 : i32
    %dma_start3A_374 = arith.constant 0 : i32
    %dma_start3A_375 = tpu.memref_slice %arg8[%dma_start3A_370, %dma_start3A_373, %dma_start3A_374] : memref<5x128x128xf32, #tpu.memory_space<vmem>> -> memref<1x128x128xf32, #tpu.memory_space<vmem>>
    %dma_start3A_376 = tpu.memref_squeeze %dma_start3A_375 : memref<1x128x128xf32, #tpu.memory_space<vmem>> -> memref<128x128xf32, #tpu.memory_space<vmem>>
    %dma_start3A_377 = arith.constant 0 : i32
    %dma_start3A_378 = tpu.memref_slice %arg5[%dma_start3A_371, %dma_start3A_377] : memref<13x128xi32, #tpu.memory_space<vmem>> -> memref<1x128xi32, #tpu.memory_space<vmem>>
    %dma_start3A_379 = tpu.memref_squeeze %dma_start3A_378 : memref<1x128xi32, #tpu.memory_space<vmem>> -> memref<128xi32, #tpu.memory_space<vmem>>
    %dma_start3A_380 = arith.constant 0 : i32
    %dma_start3A_381 = arith.constant 0 : i32
    %dma_start3A_382 = tpu.memref_slice %arg9[%dma_start3A_380, %dma_start3A_381] : memref<1024x128xf32, #tpu.memory_space<vmem_shared>> -> memref<1024x128xf32, #tpu.memory_space<vmem_shared>>
    %dma_start3A_383 = tpu.memref_slice %arg11[%dma_start3A_372] : memref<4x!tpu.dma_semaphore, #tpu.memory_space<semaphore_mem>> -> memref<1x!tpu.dma_semaphore, #tpu.memory_space<semaphore_mem>>
    %dma_start3A_384 = tpu.memref_squeeze %dma_start3A_383 : memref<1x!tpu.dma_semaphore, #tpu.memory_space<semaphore_mem>> -> memref<!tpu.dma_semaphore, #tpu.memory_space<semaphore_mem>>
    tpu.enqueue_indirect_dma source(%dma_start3A_376 : memref<128x128xf32, #tpu.memory_space<vmem>>) target(%dma_start3A_382 : memref<1024x128xf32, #tpu.memory_space<vmem_shared>>) offsets(%dma_start3A_379 : memref<128xi32, #tpu.memory_space<vmem>>) semaphore(%dma_start3A_384 : memref<!tpu.dma_semaphore, #tpu.memory_space<semaphore_mem>>) {add = true}
    %dma_wait3A_385 = arith.constant 1 : i32
    %dma_wait3A_386 = arith.constant 1 : i32
    %dma_wait3A_387 = arith.constant 1 : i32
    %dma_wait3A_388 = arith.constant 0 : i32
    %dma_wait3A_389 = arith.constant 0 : i32
    %dma_wait3A_390 = tpu.memref_slice %arg8[%dma_wait3A_385, %dma_wait3A_388, %dma_wait3A_389] : memref<5x128x128xf32, #tpu.memory_space<vmem>> -> memref<1x128x128xf32, #tpu.memory_space<vmem>>
    %dma_wait3A_391 = tpu.memref_squeeze %dma_wait3A_390 : memref<1x128x128xf32, #tpu.memory_space<vmem>> -> memref<128x128xf32, #tpu.memory_space<vmem>>
    %dma_wait3A_392 = arith.constant 0 : i32
    %dma_wait3A_393 = tpu.memref_slice %arg5[%dma_wait3A_386, %dma_wait3A_392] : memref<13x128xi32, #tpu.memory_space<vmem>> -> memref<1x128xi32, #tpu.memory_space<vmem>>
    %dma_wait3A_394 = tpu.memref_squeeze %dma_wait3A_393 : memref<1x128xi32, #tpu.memory_space<vmem>> -> memref<128xi32, #tpu.memory_space<vmem>>
    %dma_wait3A_395 = arith.constant 0 : i32
    %dma_wait3A_396 = arith.constant 0 : i32
    %dma_wait3A_397 = tpu.memref_slice %arg9[%dma_wait3A_395, %dma_wait3A_396] : memref<1024x128xf32, #tpu.memory_space<vmem_shared>> -> memref<1024x128xf32, #tpu.memory_space<vmem_shared>>
    %dma_wait3A_398 = tpu.memref_slice %arg11[%dma_wait3A_387] : memref<4x!tpu.dma_semaphore, #tpu.memory_space<semaphore_mem>> -> memref<1x!tpu.dma_semaphore, #tpu.memory_space<semaphore_mem>>
    %dma_wait3A_399 = tpu.memref_squeeze %dma_wait3A_398 : memref<1x!tpu.dma_semaphore, #tpu.memory_space<semaphore_mem>> -> memref<!tpu.dma_semaphore, #tpu.memory_space<semaphore_mem>>
    tpu.wait_indirect_dma semaphore(%dma_wait3A_399 : memref<!tpu.dma_semaphore, #tpu.memory_space<semaphore_mem>>) src(%dma_wait3A_391 : memref<128x128xf32, #tpu.memory_space<vmem>>) dst(%dma_wait3A_397 : memref<1024x128xf32, #tpu.memory_space<vmem_shared>>)
    %add3A_400 = arith.constant 640 : i32
    %add3A_401 = arith.addi %add3A_6, %add3A_400 : i32
    %dma_start3A_402 = arith.constant 1 : i32
    %dma_start3A_403 = arith.constant 1 : i32
    %dma_start3A_404 = arith.constant 0 : i32
    %dma_start3A_405 = arith.constant 0 : i32
    %dma_start3A_406 = tpu.memref_slice %arg8[%dma_start3A_402, %dma_start3A_404, %dma_start3A_405] : memref<5x128x128xf32, #tpu.memory_space<vmem>> -> memref<1x128x128xf32, #tpu.memory_space<vmem>>
    %dma_start3A_407 = tpu.memref_squeeze %dma_start3A_406 : memref<1x128x128xf32, #tpu.memory_space<vmem>> -> memref<128x128xf32, #tpu.memory_space<vmem>>
    %dma_start3A_408 = arith.constant 0 : i32
    %dma_start3A_409 = tpu.memref_slice %arg2[%add3A_401, %dma_start3A_408] : memref<100000x128xf32, #tpu.memory_space<hbm>> -> memref<128x128xf32, #tpu.memory_space<hbm>>
    %dma_start3A_410 = tpu.memref_slice %arg10[%dma_start3A_403] : memref<4x!tpu.dma_semaphore, #tpu.memory_space<semaphore_mem>> -> memref<1x!tpu.dma_semaphore, #tpu.memory_space<semaphore_mem>>
    %dma_start3A_411 = tpu.memref_squeeze %dma_start3A_410 : memref<1x!tpu.dma_semaphore, #tpu.memory_space<semaphore_mem>> -> memref<!tpu.dma_semaphore, #tpu.memory_space<semaphore_mem>>
    %dma_start3A_412 = arith.constant 0 : i32
    %dma_start3A_413 = arith.constant 0 : i32
    %dma_start3A_414 = tpu.memref_slice %arg8[%dma_start3A_402, %dma_start3A_412, %dma_start3A_413] : memref<5x128x128xf32, #tpu.memory_space<vmem>> -> memref<1x128x128xf32, #tpu.memory_space<vmem>>
    %dma_start3A_415 = tpu.memref_squeeze %dma_start3A_414 : memref<1x128x128xf32, #tpu.memory_space<vmem>> -> memref<128x128xf32, #tpu.memory_space<vmem>>
    %dma_start3A_416 = arith.constant 0 : i32
    %dma_start3A_417 = tpu.memref_slice %arg2[%add3A_401, %dma_start3A_416] : memref<100000x128xf32, #tpu.memory_space<hbm>> -> memref<128x128xf32, #tpu.memory_space<hbm>>
    tpu.enqueue_dma source(%dma_start3A_417 : memref<128x128xf32, #tpu.memory_space<hbm>>) target(%dma_start3A_415 : memref<128x128xf32, #tpu.memory_space<vmem>>) target_semaphore(%dma_start3A_411 : memref<!tpu.dma_semaphore, #tpu.memory_space<semaphore_mem>>)
    %dma_wait3A_418 = arith.constant 2 : i32
    %dma_wait3A_419 = arith.constant 2 : i32
    %dma_wait3A_420 = arith.constant 0 : i32
    %dma_wait3A_421 = arith.constant 0 : i32
    %dma_wait3A_422 = tpu.memref_slice %arg8[%dma_wait3A_418, %dma_wait3A_420, %dma_wait3A_421] : memref<5x128x128xf32, #tpu.memory_space<vmem>> -> memref<1x128x128xf32, #tpu.memory_space<vmem>>
    %dma_wait3A_423 = tpu.memref_squeeze %dma_wait3A_422 : memref<1x128x128xf32, #tpu.memory_space<vmem>> -> memref<128x128xf32, #tpu.memory_space<vmem>>
    %dma_wait3A_424 = arith.constant 0 : i32
    %dma_wait3A_425 = tpu.memref_slice %arg2[%add3A_232, %dma_wait3A_424] : memref<100000x128xf32, #tpu.memory_space<hbm>> -> memref<128x128xf32, #tpu.memory_space<hbm>>
    %dma_wait3A_426 = tpu.memref_slice %arg10[%dma_wait3A_419] : memref<4x!tpu.dma_semaphore, #tpu.memory_space<semaphore_mem>> -> memref<1x!tpu.dma_semaphore, #tpu.memory_space<semaphore_mem>>
    %dma_wait3A_427 = tpu.memref_squeeze %dma_wait3A_426 : memref<1x!tpu.dma_semaphore, #tpu.memory_space<semaphore_mem>> -> memref<!tpu.dma_semaphore, #tpu.memory_space<semaphore_mem>>
    %dma_wait3A_428 = arith.constant 0 : i32
    %dma_wait3A_429 = arith.constant 0 : i32
    %dma_wait3A_430 = tpu.memref_slice %arg8[%dma_wait3A_418, %dma_wait3A_428, %dma_wait3A_429] : memref<5x128x128xf32, #tpu.memory_space<vmem>> -> memref<1x128x128xf32, #tpu.memory_space<vmem>>
    %dma_wait3A_431 = tpu.memref_squeeze %dma_wait3A_430 : memref<1x128x128xf32, #tpu.memory_space<vmem>> -> memref<128x128xf32, #tpu.memory_space<vmem>>
    %dma_wait3A_432 = arith.constant 0 : i32
    %dma_wait3A_433 = tpu.memref_slice %arg2[%add3A_232, %dma_wait3A_432] : memref<100000x128xf32, #tpu.memory_space<hbm>> -> memref<128x128xf32, #tpu.memory_space<hbm>>
    tpu.wait_dma2 semaphore(%dma_wait3A_427 : memref<!tpu.dma_semaphore, #tpu.memory_space<semaphore_mem>>) src(%dma_wait3A_433 : memref<128x128xf32, #tpu.memory_space<hbm>>) dst(%dma_wait3A_431 : memref<128x128xf32, #tpu.memory_space<vmem>>)
    %dma_wait3A_434 = arith.constant 2 : i32
    %dma_wait3A_435 = arith.constant 2 : i32
    %dma_wait3A_436 = arith.constant 0 : i32
    %dma_wait3A_437 = tpu.memref_slice %arg5[%dma_wait3A_434, %dma_wait3A_436] : memref<13x128xi32, #tpu.memory_space<vmem>> -> memref<1x128xi32, #tpu.memory_space<vmem>>
    %dma_wait3A_438 = tpu.memref_squeeze %dma_wait3A_437 : memref<1x128xi32, #tpu.memory_space<vmem>> -> memref<128xi32, #tpu.memory_space<vmem>>
    %dma_wait3A_439 = tpu.memref_slice %arg3[%add3A_35] : memref<100000xi32, #tpu.memory_space<hbm>> -> memref<128xi32, #tpu.memory_space<hbm>>
    %dma_wait3A_440 = tpu.memref_slice %arg12[%dma_wait3A_435] : memref<13x!tpu.dma_semaphore, #tpu.memory_space<semaphore_mem>> -> memref<1x!tpu.dma_semaphore, #tpu.memory_space<semaphore_mem>>
    %dma_wait3A_441 = tpu.memref_squeeze %dma_wait3A_440 : memref<1x!tpu.dma_semaphore, #tpu.memory_space<semaphore_mem>> -> memref<!tpu.dma_semaphore, #tpu.memory_space<semaphore_mem>>
    %dma_wait3A_442 = arith.constant 0 : i32
    %dma_wait3A_443 = tpu.memref_slice %arg5[%dma_wait3A_434, %dma_wait3A_442] : memref<13x128xi32, #tpu.memory_space<vmem>> -> memref<1x128xi32, #tpu.memory_space<vmem>>
    %dma_wait3A_444 = tpu.memref_squeeze %dma_wait3A_443 : memref<1x128xi32, #tpu.memory_space<vmem>> -> memref<128xi32, #tpu.memory_space<vmem>>
    %dma_wait3A_445 = tpu.memref_slice %arg3[%add3A_35] : memref<100000xi32, #tpu.memory_space<hbm>> -> memref<128xi32, #tpu.memory_space<hbm>>
    tpu.wait_dma2 semaphore(%dma_wait3A_441 : memref<!tpu.dma_semaphore, #tpu.memory_space<semaphore_mem>>) src(%dma_wait3A_445 : memref<128xi32, #tpu.memory_space<hbm>>) dst(%dma_wait3A_444 : memref<128xi32, #tpu.memory_space<vmem>>)
    %dma_start3A_446 = arith.constant 2 : i32
    %dma_start3A_447 = arith.constant 2 : i32
    %dma_start3A_448 = arith.constant 2 : i32
    %dma_start3A_449 = arith.constant 0 : i32
    %dma_start3A_450 = arith.constant 0 : i32
    %dma_start3A_451 = tpu.memref_slice %arg8[%dma_start3A_446, %dma_start3A_449, %dma_start3A_450] : memref<5x128x128xf32, #tpu.memory_space<vmem>> -> memref<1x128x128xf32, #tpu.memory_space<vmem>>
    %dma_start3A_452 = tpu.memref_squeeze %dma_start3A_451 : memref<1x128x128xf32, #tpu.memory_space<vmem>> -> memref<128x128xf32, #tpu.memory_space<vmem>>
    %dma_start3A_453 = arith.constant 0 : i32
    %dma_start3A_454 = tpu.memref_slice %arg5[%dma_start3A_447, %dma_start3A_453] : memref<13x128xi32, #tpu.memory_space<vmem>> -> memref<1x128xi32, #tpu.memory_space<vmem>>
    %dma_start3A_455 = tpu.memref_squeeze %dma_start3A_454 : memref<1x128xi32, #tpu.memory_space<vmem>> -> memref<128xi32, #tpu.memory_space<vmem>>
    %dma_start3A_456 = arith.constant 0 : i32
    %dma_start3A_457 = arith.constant 0 : i32
    %dma_start3A_458 = tpu.memref_slice %arg9[%dma_start3A_456, %dma_start3A_457] : memref<1024x128xf32, #tpu.memory_space<vmem_shared>> -> memref<1024x128xf32, #tpu.memory_space<vmem_shared>>
    %dma_start3A_459 = tpu.memref_slice %arg11[%dma_start3A_448] : memref<4x!tpu.dma_semaphore, #tpu.memory_space<semaphore_mem>> -> memref<1x!tpu.dma_semaphore, #tpu.memory_space<semaphore_mem>>
    %dma_start3A_460 = tpu.memref_squeeze %dma_start3A_459 : memref<1x!tpu.dma_semaphore, #tpu.memory_space<semaphore_mem>> -> memref<!tpu.dma_semaphore, #tpu.memory_space<semaphore_mem>>
    tpu.enqueue_indirect_dma source(%dma_start3A_452 : memref<128x128xf32, #tpu.memory_space<vmem>>) target(%dma_start3A_458 : memref<1024x128xf32, #tpu.memory_space<vmem_shared>>) offsets(%dma_start3A_455 : memref<128xi32, #tpu.memory_space<vmem>>) semaphore(%dma_start3A_460 : memref<!tpu.dma_semaphore, #tpu.memory_space<semaphore_mem>>) {add = true}
    %dma_wait3A_461 = arith.constant 2 : i32
    %dma_wait3A_462 = arith.constant 2 : i32
    %dma_wait3A_463 = arith.constant 2 : i32
    %dma_wait3A_464 = arith.constant 0 : i32
    %dma_wait3A_465 = arith.constant 0 : i32
    %dma_wait3A_466 = tpu.memref_slice %arg8[%dma_wait3A_461, %dma_wait3A_464, %dma_wait3A_465] : memref<5x128x128xf32, #tpu.memory_space<vmem>> -> memref<1x128x128xf32, #tpu.memory_space<vmem>>
    %dma_wait3A_467 = tpu.memref_squeeze %dma_wait3A_466 : memref<1x128x128xf32, #tpu.memory_space<vmem>> -> memref<128x128xf32, #tpu.memory_space<vmem>>
    %dma_wait3A_468 = arith.constant 0 : i32
    %dma_wait3A_469 = tpu.memref_slice %arg5[%dma_wait3A_462, %dma_wait3A_468] : memref<13x128xi32, #tpu.memory_space<vmem>> -> memref<1x128xi32, #tpu.memory_space<vmem>>
    %dma_wait3A_470 = tpu.memref_squeeze %dma_wait3A_469 : memref<1x128xi32, #tpu.memory_space<vmem>> -> memref<128xi32, #tpu.memory_space<vmem>>
    %dma_wait3A_471 = arith.constant 0 : i32
    %dma_wait3A_472 = arith.constant 0 : i32
    %dma_wait3A_473 = tpu.memref_slice %arg9[%dma_wait3A_471, %dma_wait3A_472] : memref<1024x128xf32, #tpu.memory_space<vmem_shared>> -> memref<1024x128xf32, #tpu.memory_space<vmem_shared>>
    %dma_wait3A_474 = tpu.memref_slice %arg11[%dma_wait3A_463] : memref<4x!tpu.dma_semaphore, #tpu.memory_space<semaphore_mem>> -> memref<1x!tpu.dma_semaphore, #tpu.memory_space<semaphore_mem>>
    %dma_wait3A_475 = tpu.memref_squeeze %dma_wait3A_474 : memref<1x!tpu.dma_semaphore, #tpu.memory_space<semaphore_mem>> -> memref<!tpu.dma_semaphore, #tpu.memory_space<semaphore_mem>>
    tpu.wait_indirect_dma semaphore(%dma_wait3A_475 : memref<!tpu.dma_semaphore, #tpu.memory_space<semaphore_mem>>) src(%dma_wait3A_467 : memref<128x128xf32, #tpu.memory_space<vmem>>) dst(%dma_wait3A_473 : memref<1024x128xf32, #tpu.memory_space<vmem_shared>>)
    %add3A_476 = arith.constant 768 : i32
    %add3A_477 = arith.addi %add3A_6, %add3A_476 : i32
    %dma_start3A_478 = arith.constant 2 : i32
    %dma_start3A_479 = arith.constant 2 : i32
    %dma_start3A_480 = arith.constant 0 : i32
    %dma_start3A_481 = arith.constant 0 : i32
    %dma_start3A_482 = tpu.memref_slice %arg8[%dma_start3A_478, %dma_start3A_480, %dma_start3A_481] : memref<5x128x128xf32, #tpu.memory_space<vmem>> -> memref<1x128x128xf32, #tpu.memory_space<vmem>>
    %dma_start3A_483 = tpu.memref_squeeze %dma_start3A_482 : memref<1x128x128xf32, #tpu.memory_space<vmem>> -> memref<128x128xf32, #tpu.memory_space<vmem>>
    %dma_start3A_484 = arith.constant 0 : i32
    %dma_start3A_485 = tpu.memref_slice %arg2[%add3A_477, %dma_start3A_484] : memref<100000x128xf32, #tpu.memory_space<hbm>> -> memref<128x128xf32, #tpu.memory_space<hbm>>
    %dma_start3A_486 = tpu.memref_slice %arg10[%dma_start3A_479] : memref<4x!tpu.dma_semaphore, #tpu.memory_space<semaphore_mem>> -> memref<1x!tpu.dma_semaphore, #tpu.memory_space<semaphore_mem>>
    %dma_start3A_487 = tpu.memref_squeeze %dma_start3A_486 : memref<1x!tpu.dma_semaphore, #tpu.memory_space<semaphore_mem>> -> memref<!tpu.dma_semaphore, #tpu.memory_space<semaphore_mem>>
    %dma_start3A_488 = arith.constant 0 : i32
    %dma_start3A_489 = arith.constant 0 : i32
    %dma_start3A_490 = tpu.memref_slice %arg8[%dma_start3A_478, %dma_start3A_488, %dma_start3A_489] : memref<5x128x128xf32, #tpu.memory_space<vmem>> -> memref<1x128x128xf32, #tpu.memory_space<vmem>>
    %dma_start3A_491 = tpu.memref_squeeze %dma_start3A_490 : memref<1x128x128xf32, #tpu.memory_space<vmem>> -> memref<128x128xf32, #tpu.memory_space<vmem>>
    %dma_start3A_492 = arith.constant 0 : i32
    %dma_start3A_493 = tpu.memref_slice %arg2[%add3A_477, %dma_start3A_492] : memref<100000x128xf32, #tpu.memory_space<hbm>> -> memref<128x128xf32, #tpu.memory_space<hbm>>
    tpu.enqueue_dma source(%dma_start3A_493 : memref<128x128xf32, #tpu.memory_space<hbm>>) target(%dma_start3A_491 : memref<128x128xf32, #tpu.memory_space<vmem>>) target_semaphore(%dma_start3A_487 : memref<!tpu.dma_semaphore, #tpu.memory_space<semaphore_mem>>)
    %dma_wait3A_494 = arith.constant 3 : i32
    %dma_wait3A_495 = arith.constant 3 : i32
    %dma_wait3A_496 = arith.constant 0 : i32
    %dma_wait3A_497 = arith.constant 0 : i32
    %dma_wait3A_498 = tpu.memref_slice %arg8[%dma_wait3A_494, %dma_wait3A_496, %dma_wait3A_497] : memref<5x128x128xf32, #tpu.memory_space<vmem>> -> memref<1x128x128xf32, #tpu.memory_space<vmem>>
    %dma_wait3A_499 = tpu.memref_squeeze %dma_wait3A_498 : memref<1x128x128xf32, #tpu.memory_space<vmem>> -> memref<128x128xf32, #tpu.memory_space<vmem>>
    %dma_wait3A_500 = arith.constant 0 : i32
    %dma_wait3A_501 = tpu.memref_slice %arg2[%add3A_250, %dma_wait3A_500] : memref<100000x128xf32, #tpu.memory_space<hbm>> -> memref<128x128xf32, #tpu.memory_space<hbm>>
    %dma_wait3A_502 = tpu.memref_slice %arg10[%dma_wait3A_495] : memref<4x!tpu.dma_semaphore, #tpu.memory_space<semaphore_mem>> -> memref<1x!tpu.dma_semaphore, #tpu.memory_space<semaphore_mem>>
    %dma_wait3A_503 = tpu.memref_squeeze %dma_wait3A_502 : memref<1x!tpu.dma_semaphore, #tpu.memory_space<semaphore_mem>> -> memref<!tpu.dma_semaphore, #tpu.memory_space<semaphore_mem>>
    %dma_wait3A_504 = arith.constant 0 : i32
    %dma_wait3A_505 = arith.constant 0 : i32
    %dma_wait3A_506 = tpu.memref_slice %arg8[%dma_wait3A_494, %dma_wait3A_504, %dma_wait3A_505] : memref<5x128x128xf32, #tpu.memory_space<vmem>> -> memref<1x128x128xf32, #tpu.memory_space<vmem>>
    %dma_wait3A_507 = tpu.memref_squeeze %dma_wait3A_506 : memref<1x128x128xf32, #tpu.memory_space<vmem>> -> memref<128x128xf32, #tpu.memory_space<vmem>>
    %dma_wait3A_508 = arith.constant 0 : i32
    %dma_wait3A_509 = tpu.memref_slice %arg2[%add3A_250, %dma_wait3A_508] : memref<100000x128xf32, #tpu.memory_space<hbm>> -> memref<128x128xf32, #tpu.memory_space<hbm>>
    tpu.wait_dma2 semaphore(%dma_wait3A_503 : memref<!tpu.dma_semaphore, #tpu.memory_space<semaphore_mem>>) src(%dma_wait3A_509 : memref<128x128xf32, #tpu.memory_space<hbm>>) dst(%dma_wait3A_507 : memref<128x128xf32, #tpu.memory_space<vmem>>)
    %dma_wait3A_510 = arith.constant 3 : i32
    %dma_wait3A_511 = arith.constant 3 : i32
    %dma_wait3A_512 = arith.constant 0 : i32
    %dma_wait3A_513 = tpu.memref_slice %arg5[%dma_wait3A_510, %dma_wait3A_512] : memref<13x128xi32, #tpu.memory_space<vmem>> -> memref<1x128xi32, #tpu.memory_space<vmem>>
    %dma_wait3A_514 = tpu.memref_squeeze %dma_wait3A_513 : memref<1x128xi32, #tpu.memory_space<vmem>> -> memref<128xi32, #tpu.memory_space<vmem>>
    %dma_wait3A_515 = tpu.memref_slice %arg3[%add3A_49] : memref<100000xi32, #tpu.memory_space<hbm>> -> memref<128xi32, #tpu.memory_space<hbm>>
    %dma_wait3A_516 = tpu.memref_slice %arg12[%dma_wait3A_511] : memref<13x!tpu.dma_semaphore, #tpu.memory_space<semaphore_mem>> -> memref<1x!tpu.dma_semaphore, #tpu.memory_space<semaphore_mem>>
    %dma_wait3A_517 = tpu.memref_squeeze %dma_wait3A_516 : memref<1x!tpu.dma_semaphore, #tpu.memory_space<semaphore_mem>> -> memref<!tpu.dma_semaphore, #tpu.memory_space<semaphore_mem>>
    %dma_wait3A_518 = arith.constant 0 : i32
    %dma_wait3A_519 = tpu.memref_slice %arg5[%dma_wait3A_510, %dma_wait3A_518] : memref<13x128xi32, #tpu.memory_space<vmem>> -> memref<1x128xi32, #tpu.memory_space<vmem>>
    %dma_wait3A_520 = tpu.memref_squeeze %dma_wait3A_519 : memref<1x128xi32, #tpu.memory_space<vmem>> -> memref<128xi32, #tpu.memory_space<vmem>>
    %dma_wait3A_521 = tpu.memref_slice %arg3[%add3A_49] : memref<100000xi32, #tpu.memory_space<hbm>> -> memref<128xi32, #tpu.memory_space<hbm>>
    tpu.wait_dma2 semaphore(%dma_wait3A_517 : memref<!tpu.dma_semaphore, #tpu.memory_space<semaphore_mem>>) src(%dma_wait3A_521 : memref<128xi32, #tpu.memory_space<hbm>>) dst(%dma_wait3A_520 : memref<128xi32, #tpu.memory_space<vmem>>)
    %dma_start3A_522 = arith.constant 3 : i32
    %dma_start3A_523 = arith.constant 3 : i32
    %dma_start3A_524 = arith.constant 3 : i32
    %dma_start3A_525 = arith.constant 0 : i32
    %dma_start3A_526 = arith.constant 0 : i32
    %dma_start3A_527 = tpu.memref_slice %arg8[%dma_start3A_522, %dma_start3A_525, %dma_start3A_526] : memref<5x128x128xf32, #tpu.memory_space<vmem>> -> memref<1x128x128xf32, #tpu.memory_space<vmem>>
    %dma_start3A_528 = tpu.memref_squeeze %dma_start3A_527 : memref<1x128x128xf32, #tpu.memory_space<vmem>> -> memref<128x128xf32, #tpu.memory_space<vmem>>
    %dma_start3A_529 = arith.constant 0 : i32
    %dma_start3A_530 = tpu.memref_slice %arg5[%dma_start3A_523, %dma_start3A_529] : memref<13x128xi32, #tpu.memory_space<vmem>> -> memref<1x128xi32, #tpu.memory_space<vmem>>
    %dma_start3A_531 = tpu.memref_squeeze %dma_start3A_530 : memref<1x128xi32, #tpu.memory_space<vmem>> -> memref<128xi32, #tpu.memory_space<vmem>>
    %dma_start3A_532 = arith.constant 0 : i32
    %dma_start3A_533 = arith.constant 0 : i32
    %dma_start3A_534 = tpu.memref_slice %arg9[%dma_start3A_532, %dma_start3A_533] : memref<1024x128xf32, #tpu.memory_space<vmem_shared>> -> memref<1024x128xf32, #tpu.memory_space<vmem_shared>>
    %dma_start3A_535 = tpu.memref_slice %arg11[%dma_start3A_524] : memref<4x!tpu.dma_semaphore, #tpu.memory_space<semaphore_mem>> -> memref<1x!tpu.dma_semaphore, #tpu.memory_space<semaphore_mem>>
    %dma_start3A_536 = tpu.memref_squeeze %dma_start3A_535 : memref<1x!tpu.dma_semaphore, #tpu.memory_space<semaphore_mem>> -> memref<!tpu.dma_semaphore, #tpu.memory_space<semaphore_mem>>
    tpu.enqueue_indirect_dma source(%dma_start3A_528 : memref<128x128xf32, #tpu.memory_space<vmem>>) target(%dma_start3A_534 : memref<1024x128xf32, #tpu.memory_space<vmem_shared>>) offsets(%dma_start3A_531 : memref<128xi32, #tpu.memory_space<vmem>>) semaphore(%dma_start3A_536 : memref<!tpu.dma_semaphore, #tpu.memory_space<semaphore_mem>>) {add = true}
    %dma_wait3A_537 = arith.constant 3 : i32
    %dma_wait3A_538 = arith.constant 3 : i32
    %dma_wait3A_539 = arith.constant 3 : i32
    %dma_wait3A_540 = arith.constant 0 : i32
    %dma_wait3A_541 = arith.constant 0 : i32
    %dma_wait3A_542 = tpu.memref_slice %arg8[%dma_wait3A_537, %dma_wait3A_540, %dma_wait3A_541] : memref<5x128x128xf32, #tpu.memory_space<vmem>> -> memref<1x128x128xf32, #tpu.memory_space<vmem>>
    %dma_wait3A_543 = tpu.memref_squeeze %dma_wait3A_542 : memref<1x128x128xf32, #tpu.memory_space<vmem>> -> memref<128x128xf32, #tpu.memory_space<vmem>>
    %dma_wait3A_544 = arith.constant 0 : i32
    %dma_wait3A_545 = tpu.memref_slice %arg5[%dma_wait3A_538, %dma_wait3A_544] : memref<13x128xi32, #tpu.memory_space<vmem>> -> memref<1x128xi32, #tpu.memory_space<vmem>>
    %dma_wait3A_546 = tpu.memref_squeeze %dma_wait3A_545 : memref<1x128xi32, #tpu.memory_space<vmem>> -> memref<128xi32, #tpu.memory_space<vmem>>
    %dma_wait3A_547 = arith.constant 0 : i32
    %dma_wait3A_548 = arith.constant 0 : i32
    %dma_wait3A_549 = tpu.memref_slice %arg9[%dma_wait3A_547, %dma_wait3A_548] : memref<1024x128xf32, #tpu.memory_space<vmem_shared>> -> memref<1024x128xf32, #tpu.memory_space<vmem_shared>>
    %dma_wait3A_550 = tpu.memref_slice %arg11[%dma_wait3A_539] : memref<4x!tpu.dma_semaphore, #tpu.memory_space<semaphore_mem>> -> memref<1x!tpu.dma_semaphore, #tpu.memory_space<semaphore_mem>>
    %dma_wait3A_551 = tpu.memref_squeeze %dma_wait3A_550 : memref<1x!tpu.dma_semaphore, #tpu.memory_space<semaphore_mem>> -> memref<!tpu.dma_semaphore, #tpu.memory_space<semaphore_mem>>
    tpu.wait_indirect_dma semaphore(%dma_wait3A_551 : memref<!tpu.dma_semaphore, #tpu.memory_space<semaphore_mem>>) src(%dma_wait3A_543 : memref<128x128xf32, #tpu.memory_space<vmem>>) dst(%dma_wait3A_549 : memref<1024x128xf32, #tpu.memory_space<vmem_shared>>)
    %add3A_552 = arith.constant 896 : i32
    %add3A_553 = arith.addi %add3A_6, %add3A_552 : i32
    %dma_start3A_554 = arith.constant 3 : i32
    %dma_start3A_555 = arith.constant 3 : i32
    %dma_start3A_556 = arith.constant 0 : i32
    %dma_start3A_557 = arith.constant 0 : i32
    %dma_start3A_558 = tpu.memref_slice %arg8[%dma_start3A_554, %dma_start3A_556, %dma_start3A_557] : memref<5x128x128xf32, #tpu.memory_space<vmem>> -> memref<1x128x128xf32, #tpu.memory_space<vmem>>
    %dma_start3A_559 = tpu.memref_squeeze %dma_start3A_558 : memref<1x128x128xf32, #tpu.memory_space<vmem>> -> memref<128x128xf32, #tpu.memory_space<vmem>>
    %dma_start3A_560 = arith.constant 0 : i32
    %dma_start3A_561 = tpu.memref_slice %arg2[%add3A_553, %dma_start3A_560] : memref<100000x128xf32, #tpu.memory_space<hbm>> -> memref<128x128xf32, #tpu.memory_space<hbm>>
    %dma_start3A_562 = tpu.memref_slice %arg10[%dma_start3A_555] : memref<4x!tpu.dma_semaphore, #tpu.memory_space<semaphore_mem>> -> memref<1x!tpu.dma_semaphore, #tpu.memory_space<semaphore_mem>>
    %dma_start3A_563 = tpu.memref_squeeze %dma_start3A_562 : memref<1x!tpu.dma_semaphore, #tpu.memory_space<semaphore_mem>> -> memref<!tpu.dma_semaphore, #tpu.memory_space<semaphore_mem>>
    %dma_start3A_564 = arith.constant 0 : i32
    %dma_start3A_565 = arith.constant 0 : i32
    %dma_start3A_566 = tpu.memref_slice %arg8[%dma_start3A_554, %dma_start3A_564, %dma_start3A_565] : memref<5x128x128xf32, #tpu.memory_space<vmem>> -> memref<1x128x128xf32, #tpu.memory_space<vmem>>
    %dma_start3A_567 = tpu.memref_squeeze %dma_start3A_566 : memref<1x128x128xf32, #tpu.memory_space<vmem>> -> memref<128x128xf32, #tpu.memory_space<vmem>>
    %dma_start3A_568 = arith.constant 0 : i32
    %dma_start3A_569 = tpu.memref_slice %arg2[%add3A_553, %dma_start3A_568] : memref<100000x128xf32, #tpu.memory_space<hbm>> -> memref<128x128xf32, #tpu.memory_space<hbm>>
    tpu.enqueue_dma source(%dma_start3A_569 : memref<128x128xf32, #tpu.memory_space<hbm>>) target(%dma_start3A_567 : memref<128x128xf32, #tpu.memory_space<vmem>>) target_semaphore(%dma_start3A_563 : memref<!tpu.dma_semaphore, #tpu.memory_space<semaphore_mem>>)
    %dma_wait3A_570 = arith.constant 0 : i32
    %dma_wait3A_571 = arith.constant 0 : i32
    %dma_wait3A_572 = arith.constant 0 : i32
    %dma_wait3A_573 = arith.constant 0 : i32
    %dma_wait3A_574 = tpu.memref_slice %arg8[%dma_wait3A_570, %dma_wait3A_572, %dma_wait3A_573] : memref<5x128x128xf32, #tpu.memory_space<vmem>> -> memref<1x128x128xf32, #tpu.memory_space<vmem>>
    %dma_wait3A_575 = tpu.memref_squeeze %dma_wait3A_574 : memref<1x128x128xf32, #tpu.memory_space<vmem>> -> memref<128x128xf32, #tpu.memory_space<vmem>>
    %dma_wait3A_576 = arith.constant 0 : i32
    %dma_wait3A_577 = tpu.memref_slice %arg2[%add3A_325, %dma_wait3A_576] : memref<100000x128xf32, #tpu.memory_space<hbm>> -> memref<128x128xf32, #tpu.memory_space<hbm>>
    %dma_wait3A_578 = tpu.memref_slice %arg10[%dma_wait3A_571] : memref<4x!tpu.dma_semaphore, #tpu.memory_space<semaphore_mem>> -> memref<1x!tpu.dma_semaphore, #tpu.memory_space<semaphore_mem>>
    %dma_wait3A_579 = tpu.memref_squeeze %dma_wait3A_578 : memref<1x!tpu.dma_semaphore, #tpu.memory_space<semaphore_mem>> -> memref<!tpu.dma_semaphore, #tpu.memory_space<semaphore_mem>>
    %dma_wait3A_580 = arith.constant 0 : i32
    %dma_wait3A_581 = arith.constant 0 : i32
    %dma_wait3A_582 = tpu.memref_slice %arg8[%dma_wait3A_570, %dma_wait3A_580, %dma_wait3A_581] : memref<5x128x128xf32, #tpu.memory_space<vmem>> -> memref<1x128x128xf32, #tpu.memory_space<vmem>>
    %dma_wait3A_583 = tpu.memref_squeeze %dma_wait3A_582 : memref<1x128x128xf32, #tpu.memory_space<vmem>> -> memref<128x128xf32, #tpu.memory_space<vmem>>
    %dma_wait3A_584 = arith.constant 0 : i32
    %dma_wait3A_585 = tpu.memref_slice %arg2[%add3A_325, %dma_wait3A_584] : memref<100000x128xf32, #tpu.memory_space<hbm>> -> memref<128x128xf32, #tpu.memory_space<hbm>>
    tpu.wait_dma2 semaphore(%dma_wait3A_579 : memref<!tpu.dma_semaphore, #tpu.memory_space<semaphore_mem>>) src(%dma_wait3A_585 : memref<128x128xf32, #tpu.memory_space<hbm>>) dst(%dma_wait3A_583 : memref<128x128xf32, #tpu.memory_space<vmem>>)
    %dma_wait3A_586 = arith.constant 4 : i32
    %dma_wait3A_587 = arith.constant 4 : i32
    %dma_wait3A_588 = arith.constant 0 : i32
    %dma_wait3A_589 = tpu.memref_slice %arg5[%dma_wait3A_586, %dma_wait3A_588] : memref<13x128xi32, #tpu.memory_space<vmem>> -> memref<1x128xi32, #tpu.memory_space<vmem>>
    %dma_wait3A_590 = tpu.memref_squeeze %dma_wait3A_589 : memref<1x128xi32, #tpu.memory_space<vmem>> -> memref<128xi32, #tpu.memory_space<vmem>>
    %dma_wait3A_591 = tpu.memref_slice %arg3[%add3A_63] : memref<100000xi32, #tpu.memory_space<hbm>> -> memref<128xi32, #tpu.memory_space<hbm>>
    %dma_wait3A_592 = tpu.memref_slice %arg12[%dma_wait3A_587] : memref<13x!tpu.dma_semaphore, #tpu.memory_space<semaphore_mem>> -> memref<1x!tpu.dma_semaphore, #tpu.memory_space<semaphore_mem>>
    %dma_wait3A_593 = tpu.memref_squeeze %dma_wait3A_592 : memref<1x!tpu.dma_semaphore, #tpu.memory_space<semaphore_mem>> -> memref<!tpu.dma_semaphore, #tpu.memory_space<semaphore_mem>>
    %dma_wait3A_594 = arith.constant 0 : i32
    %dma_wait3A_595 = tpu.memref_slice %arg5[%dma_wait3A_586, %dma_wait3A_594] : memref<13x128xi32, #tpu.memory_space<vmem>> -> memref<1x128xi32, #tpu.memory_space<vmem>>
    %dma_wait3A_596 = tpu.memref_squeeze %dma_wait3A_595 : memref<1x128xi32, #tpu.memory_space<vmem>> -> memref<128xi32, #tpu.memory_space<vmem>>
    %dma_wait3A_597 = tpu.memref_slice %arg3[%add3A_63] : memref<100000xi32, #tpu.memory_space<hbm>> -> memref<128xi32, #tpu.memory_space<hbm>>
    tpu.wait_dma2 semaphore(%dma_wait3A_593 : memref<!tpu.dma_semaphore, #tpu.memory_space<semaphore_mem>>) src(%dma_wait3A_597 : memref<128xi32, #tpu.memory_space<hbm>>) dst(%dma_wait3A_596 : memref<128xi32, #tpu.memory_space<vmem>>)
    %dma_start3A_598 = arith.constant 0 : i32
    %dma_start3A_599 = arith.constant 4 : i32
    %dma_start3A_600 = arith.constant 0 : i32
    %dma_start3A_601 = arith.constant 0 : i32
    %dma_start3A_602 = arith.constant 0 : i32
    %dma_start3A_603 = tpu.memref_slice %arg8[%dma_start3A_598, %dma_start3A_601, %dma_start3A_602] : memref<5x128x128xf32, #tpu.memory_space<vmem>> -> memref<1x128x128xf32, #tpu.memory_space<vmem>>
    %dma_start3A_604 = tpu.memref_squeeze %dma_start3A_603 : memref<1x128x128xf32, #tpu.memory_space<vmem>> -> memref<128x128xf32, #tpu.memory_space<vmem>>
    %dma_start3A_605 = arith.constant 0 : i32
    %dma_start3A_606 = tpu.memref_slice %arg5[%dma_start3A_599, %dma_start3A_605] : memref<13x128xi32, #tpu.memory_space<vmem>> -> memref<1x128xi32, #tpu.memory_space<vmem>>
    %dma_start3A_607 = tpu.memref_squeeze %dma_start3A_606 : memref<1x128xi32, #tpu.memory_space<vmem>> -> memref<128xi32, #tpu.memory_space<vmem>>
    %dma_start3A_608 = arith.constant 0 : i32
    %dma_start3A_609 = arith.constant 0 : i32
    %dma_start3A_610 = tpu.memref_slice %arg9[%dma_start3A_608, %dma_start3A_609] : memref<1024x128xf32, #tpu.memory_space<vmem_shared>> -> memref<1024x128xf32, #tpu.memory_space<vmem_shared>>
    %dma_start3A_611 = tpu.memref_slice %arg11[%dma_start3A_600] : memref<4x!tpu.dma_semaphore, #tpu.memory_space<semaphore_mem>> -> memref<1x!tpu.dma_semaphore, #tpu.memory_space<semaphore_mem>>
    %dma_start3A_612 = tpu.memref_squeeze %dma_start3A_611 : memref<1x!tpu.dma_semaphore, #tpu.memory_space<semaphore_mem>> -> memref<!tpu.dma_semaphore, #tpu.memory_space<semaphore_mem>>
    tpu.enqueue_indirect_dma source(%dma_start3A_604 : memref<128x128xf32, #tpu.memory_space<vmem>>) target(%dma_start3A_610 : memref<1024x128xf32, #tpu.memory_space<vmem_shared>>) offsets(%dma_start3A_607 : memref<128xi32, #tpu.memory_space<vmem>>) semaphore(%dma_start3A_612 : memref<!tpu.dma_semaphore, #tpu.memory_space<semaphore_mem>>) {add = true}
    %dma_wait3A_613 = arith.constant 0 : i32
    %dma_wait3A_614 = arith.constant 4 : i32
    %dma_wait3A_615 = arith.constant 0 : i32
    %dma_wait3A_616 = arith.constant 0 : i32
    %dma_wait3A_617 = arith.constant 0 : i32
    %dma_wait3A_618 = tpu.memref_slice %arg8[%dma_wait3A_613, %dma_wait3A_616, %dma_wait3A_617] : memref<5x128x128xf32, #tpu.memory_space<vmem>> -> memref<1x128x128xf32, #tpu.memory_space<vmem>>
    %dma_wait3A_619 = tpu.memref_squeeze %dma_wait3A_618 : memref<1x128x128xf32, #tpu.memory_space<vmem>> -> memref<128x128xf32, #tpu.memory_space<vmem>>
    %dma_wait3A_620 = arith.constant 0 : i32
    %dma_wait3A_621 = tpu.memref_slice %arg5[%dma_wait3A_614, %dma_wait3A_620] : memref<13x128xi32, #tpu.memory_space<vmem>> -> memref<1x128xi32, #tpu.memory_space<vmem>>
    %dma_wait3A_622 = tpu.memref_squeeze %dma_wait3A_621 : memref<1x128xi32, #tpu.memory_space<vmem>> -> memref<128xi32, #tpu.memory_space<vmem>>
    %dma_wait3A_623 = arith.constant 0 : i32
    %dma_wait3A_624 = arith.constant 0 : i32
    %dma_wait3A_625 = tpu.memref_slice %arg9[%dma_wait3A_623, %dma_wait3A_624] : memref<1024x128xf32, #tpu.memory_space<vmem_shared>> -> memref<1024x128xf32, #tpu.memory_space<vmem_shared>>
    %dma_wait3A_626 = tpu.memref_slice %arg11[%dma_wait3A_615] : memref<4x!tpu.dma_semaphore, #tpu.memory_space<semaphore_mem>> -> memref<1x!tpu.dma_semaphore, #tpu.memory_space<semaphore_mem>>
    %dma_wait3A_627 = tpu.memref_squeeze %dma_wait3A_626 : memref<1x!tpu.dma_semaphore, #tpu.memory_space<semaphore_mem>> -> memref<!tpu.dma_semaphore, #tpu.memory_space<semaphore_mem>>
    tpu.wait_indirect_dma semaphore(%dma_wait3A_627 : memref<!tpu.dma_semaphore, #tpu.memory_space<semaphore_mem>>) src(%dma_wait3A_619 : memref<128x128xf32, #tpu.memory_space<vmem>>) dst(%dma_wait3A_625 : memref<1024x128xf32, #tpu.memory_space<vmem_shared>>)
    %add3A_628 = arith.constant 1024 : i32
    %add3A_629 = arith.addi %add3A_6, %add3A_628 : i32
    %dma_start3A_630 = arith.constant 0 : i32
    %dma_start3A_631 = arith.constant 0 : i32
    %dma_start3A_632 = arith.constant 0 : i32
    %dma_start3A_633 = arith.constant 0 : i32
    %dma_start3A_634 = tpu.memref_slice %arg8[%dma_start3A_630, %dma_start3A_632, %dma_start3A_633] : memref<5x128x128xf32, #tpu.memory_space<vmem>> -> memref<1x128x128xf32, #tpu.memory_space<vmem>>
    %dma_start3A_635 = tpu.memref_squeeze %dma_start3A_634 : memref<1x128x128xf32, #tpu.memory_space<vmem>> -> memref<128x128xf32, #tpu.memory_space<vmem>>
    %dma_start3A_636 = arith.constant 0 : i32
    %dma_start3A_637 = tpu.memref_slice %arg2[%add3A_629, %dma_start3A_636] : memref<100000x128xf32, #tpu.memory_space<hbm>> -> memref<128x128xf32, #tpu.memory_space<hbm>>
    %dma_start3A_638 = tpu.memref_slice %arg10[%dma_start3A_631] : memref<4x!tpu.dma_semaphore, #tpu.memory_space<semaphore_mem>> -> memref<1x!tpu.dma_semaphore, #tpu.memory_space<semaphore_mem>>
    %dma_start3A_639 = tpu.memref_squeeze %dma_start3A_638 : memref<1x!tpu.dma_semaphore, #tpu.memory_space<semaphore_mem>> -> memref<!tpu.dma_semaphore, #tpu.memory_space<semaphore_mem>>
    %dma_start3A_640 = arith.constant 0 : i32
    %dma_start3A_641 = arith.constant 0 : i32
    %dma_start3A_642 = tpu.memref_slice %arg8[%dma_start3A_630, %dma_start3A_640, %dma_start3A_641] : memref<5x128x128xf32, #tpu.memory_space<vmem>> -> memref<1x128x128xf32, #tpu.memory_space<vmem>>
    %dma_start3A_643 = tpu.memref_squeeze %dma_start3A_642 : memref<1x128x128xf32, #tpu.memory_space<vmem>> -> memref<128x128xf32, #tpu.memory_space<vmem>>
    %dma_start3A_644 = arith.constant 0 : i32
    %dma_start3A_645 = tpu.memref_slice %arg2[%add3A_629, %dma_start3A_644] : memref<100000x128xf32, #tpu.memory_space<hbm>> -> memref<128x128xf32, #tpu.memory_space<hbm>>
    tpu.enqueue_dma source(%dma_start3A_645 : memref<128x128xf32, #tpu.memory_space<hbm>>) target(%dma_start3A_643 : memref<128x128xf32, #tpu.memory_space<vmem>>) target_semaphore(%dma_start3A_639 : memref<!tpu.dma_semaphore, #tpu.memory_space<semaphore_mem>>)
    %dma_wait3A_646 = arith.constant 1 : i32
    %dma_wait3A_647 = arith.constant 1 : i32
    %dma_wait3A_648 = arith.constant 0 : i32
    %dma_wait3A_649 = arith.constant 0 : i32
    %dma_wait3A_650 = tpu.memref_slice %arg8[%dma_wait3A_646, %dma_wait3A_648, %dma_wait3A_649] : memref<5x128x128xf32, #tpu.memory_space<vmem>> -> memref<1x128x128xf32, #tpu.memory_space<vmem>>
    %dma_wait3A_651 = tpu.memref_squeeze %dma_wait3A_650 : memref<1x128x128xf32, #tpu.memory_space<vmem>> -> memref<128x128xf32, #tpu.memory_space<vmem>>
    %dma_wait3A_652 = arith.constant 0 : i32
    %dma_wait3A_653 = tpu.memref_slice %arg2[%add3A_401, %dma_wait3A_652] : memref<100000x128xf32, #tpu.memory_space<hbm>> -> memref<128x128xf32, #tpu.memory_space<hbm>>
    %dma_wait3A_654 = tpu.memref_slice %arg10[%dma_wait3A_647] : memref<4x!tpu.dma_semaphore, #tpu.memory_space<semaphore_mem>> -> memref<1x!tpu.dma_semaphore, #tpu.memory_space<semaphore_mem>>
    %dma_wait3A_655 = tpu.memref_squeeze %dma_wait3A_654 : memref<1x!tpu.dma_semaphore, #tpu.memory_space<semaphore_mem>> -> memref<!tpu.dma_semaphore, #tpu.memory_space<semaphore_mem>>
    %dma_wait3A_656 = arith.constant 0 : i32
    %dma_wait3A_657 = arith.constant 0 : i32
    %dma_wait3A_658 = tpu.memref_slice %arg8[%dma_wait3A_646, %dma_wait3A_656, %dma_wait3A_657] : memref<5x128x128xf32, #tpu.memory_space<vmem>> -> memref<1x128x128xf32, #tpu.memory_space<vmem>>
    %dma_wait3A_659 = tpu.memref_squeeze %dma_wait3A_658 : memref<1x128x128xf32, #tpu.memory_space<vmem>> -> memref<128x128xf32, #tpu.memory_space<vmem>>
    %dma_wait3A_660 = arith.constant 0 : i32
    %dma_wait3A_661 = tpu.memref_slice %arg2[%add3A_401, %dma_wait3A_660] : memref<100000x128xf32, #tpu.memory_space<hbm>> -> memref<128x128xf32, #tpu.memory_space<hbm>>
    tpu.wait_dma2 semaphore(%dma_wait3A_655 : memref<!tpu.dma_semaphore, #tpu.memory_space<semaphore_mem>>) src(%dma_wait3A_661 : memref<128x128xf32, #tpu.memory_space<hbm>>) dst(%dma_wait3A_659 : memref<128x128xf32, #tpu.memory_space<vmem>>)
    %dma_wait3A_662 = arith.constant 5 : i32
    %dma_wait3A_663 = arith.constant 5 : i32
    %dma_wait3A_664 = arith.constant 0 : i32
    %dma_wait3A_665 = tpu.memref_slice %arg5[%dma_wait3A_662, %dma_wait3A_664] : memref<13x128xi32, #tpu.memory_space<vmem>> -> memref<1x128xi32, #tpu.memory_space<vmem>>
    %dma_wait3A_666 = tpu.memref_squeeze %dma_wait3A_665 : memref<1x128xi32, #tpu.memory_space<vmem>> -> memref<128xi32, #tpu.memory_space<vmem>>
    %dma_wait3A_667 = tpu.memref_slice %arg3[%add3A_77] : memref<100000xi32, #tpu.memory_space<hbm>> -> memref<128xi32, #tpu.memory_space<hbm>>
    %dma_wait3A_668 = tpu.memref_slice %arg12[%dma_wait3A_663] : memref<13x!tpu.dma_semaphore, #tpu.memory_space<semaphore_mem>> -> memref<1x!tpu.dma_semaphore, #tpu.memory_space<semaphore_mem>>
    %dma_wait3A_669 = tpu.memref_squeeze %dma_wait3A_668 : memref<1x!tpu.dma_semaphore, #tpu.memory_space<semaphore_mem>> -> memref<!tpu.dma_semaphore, #tpu.memory_space<semaphore_mem>>
    %dma_wait3A_670 = arith.constant 0 : i32
    %dma_wait3A_671 = tpu.memref_slice %arg5[%dma_wait3A_662, %dma_wait3A_670] : memref<13x128xi32, #tpu.memory_space<vmem>> -> memref<1x128xi32, #tpu.memory_space<vmem>>
    %dma_wait3A_672 = tpu.memref_squeeze %dma_wait3A_671 : memref<1x128xi32, #tpu.memory_space<vmem>> -> memref<128xi32, #tpu.memory_space<vmem>>
    %dma_wait3A_673 = tpu.memref_slice %arg3[%add3A_77] : memref<100000xi32, #tpu.memory_space<hbm>> -> memref<128xi32, #tpu.memory_space<hbm>>
    tpu.wait_dma2 semaphore(%dma_wait3A_669 : memref<!tpu.dma_semaphore, #tpu.memory_space<semaphore_mem>>) src(%dma_wait3A_673 : memref<128xi32, #tpu.memory_space<hbm>>) dst(%dma_wait3A_672 : memref<128xi32, #tpu.memory_space<vmem>>)
    %dma_start3A_674 = arith.constant 1 : i32
    %dma_start3A_675 = arith.constant 5 : i32
    %dma_start3A_676 = arith.constant 1 : i32
    %dma_start3A_677 = arith.constant 0 : i32
    %dma_start3A_678 = arith.constant 0 : i32
    %dma_start3A_679 = tpu.memref_slice %arg8[%dma_start3A_674, %dma_start3A_677, %dma_start3A_678] : memref<5x128x128xf32, #tpu.memory_space<vmem>> -> memref<1x128x128xf32, #tpu.memory_space<vmem>>
    %dma_start3A_680 = tpu.memref_squeeze %dma_start3A_679 : memref<1x128x128xf32, #tpu.memory_space<vmem>> -> memref<128x128xf32, #tpu.memory_space<vmem>>
    %dma_start3A_681 = arith.constant 0 : i32
    %dma_start3A_682 = tpu.memref_slice %arg5[%dma_start3A_675, %dma_start3A_681] : memref<13x128xi32, #tpu.memory_space<vmem>> -> memref<1x128xi32, #tpu.memory_space<vmem>>
    %dma_start3A_683 = tpu.memref_squeeze %dma_start3A_682 : memref<1x128xi32, #tpu.memory_space<vmem>> -> memref<128xi32, #tpu.memory_space<vmem>>
    %dma_start3A_684 = arith.constant 0 : i32
    %dma_start3A_685 = arith.constant 0 : i32
    %dma_start3A_686 = tpu.memref_slice %arg9[%dma_start3A_684, %dma_start3A_685] : memref<1024x128xf32, #tpu.memory_space<vmem_shared>> -> memref<1024x128xf32, #tpu.memory_space<vmem_shared>>
    %dma_start3A_687 = tpu.memref_slice %arg11[%dma_start3A_676] : memref<4x!tpu.dma_semaphore, #tpu.memory_space<semaphore_mem>> -> memref<1x!tpu.dma_semaphore, #tpu.memory_space<semaphore_mem>>
    %dma_start3A_688 = tpu.memref_squeeze %dma_start3A_687 : memref<1x!tpu.dma_semaphore, #tpu.memory_space<semaphore_mem>> -> memref<!tpu.dma_semaphore, #tpu.memory_space<semaphore_mem>>
    tpu.enqueue_indirect_dma source(%dma_start3A_680 : memref<128x128xf32, #tpu.memory_space<vmem>>) target(%dma_start3A_686 : memref<1024x128xf32, #tpu.memory_space<vmem_shared>>) offsets(%dma_start3A_683 : memref<128xi32, #tpu.memory_space<vmem>>) semaphore(%dma_start3A_688 : memref<!tpu.dma_semaphore, #tpu.memory_space<semaphore_mem>>) {add = true}
    %dma_wait3A_689 = arith.constant 1 : i32
    %dma_wait3A_690 = arith.constant 5 : i32
    %dma_wait3A_691 = arith.constant 1 : i32
    %dma_wait3A_692 = arith.constant 0 : i32
    %dma_wait3A_693 = arith.constant 0 : i32
    %dma_wait3A_694 = tpu.memref_slice %arg8[%dma_wait3A_689, %dma_wait3A_692, %dma_wait3A_693] : memref<5x128x128xf32, #tpu.memory_space<vmem>> -> memref<1x128x128xf32, #tpu.memory_space<vmem>>
    %dma_wait3A_695 = tpu.memref_squeeze %dma_wait3A_694 : memref<1x128x128xf32, #tpu.memory_space<vmem>> -> memref<128x128xf32, #tpu.memory_space<vmem>>
    %dma_wait3A_696 = arith.constant 0 : i32
    %dma_wait3A_697 = tpu.memref_slice %arg5[%dma_wait3A_690, %dma_wait3A_696] : memref<13x128xi32, #tpu.memory_space<vmem>> -> memref<1x128xi32, #tpu.memory_space<vmem>>
    %dma_wait3A_698 = tpu.memref_squeeze %dma_wait3A_697 : memref<1x128xi32, #tpu.memory_space<vmem>> -> memref<128xi32, #tpu.memory_space<vmem>>
    %dma_wait3A_699 = arith.constant 0 : i32
    %dma_wait3A_700 = arith.constant 0 : i32
    %dma_wait3A_701 = tpu.memref_slice %arg9[%dma_wait3A_699, %dma_wait3A_700] : memref<1024x128xf32, #tpu.memory_space<vmem_shared>> -> memref<1024x128xf32, #tpu.memory_space<vmem_shared>>
    %dma_wait3A_702 = tpu.memref_slice %arg11[%dma_wait3A_691] : memref<4x!tpu.dma_semaphore, #tpu.memory_space<semaphore_mem>> -> memref<1x!tpu.dma_semaphore, #tpu.memory_space<semaphore_mem>>
    %dma_wait3A_703 = tpu.memref_squeeze %dma_wait3A_702 : memref<1x!tpu.dma_semaphore, #tpu.memory_space<semaphore_mem>> -> memref<!tpu.dma_semaphore, #tpu.memory_space<semaphore_mem>>
    tpu.wait_indirect_dma semaphore(%dma_wait3A_703 : memref<!tpu.dma_semaphore, #tpu.memory_space<semaphore_mem>>) src(%dma_wait3A_695 : memref<128x128xf32, #tpu.memory_space<vmem>>) dst(%dma_wait3A_701 : memref<1024x128xf32, #tpu.memory_space<vmem_shared>>)
    %add3A_704 = arith.constant 1152 : i32
    %add3A_705 = arith.addi %add3A_6, %add3A_704 : i32
    %dma_start3A_706 = arith.constant 1 : i32
    %dma_start3A_707 = arith.constant 1 : i32
    %dma_start3A_708 = arith.constant 0 : i32
    %dma_start3A_709 = arith.constant 0 : i32
    %dma_start3A_710 = tpu.memref_slice %arg8[%dma_start3A_706, %dma_start3A_708, %dma_start3A_709] : memref<5x128x128xf32, #tpu.memory_space<vmem>> -> memref<1x128x128xf32, #tpu.memory_space<vmem>>
    %dma_start3A_711 = tpu.memref_squeeze %dma_start3A_710 : memref<1x128x128xf32, #tpu.memory_space<vmem>> -> memref<128x128xf32, #tpu.memory_space<vmem>>
    %dma_start3A_712 = arith.constant 0 : i32
    %dma_start3A_713 = tpu.memref_slice %arg2[%add3A_705, %dma_start3A_712] : memref<100000x128xf32, #tpu.memory_space<hbm>> -> memref<128x128xf32, #tpu.memory_space<hbm>>
    %dma_start3A_714 = tpu.memref_slice %arg10[%dma_start3A_707] : memref<4x!tpu.dma_semaphore, #tpu.memory_space<semaphore_mem>> -> memref<1x!tpu.dma_semaphore, #tpu.memory_space<semaphore_mem>>
    %dma_start3A_715 = tpu.memref_squeeze %dma_start3A_714 : memref<1x!tpu.dma_semaphore, #tpu.memory_space<semaphore_mem>> -> memref<!tpu.dma_semaphore, #tpu.memory_space<semaphore_mem>>
    %dma_start3A_716 = arith.constant 0 : i32
    %dma_start3A_717 = arith.constant 0 : i32
    %dma_start3A_718 = tpu.memref_slice %arg8[%dma_start3A_706, %dma_start3A_716, %dma_start3A_717] : memref<5x128x128xf32, #tpu.memory_space<vmem>> -> memref<1x128x128xf32, #tpu.memory_space<vmem>>
    %dma_start3A_719 = tpu.memref_squeeze %dma_start3A_718 : memref<1x128x128xf32, #tpu.memory_space<vmem>> -> memref<128x128xf32, #tpu.memory_space<vmem>>
    %dma_start3A_720 = arith.constant 0 : i32
    %dma_start3A_721 = tpu.memref_slice %arg2[%add3A_705, %dma_start3A_720] : memref<100000x128xf32, #tpu.memory_space<hbm>> -> memref<128x128xf32, #tpu.memory_space<hbm>>
    tpu.enqueue_dma source(%dma_start3A_721 : memref<128x128xf32, #tpu.memory_space<hbm>>) target(%dma_start3A_719 : memref<128x128xf32, #tpu.memory_space<vmem>>) target_semaphore(%dma_start3A_715 : memref<!tpu.dma_semaphore, #tpu.memory_space<semaphore_mem>>)
    %dma_wait3A_722 = arith.constant 2 : i32
    %dma_wait3A_723 = arith.constant 2 : i32
    %dma_wait3A_724 = arith.constant 0 : i32
    %dma_wait3A_725 = arith.constant 0 : i32
    %dma_wait3A_726 = tpu.memref_slice %arg8[%dma_wait3A_722, %dma_wait3A_724, %dma_wait3A_725] : memref<5x128x128xf32, #tpu.memory_space<vmem>> -> memref<1x128x128xf32, #tpu.memory_space<vmem>>
    %dma_wait3A_727 = tpu.memref_squeeze %dma_wait3A_726 : memref<1x128x128xf32, #tpu.memory_space<vmem>> -> memref<128x128xf32, #tpu.memory_space<vmem>>
    %dma_wait3A_728 = arith.constant 0 : i32
    %dma_wait3A_729 = tpu.memref_slice %arg2[%add3A_477, %dma_wait3A_728] : memref<100000x128xf32, #tpu.memory_space<hbm>> -> memref<128x128xf32, #tpu.memory_space<hbm>>
    %dma_wait3A_730 = tpu.memref_slice %arg10[%dma_wait3A_723] : memref<4x!tpu.dma_semaphore, #tpu.memory_space<semaphore_mem>> -> memref<1x!tpu.dma_semaphore, #tpu.memory_space<semaphore_mem>>
    %dma_wait3A_731 = tpu.memref_squeeze %dma_wait3A_730 : memref<1x!tpu.dma_semaphore, #tpu.memory_space<semaphore_mem>> -> memref<!tpu.dma_semaphore, #tpu.memory_space<semaphore_mem>>
    %dma_wait3A_732 = arith.constant 0 : i32
    %dma_wait3A_733 = arith.constant 0 : i32
    %dma_wait3A_734 = tpu.memref_slice %arg8[%dma_wait3A_722, %dma_wait3A_732, %dma_wait3A_733] : memref<5x128x128xf32, #tpu.memory_space<vmem>> -> memref<1x128x128xf32, #tpu.memory_space<vmem>>
    %dma_wait3A_735 = tpu.memref_squeeze %dma_wait3A_734 : memref<1x128x128xf32, #tpu.memory_space<vmem>> -> memref<128x128xf32, #tpu.memory_space<vmem>>
    %dma_wait3A_736 = arith.constant 0 : i32
    %dma_wait3A_737 = tpu.memref_slice %arg2[%add3A_477, %dma_wait3A_736] : memref<100000x128xf32, #tpu.memory_space<hbm>> -> memref<128x128xf32, #tpu.memory_space<hbm>>
    tpu.wait_dma2 semaphore(%dma_wait3A_731 : memref<!tpu.dma_semaphore, #tpu.memory_space<semaphore_mem>>) src(%dma_wait3A_737 : memref<128x128xf32, #tpu.memory_space<hbm>>) dst(%dma_wait3A_735 : memref<128x128xf32, #tpu.memory_space<vmem>>)
    %dma_wait3A_738 = arith.constant 6 : i32
    %dma_wait3A_739 = arith.constant 6 : i32
    %dma_wait3A_740 = arith.constant 0 : i32
    %dma_wait3A_741 = tpu.memref_slice %arg5[%dma_wait3A_738, %dma_wait3A_740] : memref<13x128xi32, #tpu.memory_space<vmem>> -> memref<1x128xi32, #tpu.memory_space<vmem>>
    %dma_wait3A_742 = tpu.memref_squeeze %dma_wait3A_741 : memref<1x128xi32, #tpu.memory_space<vmem>> -> memref<128xi32, #tpu.memory_space<vmem>>
    %dma_wait3A_743 = tpu.memref_slice %arg3[%add3A_91] : memref<100000xi32, #tpu.memory_space<hbm>> -> memref<128xi32, #tpu.memory_space<hbm>>
    %dma_wait3A_744 = tpu.memref_slice %arg12[%dma_wait3A_739] : memref<13x!tpu.dma_semaphore, #tpu.memory_space<semaphore_mem>> -> memref<1x!tpu.dma_semaphore, #tpu.memory_space<semaphore_mem>>
    %dma_wait3A_745 = tpu.memref_squeeze %dma_wait3A_744 : memref<1x!tpu.dma_semaphore, #tpu.memory_space<semaphore_mem>> -> memref<!tpu.dma_semaphore, #tpu.memory_space<semaphore_mem>>
    %dma_wait3A_746 = arith.constant 0 : i32
    %dma_wait3A_747 = tpu.memref_slice %arg5[%dma_wait3A_738, %dma_wait3A_746] : memref<13x128xi32, #tpu.memory_space<vmem>> -> memref<1x128xi32, #tpu.memory_space<vmem>>
    %dma_wait3A_748 = tpu.memref_squeeze %dma_wait3A_747 : memref<1x128xi32, #tpu.memory_space<vmem>> -> memref<128xi32, #tpu.memory_space<vmem>>
    %dma_wait3A_749 = tpu.memref_slice %arg3[%add3A_91] : memref<100000xi32, #tpu.memory_space<hbm>> -> memref<128xi32, #tpu.memory_space<hbm>>
    tpu.wait_dma2 semaphore(%dma_wait3A_745 : memref<!tpu.dma_semaphore, #tpu.memory_space<semaphore_mem>>) src(%dma_wait3A_749 : memref<128xi32, #tpu.memory_space<hbm>>) dst(%dma_wait3A_748 : memref<128xi32, #tpu.memory_space<vmem>>)
    %dma_start3A_750 = arith.constant 2 : i32
    %dma_start3A_751 = arith.constant 6 : i32
    %dma_start3A_752 = arith.constant 2 : i32
    %dma_start3A_753 = arith.constant 0 : i32
    %dma_start3A_754 = arith.constant 0 : i32
    %dma_start3A_755 = tpu.memref_slice %arg8[%dma_start3A_750, %dma_start3A_753, %dma_start3A_754] : memref<5x128x128xf32, #tpu.memory_space<vmem>> -> memref<1x128x128xf32, #tpu.memory_space<vmem>>
    %dma_start3A_756 = tpu.memref_squeeze %dma_start3A_755 : memref<1x128x128xf32, #tpu.memory_space<vmem>> -> memref<128x128xf32, #tpu.memory_space<vmem>>
    %dma_start3A_757 = arith.constant 0 : i32
    %dma_start3A_758 = tpu.memref_slice %arg5[%dma_start3A_751, %dma_start3A_757] : memref<13x128xi32, #tpu.memory_space<vmem>> -> memref<1x128xi32, #tpu.memory_space<vmem>>
    %dma_start3A_759 = tpu.memref_squeeze %dma_start3A_758 : memref<1x128xi32, #tpu.memory_space<vmem>> -> memref<128xi32, #tpu.memory_space<vmem>>
    %dma_start3A_760 = arith.constant 0 : i32
    %dma_start3A_761 = arith.constant 0 : i32
    %dma_start3A_762 = tpu.memref_slice %arg9[%dma_start3A_760, %dma_start3A_761] : memref<1024x128xf32, #tpu.memory_space<vmem_shared>> -> memref<1024x128xf32, #tpu.memory_space<vmem_shared>>
    %dma_start3A_763 = tpu.memref_slice %arg11[%dma_start3A_752] : memref<4x!tpu.dma_semaphore, #tpu.memory_space<semaphore_mem>> -> memref<1x!tpu.dma_semaphore, #tpu.memory_space<semaphore_mem>>
    %dma_start3A_764 = tpu.memref_squeeze %dma_start3A_763 : memref<1x!tpu.dma_semaphore, #tpu.memory_space<semaphore_mem>> -> memref<!tpu.dma_semaphore, #tpu.memory_space<semaphore_mem>>
    tpu.enqueue_indirect_dma source(%dma_start3A_756 : memref<128x128xf32, #tpu.memory_space<vmem>>) target(%dma_start3A_762 : memref<1024x128xf32, #tpu.memory_space<vmem_shared>>) offsets(%dma_start3A_759 : memref<128xi32, #tpu.memory_space<vmem>>) semaphore(%dma_start3A_764 : memref<!tpu.dma_semaphore, #tpu.memory_space<semaphore_mem>>) {add = true}
    %dma_wait3A_765 = arith.constant 2 : i32
    %dma_wait3A_766 = arith.constant 6 : i32
    %dma_wait3A_767 = arith.constant 2 : i32
    %dma_wait3A_768 = arith.constant 0 : i32
    %dma_wait3A_769 = arith.constant 0 : i32
    %dma_wait3A_770 = tpu.memref_slice %arg8[%dma_wait3A_765, %dma_wait3A_768, %dma_wait3A_769] : memref<5x128x128xf32, #tpu.memory_space<vmem>> -> memref<1x128x128xf32, #tpu.memory_space<vmem>>
    %dma_wait3A_771 = tpu.memref_squeeze %dma_wait3A_770 : memref<1x128x128xf32, #tpu.memory_space<vmem>> -> memref<128x128xf32, #tpu.memory_space<vmem>>
    %dma_wait3A_772 = arith.constant 0 : i32
    %dma_wait3A_773 = tpu.memref_slice %arg5[%dma_wait3A_766, %dma_wait3A_772] : memref<13x128xi32, #tpu.memory_space<vmem>> -> memref<1x128xi32, #tpu.memory_space<vmem>>
    %dma_wait3A_774 = tpu.memref_squeeze %dma_wait3A_773 : memref<1x128xi32, #tpu.memory_space<vmem>> -> memref<128xi32, #tpu.memory_space<vmem>>
    %dma_wait3A_775 = arith.constant 0 : i32
    %dma_wait3A_776 = arith.constant 0 : i32
    %dma_wait3A_777 = tpu.memref_slice %arg9[%dma_wait3A_775, %dma_wait3A_776] : memref<1024x128xf32, #tpu.memory_space<vmem_shared>> -> memref<1024x128xf32, #tpu.memory_space<vmem_shared>>
    %dma_wait3A_778 = tpu.memref_slice %arg11[%dma_wait3A_767] : memref<4x!tpu.dma_semaphore, #tpu.memory_space<semaphore_mem>> -> memref<1x!tpu.dma_semaphore, #tpu.memory_space<semaphore_mem>>
    %dma_wait3A_779 = tpu.memref_squeeze %dma_wait3A_778 : memref<1x!tpu.dma_semaphore, #tpu.memory_space<semaphore_mem>> -> memref<!tpu.dma_semaphore, #tpu.memory_space<semaphore_mem>>
    tpu.wait_indirect_dma semaphore(%dma_wait3A_779 : memref<!tpu.dma_semaphore, #tpu.memory_space<semaphore_mem>>) src(%dma_wait3A_771 : memref<128x128xf32, #tpu.memory_space<vmem>>) dst(%dma_wait3A_777 : memref<1024x128xf32, #tpu.memory_space<vmem_shared>>)
    %add3A_780 = arith.constant 1280 : i32
    %add3A_781 = arith.addi %add3A_6, %add3A_780 : i32
    %dma_start3A_782 = arith.constant 2 : i32
    %dma_start3A_783 = arith.constant 2 : i32
    %dma_start3A_784 = arith.constant 0 : i32
    %dma_start3A_785 = arith.constant 0 : i32
    %dma_start3A_786 = tpu.memref_slice %arg8[%dma_start3A_782, %dma_start3A_784, %dma_start3A_785] : memref<5x128x128xf32, #tpu.memory_space<vmem>> -> memref<1x128x128xf32, #tpu.memory_space<vmem>>
    %dma_start3A_787 = tpu.memref_squeeze %dma_start3A_786 : memref<1x128x128xf32, #tpu.memory_space<vmem>> -> memref<128x128xf32, #tpu.memory_space<vmem>>
    %dma_start3A_788 = arith.constant 0 : i32
    %dma_start3A_789 = tpu.memref_slice %arg2[%add3A_781, %dma_start3A_788] : memref<100000x128xf32, #tpu.memory_space<hbm>> -> memref<128x128xf32, #tpu.memory_space<hbm>>
    %dma_start3A_790 = tpu.memref_slice %arg10[%dma_start3A_783] : memref<4x!tpu.dma_semaphore, #tpu.memory_space<semaphore_mem>> -> memref<1x!tpu.dma_semaphore, #tpu.memory_space<semaphore_mem>>
    %dma_start3A_791 = tpu.memref_squeeze %dma_start3A_790 : memref<1x!tpu.dma_semaphore, #tpu.memory_space<semaphore_mem>> -> memref<!tpu.dma_semaphore, #tpu.memory_space<semaphore_mem>>
    %dma_start3A_792 = arith.constant 0 : i32
    %dma_start3A_793 = arith.constant 0 : i32
    %dma_start3A_794 = tpu.memref_slice %arg8[%dma_start3A_782, %dma_start3A_792, %dma_start3A_793] : memref<5x128x128xf32, #tpu.memory_space<vmem>> -> memref<1x128x128xf32, #tpu.memory_space<vmem>>
    %dma_start3A_795 = tpu.memref_squeeze %dma_start3A_794 : memref<1x128x128xf32, #tpu.memory_space<vmem>> -> memref<128x128xf32, #tpu.memory_space<vmem>>
    %dma_start3A_796 = arith.constant 0 : i32
    %dma_start3A_797 = tpu.memref_slice %arg2[%add3A_781, %dma_start3A_796] : memref<100000x128xf32, #tpu.memory_space<hbm>> -> memref<128x128xf32, #tpu.memory_space<hbm>>
    tpu.enqueue_dma source(%dma_start3A_797 : memref<128x128xf32, #tpu.memory_space<hbm>>) target(%dma_start3A_795 : memref<128x128xf32, #tpu.memory_space<vmem>>) target_semaphore(%dma_start3A_791 : memref<!tpu.dma_semaphore, #tpu.memory_space<semaphore_mem>>)
    %dma_wait3A_798 = arith.constant 3 : i32
    %dma_wait3A_799 = arith.constant 3 : i32
    %dma_wait3A_800 = arith.constant 0 : i32
    %dma_wait3A_801 = arith.constant 0 : i32
    %dma_wait3A_802 = tpu.memref_slice %arg8[%dma_wait3A_798, %dma_wait3A_800, %dma_wait3A_801] : memref<5x128x128xf32, #tpu.memory_space<vmem>> -> memref<1x128x128xf32, #tpu.memory_space<vmem>>
    %dma_wait3A_803 = tpu.memref_squeeze %dma_wait3A_802 : memref<1x128x128xf32, #tpu.memory_space<vmem>> -> memref<128x128xf32, #tpu.memory_space<vmem>>
    %dma_wait3A_804 = arith.constant 0 : i32
    %dma_wait3A_805 = tpu.memref_slice %arg2[%add3A_553, %dma_wait3A_804] : memref<100000x128xf32, #tpu.memory_space<hbm>> -> memref<128x128xf32, #tpu.memory_space<hbm>>
    %dma_wait3A_806 = tpu.memref_slice %arg10[%dma_wait3A_799] : memref<4x!tpu.dma_semaphore, #tpu.memory_space<semaphore_mem>> -> memref<1x!tpu.dma_semaphore, #tpu.memory_space<semaphore_mem>>
    %dma_wait3A_807 = tpu.memref_squeeze %dma_wait3A_806 : memref<1x!tpu.dma_semaphore, #tpu.memory_space<semaphore_mem>> -> memref<!tpu.dma_semaphore, #tpu.memory_space<semaphore_mem>>
    %dma_wait3A_808 = arith.constant 0 : i32
    %dma_wait3A_809 = arith.constant 0 : i32
    %dma_wait3A_810 = tpu.memref_slice %arg8[%dma_wait3A_798, %dma_wait3A_808, %dma_wait3A_809] : memref<5x128x128xf32, #tpu.memory_space<vmem>> -> memref<1x128x128xf32, #tpu.memory_space<vmem>>
    %dma_wait3A_811 = tpu.memref_squeeze %dma_wait3A_810 : memref<1x128x128xf32, #tpu.memory_space<vmem>> -> memref<128x128xf32, #tpu.memory_space<vmem>>
    %dma_wait3A_812 = arith.constant 0 : i32
    %dma_wait3A_813 = tpu.memref_slice %arg2[%add3A_553, %dma_wait3A_812] : memref<100000x128xf32, #tpu.memory_space<hbm>> -> memref<128x128xf32, #tpu.memory_space<hbm>>
    tpu.wait_dma2 semaphore(%dma_wait3A_807 : memref<!tpu.dma_semaphore, #tpu.memory_space<semaphore_mem>>) src(%dma_wait3A_813 : memref<128x128xf32, #tpu.memory_space<hbm>>) dst(%dma_wait3A_811 : memref<128x128xf32, #tpu.memory_space<vmem>>)
    %dma_wait3A_814 = arith.constant 7 : i32
    %dma_wait3A_815 = arith.constant 7 : i32
    %dma_wait3A_816 = arith.constant 0 : i32
    %dma_wait3A_817 = tpu.memref_slice %arg5[%dma_wait3A_814, %dma_wait3A_816] : memref<13x128xi32, #tpu.memory_space<vmem>> -> memref<1x128xi32, #tpu.memory_space<vmem>>
    %dma_wait3A_818 = tpu.memref_squeeze %dma_wait3A_817 : memref<1x128xi32, #tpu.memory_space<vmem>> -> memref<128xi32, #tpu.memory_space<vmem>>
    %dma_wait3A_819 = tpu.memref_slice %arg3[%add3A_105] : memref<100000xi32, #tpu.memory_space<hbm>> -> memref<128xi32, #tpu.memory_space<hbm>>
    %dma_wait3A_820 = tpu.memref_slice %arg12[%dma_wait3A_815] : memref<13x!tpu.dma_semaphore, #tpu.memory_space<semaphore_mem>> -> memref<1x!tpu.dma_semaphore, #tpu.memory_space<semaphore_mem>>
    %dma_wait3A_821 = tpu.memref_squeeze %dma_wait3A_820 : memref<1x!tpu.dma_semaphore, #tpu.memory_space<semaphore_mem>> -> memref<!tpu.dma_semaphore, #tpu.memory_space<semaphore_mem>>
    %dma_wait3A_822 = arith.constant 0 : i32
    %dma_wait3A_823 = tpu.memref_slice %arg5[%dma_wait3A_814, %dma_wait3A_822] : memref<13x128xi32, #tpu.memory_space<vmem>> -> memref<1x128xi32, #tpu.memory_space<vmem>>
    %dma_wait3A_824 = tpu.memref_squeeze %dma_wait3A_823 : memref<1x128xi32, #tpu.memory_space<vmem>> -> memref<128xi32, #tpu.memory_space<vmem>>
    %dma_wait3A_825 = tpu.memref_slice %arg3[%add3A_105] : memref<100000xi32, #tpu.memory_space<hbm>> -> memref<128xi32, #tpu.memory_space<hbm>>
    tpu.wait_dma2 semaphore(%dma_wait3A_821 : memref<!tpu.dma_semaphore, #tpu.memory_space<semaphore_mem>>) src(%dma_wait3A_825 : memref<128xi32, #tpu.memory_space<hbm>>) dst(%dma_wait3A_824 : memref<128xi32, #tpu.memory_space<vmem>>)
    %dma_start3A_826 = arith.constant 3 : i32
    %dma_start3A_827 = arith.constant 7 : i32
    %dma_start3A_828 = arith.constant 3 : i32
    %dma_start3A_829 = arith.constant 0 : i32
    %dma_start3A_830 = arith.constant 0 : i32
    %dma_start3A_831 = tpu.memref_slice %arg8[%dma_start3A_826, %dma_start3A_829, %dma_start3A_830] : memref<5x128x128xf32, #tpu.memory_space<vmem>> -> memref<1x128x128xf32, #tpu.memory_space<vmem>>
    %dma_start3A_832 = tpu.memref_squeeze %dma_start3A_831 : memref<1x128x128xf32, #tpu.memory_space<vmem>> -> memref<128x128xf32, #tpu.memory_space<vmem>>
    %dma_start3A_833 = arith.constant 0 : i32
    %dma_start3A_834 = tpu.memref_slice %arg5[%dma_start3A_827, %dma_start3A_833] : memref<13x128xi32, #tpu.memory_space<vmem>> -> memref<1x128xi32, #tpu.memory_space<vmem>>
    %dma_start3A_835 = tpu.memref_squeeze %dma_start3A_834 : memref<1x128xi32, #tpu.memory_space<vmem>> -> memref<128xi32, #tpu.memory_space<vmem>>
    %dma_start3A_836 = arith.constant 0 : i32
    %dma_start3A_837 = arith.constant 0 : i32
    %dma_start3A_838 = tpu.memref_slice %arg9[%dma_start3A_836, %dma_start3A_837] : memref<1024x128xf32, #tpu.memory_space<vmem_shared>> -> memref<1024x128xf32, #tpu.memory_space<vmem_shared>>
    %dma_start3A_839 = tpu.memref_slice %arg11[%dma_start3A_828] : memref<4x!tpu.dma_semaphore, #tpu.memory_space<semaphore_mem>> -> memref<1x!tpu.dma_semaphore, #tpu.memory_space<semaphore_mem>>
    %dma_start3A_840 = tpu.memref_squeeze %dma_start3A_839 : memref<1x!tpu.dma_semaphore, #tpu.memory_space<semaphore_mem>> -> memref<!tpu.dma_semaphore, #tpu.memory_space<semaphore_mem>>
    tpu.enqueue_indirect_dma source(%dma_start3A_832 : memref<128x128xf32, #tpu.memory_space<vmem>>) target(%dma_start3A_838 : memref<1024x128xf32, #tpu.memory_space<vmem_shared>>) offsets(%dma_start3A_835 : memref<128xi32, #tpu.memory_space<vmem>>) semaphore(%dma_start3A_840 : memref<!tpu.dma_semaphore, #tpu.memory_space<semaphore_mem>>) {add = true}
    %dma_wait3A_841 = arith.constant 3 : i32
    %dma_wait3A_842 = arith.constant 7 : i32
    %dma_wait3A_843 = arith.constant 3 : i32
    %dma_wait3A_844 = arith.constant 0 : i32
    %dma_wait3A_845 = arith.constant 0 : i32
    %dma_wait3A_846 = tpu.memref_slice %arg8[%dma_wait3A_841, %dma_wait3A_844, %dma_wait3A_845] : memref<5x128x128xf32, #tpu.memory_space<vmem>> -> memref<1x128x128xf32, #tpu.memory_space<vmem>>
    %dma_wait3A_847 = tpu.memref_squeeze %dma_wait3A_846 : memref<1x128x128xf32, #tpu.memory_space<vmem>> -> memref<128x128xf32, #tpu.memory_space<vmem>>
    %dma_wait3A_848 = arith.constant 0 : i32
    %dma_wait3A_849 = tpu.memref_slice %arg5[%dma_wait3A_842, %dma_wait3A_848] : memref<13x128xi32, #tpu.memory_space<vmem>> -> memref<1x128xi32, #tpu.memory_space<vmem>>
    %dma_wait3A_850 = tpu.memref_squeeze %dma_wait3A_849 : memref<1x128xi32, #tpu.memory_space<vmem>> -> memref<128xi32, #tpu.memory_space<vmem>>
    %dma_wait3A_851 = arith.constant 0 : i32
    %dma_wait3A_852 = arith.constant 0 : i32
    %dma_wait3A_853 = tpu.memref_slice %arg9[%dma_wait3A_851, %dma_wait3A_852] : memref<1024x128xf32, #tpu.memory_space<vmem_shared>> -> memref<1024x128xf32, #tpu.memory_space<vmem_shared>>
    %dma_wait3A_854 = tpu.memref_slice %arg11[%dma_wait3A_843] : memref<4x!tpu.dma_semaphore, #tpu.memory_space<semaphore_mem>> -> memref<1x!tpu.dma_semaphore, #tpu.memory_space<semaphore_mem>>
    %dma_wait3A_855 = tpu.memref_squeeze %dma_wait3A_854 : memref<1x!tpu.dma_semaphore, #tpu.memory_space<semaphore_mem>> -> memref<!tpu.dma_semaphore, #tpu.memory_space<semaphore_mem>>
    tpu.wait_indirect_dma semaphore(%dma_wait3A_855 : memref<!tpu.dma_semaphore, #tpu.memory_space<semaphore_mem>>) src(%dma_wait3A_847 : memref<128x128xf32, #tpu.memory_space<vmem>>) dst(%dma_wait3A_853 : memref<1024x128xf32, #tpu.memory_space<vmem_shared>>)
    %add3A_856 = arith.constant 1408 : i32
    %add3A_857 = arith.addi %add3A_6, %add3A_856 : i32
    %dma_start3A_858 = arith.constant 3 : i32
    %dma_start3A_859 = arith.constant 3 : i32
    %dma_start3A_860 = arith.constant 0 : i32
    %dma_start3A_861 = arith.constant 0 : i32
    %dma_start3A_862 = tpu.memref_slice %arg8[%dma_start3A_858, %dma_start3A_860, %dma_start3A_861] : memref<5x128x128xf32, #tpu.memory_space<vmem>> -> memref<1x128x128xf32, #tpu.memory_space<vmem>>
    %dma_start3A_863 = tpu.memref_squeeze %dma_start3A_862 : memref<1x128x128xf32, #tpu.memory_space<vmem>> -> memref<128x128xf32, #tpu.memory_space<vmem>>
    %dma_start3A_864 = arith.constant 0 : i32
    %dma_start3A_865 = tpu.memref_slice %arg2[%add3A_857, %dma_start3A_864] : memref<100000x128xf32, #tpu.memory_space<hbm>> -> memref<128x128xf32, #tpu.memory_space<hbm>>
    %dma_start3A_866 = tpu.memref_slice %arg10[%dma_start3A_859] : memref<4x!tpu.dma_semaphore, #tpu.memory_space<semaphore_mem>> -> memref<1x!tpu.dma_semaphore, #tpu.memory_space<semaphore_mem>>
    %dma_start3A_867 = tpu.memref_squeeze %dma_start3A_866 : memref<1x!tpu.dma_semaphore, #tpu.memory_space<semaphore_mem>> -> memref<!tpu.dma_semaphore, #tpu.memory_space<semaphore_mem>>
    %dma_start3A_868 = arith.constant 0 : i32
    %dma_start3A_869 = arith.constant 0 : i32
    %dma_start3A_870 = tpu.memref_slice %arg8[%dma_start3A_858, %dma_start3A_868, %dma_start3A_869] : memref<5x128x128xf32, #tpu.memory_space<vmem>> -> memref<1x128x128xf32, #tpu.memory_space<vmem>>
    %dma_start3A_871 = tpu.memref_squeeze %dma_start3A_870 : memref<1x128x128xf32, #tpu.memory_space<vmem>> -> memref<128x128xf32, #tpu.memory_space<vmem>>
    %dma_start3A_872 = arith.constant 0 : i32
    %dma_start3A_873 = tpu.memref_slice %arg2[%add3A_857, %dma_start3A_872] : memref<100000x128xf32, #tpu.memory_space<hbm>> -> memref<128x128xf32, #tpu.memory_space<hbm>>
    tpu.enqueue_dma source(%dma_start3A_873 : memref<128x128xf32, #tpu.memory_space<hbm>>) target(%dma_start3A_871 : memref<128x128xf32, #tpu.memory_space<vmem>>) target_semaphore(%dma_start3A_867 : memref<!tpu.dma_semaphore, #tpu.memory_space<semaphore_mem>>)
    %dma_wait3A_874 = arith.constant 0 : i32
    %dma_wait3A_875 = arith.constant 0 : i32
    %dma_wait3A_876 = arith.constant 0 : i32
    %dma_wait3A_877 = arith.constant 0 : i32
    %dma_wait3A_878 = tpu.memref_slice %arg8[%dma_wait3A_874, %dma_wait3A_876, %dma_wait3A_877] : memref<5x128x128xf32, #tpu.memory_space<vmem>> -> memref<1x128x128xf32, #tpu.memory_space<vmem>>
    %dma_wait3A_879 = tpu.memref_squeeze %dma_wait3A_878 : memref<1x128x128xf32, #tpu.memory_space<vmem>> -> memref<128x128xf32, #tpu.memory_space<vmem>>
    %dma_wait3A_880 = arith.constant 0 : i32
    %dma_wait3A_881 = tpu.memref_slice %arg2[%add3A_629, %dma_wait3A_880] : memref<100000x128xf32, #tpu.memory_space<hbm>> -> memref<128x128xf32, #tpu.memory_space<hbm>>
    %dma_wait3A_882 = tpu.memref_slice %arg10[%dma_wait3A_875] : memref<4x!tpu.dma_semaphore, #tpu.memory_space<semaphore_mem>> -> memref<1x!tpu.dma_semaphore, #tpu.memory_space<semaphore_mem>>
    %dma_wait3A_883 = tpu.memref_squeeze %dma_wait3A_882 : memref<1x!tpu.dma_semaphore, #tpu.memory_space<semaphore_mem>> -> memref<!tpu.dma_semaphore, #tpu.memory_space<semaphore_mem>>
    %dma_wait3A_884 = arith.constant 0 : i32
    %dma_wait3A_885 = arith.constant 0 : i32
    %dma_wait3A_886 = tpu.memref_slice %arg8[%dma_wait3A_874, %dma_wait3A_884, %dma_wait3A_885] : memref<5x128x128xf32, #tpu.memory_space<vmem>> -> memref<1x128x128xf32, #tpu.memory_space<vmem>>
    %dma_wait3A_887 = tpu.memref_squeeze %dma_wait3A_886 : memref<1x128x128xf32, #tpu.memory_space<vmem>> -> memref<128x128xf32, #tpu.memory_space<vmem>>
    %dma_wait3A_888 = arith.constant 0 : i32
    %dma_wait3A_889 = tpu.memref_slice %arg2[%add3A_629, %dma_wait3A_888] : memref<100000x128xf32, #tpu.memory_space<hbm>> -> memref<128x128xf32, #tpu.memory_space<hbm>>
    tpu.wait_dma2 semaphore(%dma_wait3A_883 : memref<!tpu.dma_semaphore, #tpu.memory_space<semaphore_mem>>) src(%dma_wait3A_889 : memref<128x128xf32, #tpu.memory_space<hbm>>) dst(%dma_wait3A_887 : memref<128x128xf32, #tpu.memory_space<vmem>>)
    %dma_wait3A_890 = arith.constant 8 : i32
    %dma_wait3A_891 = arith.constant 8 : i32
    %dma_wait3A_892 = arith.constant 0 : i32
    %dma_wait3A_893 = tpu.memref_slice %arg5[%dma_wait3A_890, %dma_wait3A_892] : memref<13x128xi32, #tpu.memory_space<vmem>> -> memref<1x128xi32, #tpu.memory_space<vmem>>
    %dma_wait3A_894 = tpu.memref_squeeze %dma_wait3A_893 : memref<1x128xi32, #tpu.memory_space<vmem>> -> memref<128xi32, #tpu.memory_space<vmem>>
    %dma_wait3A_895 = tpu.memref_slice %arg3[%add3A_119] : memref<100000xi32, #tpu.memory_space<hbm>> -> memref<128xi32, #tpu.memory_space<hbm>>
    %dma_wait3A_896 = tpu.memref_slice %arg12[%dma_wait3A_891] : memref<13x!tpu.dma_semaphore, #tpu.memory_space<semaphore_mem>> -> memref<1x!tpu.dma_semaphore, #tpu.memory_space<semaphore_mem>>
    %dma_wait3A_897 = tpu.memref_squeeze %dma_wait3A_896 : memref<1x!tpu.dma_semaphore, #tpu.memory_space<semaphore_mem>> -> memref<!tpu.dma_semaphore, #tpu.memory_space<semaphore_mem>>
    %dma_wait3A_898 = arith.constant 0 : i32
    %dma_wait3A_899 = tpu.memref_slice %arg5[%dma_wait3A_890, %dma_wait3A_898] : memref<13x128xi32, #tpu.memory_space<vmem>> -> memref<1x128xi32, #tpu.memory_space<vmem>>
    %dma_wait3A_900 = tpu.memref_squeeze %dma_wait3A_899 : memref<1x128xi32, #tpu.memory_space<vmem>> -> memref<128xi32, #tpu.memory_space<vmem>>
    %dma_wait3A_901 = tpu.memref_slice %arg3[%add3A_119] : memref<100000xi32, #tpu.memory_space<hbm>> -> memref<128xi32, #tpu.memory_space<hbm>>
    tpu.wait_dma2 semaphore(%dma_wait3A_897 : memref<!tpu.dma_semaphore, #tpu.memory_space<semaphore_mem>>) src(%dma_wait3A_901 : memref<128xi32, #tpu.memory_space<hbm>>) dst(%dma_wait3A_900 : memref<128xi32, #tpu.memory_space<vmem>>)
    %dma_start3A_902 = arith.constant 0 : i32
    %dma_start3A_903 = arith.constant 8 : i32
    %dma_start3A_904 = arith.constant 0 : i32
    %dma_start3A_905 = arith.constant 0 : i32
    %dma_start3A_906 = arith.constant 0 : i32
    %dma_start3A_907 = tpu.memref_slice %arg8[%dma_start3A_902, %dma_start3A_905, %dma_start3A_906] : memref<5x128x128xf32, #tpu.memory_space<vmem>> -> memref<1x128x128xf32, #tpu.memory_space<vmem>>
    %dma_start3A_908 = tpu.memref_squeeze %dma_start3A_907 : memref<1x128x128xf32, #tpu.memory_space<vmem>> -> memref<128x128xf32, #tpu.memory_space<vmem>>
    %dma_start3A_909 = arith.constant 0 : i32
    %dma_start3A_910 = tpu.memref_slice %arg5[%dma_start3A_903, %dma_start3A_909] : memref<13x128xi32, #tpu.memory_space<vmem>> -> memref<1x128xi32, #tpu.memory_space<vmem>>
    %dma_start3A_911 = tpu.memref_squeeze %dma_start3A_910 : memref<1x128xi32, #tpu.memory_space<vmem>> -> memref<128xi32, #tpu.memory_space<vmem>>
    %dma_start3A_912 = arith.constant 0 : i32
    %dma_start3A_913 = arith.constant 0 : i32
    %dma_start3A_914 = tpu.memref_slice %arg9[%dma_start3A_912, %dma_start3A_913] : memref<1024x128xf32, #tpu.memory_space<vmem_shared>> -> memref<1024x128xf32, #tpu.memory_space<vmem_shared>>
    %dma_start3A_915 = tpu.memref_slice %arg11[%dma_start3A_904] : memref<4x!tpu.dma_semaphore, #tpu.memory_space<semaphore_mem>> -> memref<1x!tpu.dma_semaphore, #tpu.memory_space<semaphore_mem>>
    %dma_start3A_916 = tpu.memref_squeeze %dma_start3A_915 : memref<1x!tpu.dma_semaphore, #tpu.memory_space<semaphore_mem>> -> memref<!tpu.dma_semaphore, #tpu.memory_space<semaphore_mem>>
    tpu.enqueue_indirect_dma source(%dma_start3A_908 : memref<128x128xf32, #tpu.memory_space<vmem>>) target(%dma_start3A_914 : memref<1024x128xf32, #tpu.memory_space<vmem_shared>>) offsets(%dma_start3A_911 : memref<128xi32, #tpu.memory_space<vmem>>) semaphore(%dma_start3A_916 : memref<!tpu.dma_semaphore, #tpu.memory_space<semaphore_mem>>) {add = true}
    %dma_wait3A_917 = arith.constant 0 : i32
    %dma_wait3A_918 = arith.constant 8 : i32
    %dma_wait3A_919 = arith.constant 0 : i32
    %dma_wait3A_920 = arith.constant 0 : i32
    %dma_wait3A_921 = arith.constant 0 : i32
    %dma_wait3A_922 = tpu.memref_slice %arg8[%dma_wait3A_917, %dma_wait3A_920, %dma_wait3A_921] : memref<5x128x128xf32, #tpu.memory_space<vmem>> -> memref<1x128x128xf32, #tpu.memory_space<vmem>>
    %dma_wait3A_923 = tpu.memref_squeeze %dma_wait3A_922 : memref<1x128x128xf32, #tpu.memory_space<vmem>> -> memref<128x128xf32, #tpu.memory_space<vmem>>
    %dma_wait3A_924 = arith.constant 0 : i32
    %dma_wait3A_925 = tpu.memref_slice %arg5[%dma_wait3A_918, %dma_wait3A_924] : memref<13x128xi32, #tpu.memory_space<vmem>> -> memref<1x128xi32, #tpu.memory_space<vmem>>
    %dma_wait3A_926 = tpu.memref_squeeze %dma_wait3A_925 : memref<1x128xi32, #tpu.memory_space<vmem>> -> memref<128xi32, #tpu.memory_space<vmem>>
    %dma_wait3A_927 = arith.constant 0 : i32
    %dma_wait3A_928 = arith.constant 0 : i32
    %dma_wait3A_929 = tpu.memref_slice %arg9[%dma_wait3A_927, %dma_wait3A_928] : memref<1024x128xf32, #tpu.memory_space<vmem_shared>> -> memref<1024x128xf32, #tpu.memory_space<vmem_shared>>
    %dma_wait3A_930 = tpu.memref_slice %arg11[%dma_wait3A_919] : memref<4x!tpu.dma_semaphore, #tpu.memory_space<semaphore_mem>> -> memref<1x!tpu.dma_semaphore, #tpu.memory_space<semaphore_mem>>
    %dma_wait3A_931 = tpu.memref_squeeze %dma_wait3A_930 : memref<1x!tpu.dma_semaphore, #tpu.memory_space<semaphore_mem>> -> memref<!tpu.dma_semaphore, #tpu.memory_space<semaphore_mem>>
    tpu.wait_indirect_dma semaphore(%dma_wait3A_931 : memref<!tpu.dma_semaphore, #tpu.memory_space<semaphore_mem>>) src(%dma_wait3A_923 : memref<128x128xf32, #tpu.memory_space<vmem>>) dst(%dma_wait3A_929 : memref<1024x128xf32, #tpu.memory_space<vmem_shared>>)
    %add3A_932 = arith.constant 1536 : i32
    %add3A_933 = arith.addi %add3A_6, %add3A_932 : i32
    %dma_start3A_934 = arith.constant 0 : i32
    %dma_start3A_935 = arith.constant 0 : i32
    %dma_start3A_936 = arith.constant 0 : i32
    %dma_start3A_937 = arith.constant 0 : i32
    %dma_start3A_938 = tpu.memref_slice %arg8[%dma_start3A_934, %dma_start3A_936, %dma_start3A_937] : memref<5x128x128xf32, #tpu.memory_space<vmem>> -> memref<1x128x128xf32, #tpu.memory_space<vmem>>
    %dma_start3A_939 = tpu.memref_squeeze %dma_start3A_938 : memref<1x128x128xf32, #tpu.memory_space<vmem>> -> memref<128x128xf32, #tpu.memory_space<vmem>>
    %dma_start3A_940 = arith.constant 0 : i32
    %dma_start3A_941 = tpu.memref_slice %arg2[%add3A_933, %dma_start3A_940] : memref<100000x128xf32, #tpu.memory_space<hbm>> -> memref<128x128xf32, #tpu.memory_space<hbm>>
    %dma_start3A_942 = tpu.memref_slice %arg10[%dma_start3A_935] : memref<4x!tpu.dma_semaphore, #tpu.memory_space<semaphore_mem>> -> memref<1x!tpu.dma_semaphore, #tpu.memory_space<semaphore_mem>>
    %dma_start3A_943 = tpu.memref_squeeze %dma_start3A_942 : memref<1x!tpu.dma_semaphore, #tpu.memory_space<semaphore_mem>> -> memref<!tpu.dma_semaphore, #tpu.memory_space<semaphore_mem>>
    %dma_start3A_944 = arith.constant 0 : i32
    %dma_start3A_945 = arith.constant 0 : i32
    %dma_start3A_946 = tpu.memref_slice %arg8[%dma_start3A_934, %dma_start3A_944, %dma_start3A_945] : memref<5x128x128xf32, #tpu.memory_space<vmem>> -> memref<1x128x128xf32, #tpu.memory_space<vmem>>
    %dma_start3A_947 = tpu.memref_squeeze %dma_start3A_946 : memref<1x128x128xf32, #tpu.memory_space<vmem>> -> memref<128x128xf32, #tpu.memory_space<vmem>>
    %dma_start3A_948 = arith.constant 0 : i32
    %dma_start3A_949 = tpu.memref_slice %arg2[%add3A_933, %dma_start3A_948] : memref<100000x128xf32, #tpu.memory_space<hbm>> -> memref<128x128xf32, #tpu.memory_space<hbm>>
    tpu.enqueue_dma source(%dma_start3A_949 : memref<128x128xf32, #tpu.memory_space<hbm>>) target(%dma_start3A_947 : memref<128x128xf32, #tpu.memory_space<vmem>>) target_semaphore(%dma_start3A_943 : memref<!tpu.dma_semaphore, #tpu.memory_space<semaphore_mem>>)
    %dma_wait3A_950 = arith.constant 1 : i32
    %dma_wait3A_951 = arith.constant 1 : i32
    %dma_wait3A_952 = arith.constant 0 : i32
    %dma_wait3A_953 = arith.constant 0 : i32
    %dma_wait3A_954 = tpu.memref_slice %arg8[%dma_wait3A_950, %dma_wait3A_952, %dma_wait3A_953] : memref<5x128x128xf32, #tpu.memory_space<vmem>> -> memref<1x128x128xf32, #tpu.memory_space<vmem>>
    %dma_wait3A_955 = tpu.memref_squeeze %dma_wait3A_954 : memref<1x128x128xf32, #tpu.memory_space<vmem>> -> memref<128x128xf32, #tpu.memory_space<vmem>>
    %dma_wait3A_956 = arith.constant 0 : i32
    %dma_wait3A_957 = tpu.memref_slice %arg2[%add3A_705, %dma_wait3A_956] : memref<100000x128xf32, #tpu.memory_space<hbm>> -> memref<128x128xf32, #tpu.memory_space<hbm>>
    %dma_wait3A_958 = tpu.memref_slice %arg10[%dma_wait3A_951] : memref<4x!tpu.dma_semaphore, #tpu.memory_space<semaphore_mem>> -> memref<1x!tpu.dma_semaphore, #tpu.memory_space<semaphore_mem>>
    %dma_wait3A_959 = tpu.memref_squeeze %dma_wait3A_958 : memref<1x!tpu.dma_semaphore, #tpu.memory_space<semaphore_mem>> -> memref<!tpu.dma_semaphore, #tpu.memory_space<semaphore_mem>>
    %dma_wait3A_960 = arith.constant 0 : i32
    %dma_wait3A_961 = arith.constant 0 : i32
    %dma_wait3A_962 = tpu.memref_slice %arg8[%dma_wait3A_950, %dma_wait3A_960, %dma_wait3A_961] : memref<5x128x128xf32, #tpu.memory_space<vmem>> -> memref<1x128x128xf32, #tpu.memory_space<vmem>>
    %dma_wait3A_963 = tpu.memref_squeeze %dma_wait3A_962 : memref<1x128x128xf32, #tpu.memory_space<vmem>> -> memref<128x128xf32, #tpu.memory_space<vmem>>
    %dma_wait3A_964 = arith.constant 0 : i32
    %dma_wait3A_965 = tpu.memref_slice %arg2[%add3A_705, %dma_wait3A_964] : memref<100000x128xf32, #tpu.memory_space<hbm>> -> memref<128x128xf32, #tpu.memory_space<hbm>>
    tpu.wait_dma2 semaphore(%dma_wait3A_959 : memref<!tpu.dma_semaphore, #tpu.memory_space<semaphore_mem>>) src(%dma_wait3A_965 : memref<128x128xf32, #tpu.memory_space<hbm>>) dst(%dma_wait3A_963 : memref<128x128xf32, #tpu.memory_space<vmem>>)
    %dma_wait3A_966 = arith.constant 9 : i32
    %dma_wait3A_967 = arith.constant 9 : i32
    %dma_wait3A_968 = arith.constant 0 : i32
    %dma_wait3A_969 = tpu.memref_slice %arg5[%dma_wait3A_966, %dma_wait3A_968] : memref<13x128xi32, #tpu.memory_space<vmem>> -> memref<1x128xi32, #tpu.memory_space<vmem>>
    %dma_wait3A_970 = tpu.memref_squeeze %dma_wait3A_969 : memref<1x128xi32, #tpu.memory_space<vmem>> -> memref<128xi32, #tpu.memory_space<vmem>>
    %dma_wait3A_971 = tpu.memref_slice %arg3[%add3A_133] : memref<100000xi32, #tpu.memory_space<hbm>> -> memref<128xi32, #tpu.memory_space<hbm>>
    %dma_wait3A_972 = tpu.memref_slice %arg12[%dma_wait3A_967] : memref<13x!tpu.dma_semaphore, #tpu.memory_space<semaphore_mem>> -> memref<1x!tpu.dma_semaphore, #tpu.memory_space<semaphore_mem>>
    %dma_wait3A_973 = tpu.memref_squeeze %dma_wait3A_972 : memref<1x!tpu.dma_semaphore, #tpu.memory_space<semaphore_mem>> -> memref<!tpu.dma_semaphore, #tpu.memory_space<semaphore_mem>>
    %dma_wait3A_974 = arith.constant 0 : i32
    %dma_wait3A_975 = tpu.memref_slice %arg5[%dma_wait3A_966, %dma_wait3A_974] : memref<13x128xi32, #tpu.memory_space<vmem>> -> memref<1x128xi32, #tpu.memory_space<vmem>>
    %dma_wait3A_976 = tpu.memref_squeeze %dma_wait3A_975 : memref<1x128xi32, #tpu.memory_space<vmem>> -> memref<128xi32, #tpu.memory_space<vmem>>
    %dma_wait3A_977 = tpu.memref_slice %arg3[%add3A_133] : memref<100000xi32, #tpu.memory_space<hbm>> -> memref<128xi32, #tpu.memory_space<hbm>>
    tpu.wait_dma2 semaphore(%dma_wait3A_973 : memref<!tpu.dma_semaphore, #tpu.memory_space<semaphore_mem>>) src(%dma_wait3A_977 : memref<128xi32, #tpu.memory_space<hbm>>) dst(%dma_wait3A_976 : memref<128xi32, #tpu.memory_space<vmem>>)
    %dma_start3A_978 = arith.constant 1 : i32
    %dma_start3A_979 = arith.constant 9 : i32
    %dma_start3A_980 = arith.constant 1 : i32
    %dma_start3A_981 = arith.constant 0 : i32
    %dma_start3A_982 = arith.constant 0 : i32
    %dma_start3A_983 = tpu.memref_slice %arg8[%dma_start3A_978, %dma_start3A_981, %dma_start3A_982] : memref<5x128x128xf32, #tpu.memory_space<vmem>> -> memref<1x128x128xf32, #tpu.memory_space<vmem>>
    %dma_start3A_984 = tpu.memref_squeeze %dma_start3A_983 : memref<1x128x128xf32, #tpu.memory_space<vmem>> -> memref<128x128xf32, #tpu.memory_space<vmem>>
    %dma_start3A_985 = arith.constant 0 : i32
    %dma_start3A_986 = tpu.memref_slice %arg5[%dma_start3A_979, %dma_start3A_985] : memref<13x128xi32, #tpu.memory_space<vmem>> -> memref<1x128xi32, #tpu.memory_space<vmem>>
    %dma_start3A_987 = tpu.memref_squeeze %dma_start3A_986 : memref<1x128xi32, #tpu.memory_space<vmem>> -> memref<128xi32, #tpu.memory_space<vmem>>
    %dma_start3A_988 = arith.constant 0 : i32
    %dma_start3A_989 = arith.constant 0 : i32
    %dma_start3A_990 = tpu.memref_slice %arg9[%dma_start3A_988, %dma_start3A_989] : memref<1024x128xf32, #tpu.memory_space<vmem_shared>> -> memref<1024x128xf32, #tpu.memory_space<vmem_shared>>
    %dma_start3A_991 = tpu.memref_slice %arg11[%dma_start3A_980] : memref<4x!tpu.dma_semaphore, #tpu.memory_space<semaphore_mem>> -> memref<1x!tpu.dma_semaphore, #tpu.memory_space<semaphore_mem>>
    %dma_start3A_992 = tpu.memref_squeeze %dma_start3A_991 : memref<1x!tpu.dma_semaphore, #tpu.memory_space<semaphore_mem>> -> memref<!tpu.dma_semaphore, #tpu.memory_space<semaphore_mem>>
    tpu.enqueue_indirect_dma source(%dma_start3A_984 : memref<128x128xf32, #tpu.memory_space<vmem>>) target(%dma_start3A_990 : memref<1024x128xf32, #tpu.memory_space<vmem_shared>>) offsets(%dma_start3A_987 : memref<128xi32, #tpu.memory_space<vmem>>) semaphore(%dma_start3A_992 : memref<!tpu.dma_semaphore, #tpu.memory_space<semaphore_mem>>) {add = true}
    %dma_wait3A_993 = arith.constant 2 : i32
    %dma_wait3A_994 = arith.constant 2 : i32
    %dma_wait3A_995 = arith.constant 0 : i32
    %dma_wait3A_996 = arith.constant 0 : i32
    %dma_wait3A_997 = tpu.memref_slice %arg8[%dma_wait3A_993, %dma_wait3A_995, %dma_wait3A_996] : memref<5x128x128xf32, #tpu.memory_space<vmem>> -> memref<1x128x128xf32, #tpu.memory_space<vmem>>
    %dma_wait3A_998 = tpu.memref_squeeze %dma_wait3A_997 : memref<1x128x128xf32, #tpu.memory_space<vmem>> -> memref<128x128xf32, #tpu.memory_space<vmem>>
    %dma_wait3A_999 = arith.constant 0 : i32
    %dma_wait3A_1000 = tpu.memref_slice %arg2[%add3A_781, %dma_wait3A_999] : memref<100000x128xf32, #tpu.memory_space<hbm>> -> memref<128x128xf32, #tpu.memory_space<hbm>>
    %dma_wait3A_1001 = tpu.memref_slice %arg10[%dma_wait3A_994] : memref<4x!tpu.dma_semaphore, #tpu.memory_space<semaphore_mem>> -> memref<1x!tpu.dma_semaphore, #tpu.memory_space<semaphore_mem>>
    %dma_wait3A_1002 = tpu.memref_squeeze %dma_wait3A_1001 : memref<1x!tpu.dma_semaphore, #tpu.memory_space<semaphore_mem>> -> memref<!tpu.dma_semaphore, #tpu.memory_space<semaphore_mem>>
    %dma_wait3A_1003 = arith.constant 0 : i32
    %dma_wait3A_1004 = arith.constant 0 : i32
    %dma_wait3A_1005 = tpu.memref_slice %arg8[%dma_wait3A_993, %dma_wait3A_1003, %dma_wait3A_1004] : memref<5x128x128xf32, #tpu.memory_space<vmem>> -> memref<1x128x128xf32, #tpu.memory_space<vmem>>
    %dma_wait3A_1006 = tpu.memref_squeeze %dma_wait3A_1005 : memref<1x128x128xf32, #tpu.memory_space<vmem>> -> memref<128x128xf32, #tpu.memory_space<vmem>>
    %dma_wait3A_1007 = arith.constant 0 : i32
    %dma_wait3A_1008 = tpu.memref_slice %arg2[%add3A_781, %dma_wait3A_1007] : memref<100000x128xf32, #tpu.memory_space<hbm>> -> memref<128x128xf32, #tpu.memory_space<hbm>>
    tpu.wait_dma2 semaphore(%dma_wait3A_1002 : memref<!tpu.dma_semaphore, #tpu.memory_space<semaphore_mem>>) src(%dma_wait3A_1008 : memref<128x128xf32, #tpu.memory_space<hbm>>) dst(%dma_wait3A_1006 : memref<128x128xf32, #tpu.memory_space<vmem>>)
    %dma_wait3A_1009 = arith.constant 10 : i32
    %dma_wait3A_1010 = arith.constant 10 : i32
    %dma_wait3A_1011 = arith.constant 0 : i32
    %dma_wait3A_1012 = tpu.memref_slice %arg5[%dma_wait3A_1009, %dma_wait3A_1011] : memref<13x128xi32, #tpu.memory_space<vmem>> -> memref<1x128xi32, #tpu.memory_space<vmem>>
    %dma_wait3A_1013 = tpu.memref_squeeze %dma_wait3A_1012 : memref<1x128xi32, #tpu.memory_space<vmem>> -> memref<128xi32, #tpu.memory_space<vmem>>
    %dma_wait3A_1014 = tpu.memref_slice %arg3[%add3A_147] : memref<100000xi32, #tpu.memory_space<hbm>> -> memref<128xi32, #tpu.memory_space<hbm>>
    %dma_wait3A_1015 = tpu.memref_slice %arg12[%dma_wait3A_1010] : memref<13x!tpu.dma_semaphore, #tpu.memory_space<semaphore_mem>> -> memref<1x!tpu.dma_semaphore, #tpu.memory_space<semaphore_mem>>
    %dma_wait3A_1016 = tpu.memref_squeeze %dma_wait3A_1015 : memref<1x!tpu.dma_semaphore, #tpu.memory_space<semaphore_mem>> -> memref<!tpu.dma_semaphore, #tpu.memory_space<semaphore_mem>>
    %dma_wait3A_1017 = arith.constant 0 : i32
    %dma_wait3A_1018 = tpu.memref_slice %arg5[%dma_wait3A_1009, %dma_wait3A_1017] : memref<13x128xi32, #tpu.memory_space<vmem>> -> memref<1x128xi32, #tpu.memory_space<vmem>>
    %dma_wait3A_1019 = tpu.memref_squeeze %dma_wait3A_1018 : memref<1x128xi32, #tpu.memory_space<vmem>> -> memref<128xi32, #tpu.memory_space<vmem>>
    %dma_wait3A_1020 = tpu.memref_slice %arg3[%add3A_147] : memref<100000xi32, #tpu.memory_space<hbm>> -> memref<128xi32, #tpu.memory_space<hbm>>
    tpu.wait_dma2 semaphore(%dma_wait3A_1016 : memref<!tpu.dma_semaphore, #tpu.memory_space<semaphore_mem>>) src(%dma_wait3A_1020 : memref<128xi32, #tpu.memory_space<hbm>>) dst(%dma_wait3A_1019 : memref<128xi32, #tpu.memory_space<vmem>>)
    %dma_start3A_1021 = arith.constant 2 : i32
    %dma_start3A_1022 = arith.constant 10 : i32
    %dma_start3A_1023 = arith.constant 2 : i32
    %dma_start3A_1024 = arith.constant 0 : i32
    %dma_start3A_1025 = arith.constant 0 : i32
    %dma_start3A_1026 = tpu.memref_slice %arg8[%dma_start3A_1021, %dma_start3A_1024, %dma_start3A_1025] : memref<5x128x128xf32, #tpu.memory_space<vmem>> -> memref<1x128x128xf32, #tpu.memory_space<vmem>>
    %dma_start3A_1027 = tpu.memref_squeeze %dma_start3A_1026 : memref<1x128x128xf32, #tpu.memory_space<vmem>> -> memref<128x128xf32, #tpu.memory_space<vmem>>
    %dma_start3A_1028 = arith.constant 0 : i32
    %dma_start3A_1029 = tpu.memref_slice %arg5[%dma_start3A_1022, %dma_start3A_1028] : memref<13x128xi32, #tpu.memory_space<vmem>> -> memref<1x128xi32, #tpu.memory_space<vmem>>
    %dma_start3A_1030 = tpu.memref_squeeze %dma_start3A_1029 : memref<1x128xi32, #tpu.memory_space<vmem>> -> memref<128xi32, #tpu.memory_space<vmem>>
    %dma_start3A_1031 = arith.constant 0 : i32
    %dma_start3A_1032 = arith.constant 0 : i32
    %dma_start3A_1033 = tpu.memref_slice %arg9[%dma_start3A_1031, %dma_start3A_1032] : memref<1024x128xf32, #tpu.memory_space<vmem_shared>> -> memref<1024x128xf32, #tpu.memory_space<vmem_shared>>
    %dma_start3A_1034 = tpu.memref_slice %arg11[%dma_start3A_1023] : memref<4x!tpu.dma_semaphore, #tpu.memory_space<semaphore_mem>> -> memref<1x!tpu.dma_semaphore, #tpu.memory_space<semaphore_mem>>
    %dma_start3A_1035 = tpu.memref_squeeze %dma_start3A_1034 : memref<1x!tpu.dma_semaphore, #tpu.memory_space<semaphore_mem>> -> memref<!tpu.dma_semaphore, #tpu.memory_space<semaphore_mem>>
    tpu.enqueue_indirect_dma source(%dma_start3A_1027 : memref<128x128xf32, #tpu.memory_space<vmem>>) target(%dma_start3A_1033 : memref<1024x128xf32, #tpu.memory_space<vmem_shared>>) offsets(%dma_start3A_1030 : memref<128xi32, #tpu.memory_space<vmem>>) semaphore(%dma_start3A_1035 : memref<!tpu.dma_semaphore, #tpu.memory_space<semaphore_mem>>) {add = true}
    %dma_wait3A_1036 = arith.constant 3 : i32
    %dma_wait3A_1037 = arith.constant 3 : i32
    %dma_wait3A_1038 = arith.constant 0 : i32
    %dma_wait3A_1039 = arith.constant 0 : i32
    %dma_wait3A_1040 = tpu.memref_slice %arg8[%dma_wait3A_1036, %dma_wait3A_1038, %dma_wait3A_1039] : memref<5x128x128xf32, #tpu.memory_space<vmem>> -> memref<1x128x128xf32, #tpu.memory_space<vmem>>
    %dma_wait3A_1041 = tpu.memref_squeeze %dma_wait3A_1040 : memref<1x128x128xf32, #tpu.memory_space<vmem>> -> memref<128x128xf32, #tpu.memory_space<vmem>>
    %dma_wait3A_1042 = arith.constant 0 : i32
    %dma_wait3A_1043 = tpu.memref_slice %arg2[%add3A_857, %dma_wait3A_1042] : memref<100000x128xf32, #tpu.memory_space<hbm>> -> memref<128x128xf32, #tpu.memory_space<hbm>>
    %dma_wait3A_1044 = tpu.memref_slice %arg10[%dma_wait3A_1037] : memref<4x!tpu.dma_semaphore, #tpu.memory_space<semaphore_mem>> -> memref<1x!tpu.dma_semaphore, #tpu.memory_space<semaphore_mem>>
    %dma_wait3A_1045 = tpu.memref_squeeze %dma_wait3A_1044 : memref<1x!tpu.dma_semaphore, #tpu.memory_space<semaphore_mem>> -> memref<!tpu.dma_semaphore, #tpu.memory_space<semaphore_mem>>
    %dma_wait3A_1046 = arith.constant 0 : i32
    %dma_wait3A_1047 = arith.constant 0 : i32
    %dma_wait3A_1048 = tpu.memref_slice %arg8[%dma_wait3A_1036, %dma_wait3A_1046, %dma_wait3A_1047] : memref<5x128x128xf32, #tpu.memory_space<vmem>> -> memref<1x128x128xf32, #tpu.memory_space<vmem>>
    %dma_wait3A_1049 = tpu.memref_squeeze %dma_wait3A_1048 : memref<1x128x128xf32, #tpu.memory_space<vmem>> -> memref<128x128xf32, #tpu.memory_space<vmem>>
    %dma_wait3A_1050 = arith.constant 0 : i32
    %dma_wait3A_1051 = tpu.memref_slice %arg2[%add3A_857, %dma_wait3A_1050] : memref<100000x128xf32, #tpu.memory_space<hbm>> -> memref<128x128xf32, #tpu.memory_space<hbm>>
    tpu.wait_dma2 semaphore(%dma_wait3A_1045 : memref<!tpu.dma_semaphore, #tpu.memory_space<semaphore_mem>>) src(%dma_wait3A_1051 : memref<128x128xf32, #tpu.memory_space<hbm>>) dst(%dma_wait3A_1049 : memref<128x128xf32, #tpu.memory_space<vmem>>)
    %dma_wait3A_1052 = arith.constant 11 : i32
    %dma_wait3A_1053 = arith.constant 11 : i32
    %dma_wait3A_1054 = arith.constant 0 : i32
    %dma_wait3A_1055 = tpu.memref_slice %arg5[%dma_wait3A_1052, %dma_wait3A_1054] : memref<13x128xi32, #tpu.memory_space<vmem>> -> memref<1x128xi32, #tpu.memory_space<vmem>>
    %dma_wait3A_1056 = tpu.memref_squeeze %dma_wait3A_1055 : memref<1x128xi32, #tpu.memory_space<vmem>> -> memref<128xi32, #tpu.memory_space<vmem>>
    %dma_wait3A_1057 = tpu.memref_slice %arg3[%add3A_161] : memref<100000xi32, #tpu.memory_space<hbm>> -> memref<128xi32, #tpu.memory_space<hbm>>
    %dma_wait3A_1058 = tpu.memref_slice %arg12[%dma_wait3A_1053] : memref<13x!tpu.dma_semaphore, #tpu.memory_space<semaphore_mem>> -> memref<1x!tpu.dma_semaphore, #tpu.memory_space<semaphore_mem>>
    %dma_wait3A_1059 = tpu.memref_squeeze %dma_wait3A_1058 : memref<1x!tpu.dma_semaphore, #tpu.memory_space<semaphore_mem>> -> memref<!tpu.dma_semaphore, #tpu.memory_space<semaphore_mem>>
    %dma_wait3A_1060 = arith.constant 0 : i32
    %dma_wait3A_1061 = tpu.memref_slice %arg5[%dma_wait3A_1052, %dma_wait3A_1060] : memref<13x128xi32, #tpu.memory_space<vmem>> -> memref<1x128xi32, #tpu.memory_space<vmem>>
    %dma_wait3A_1062 = tpu.memref_squeeze %dma_wait3A_1061 : memref<1x128xi32, #tpu.memory_space<vmem>> -> memref<128xi32, #tpu.memory_space<vmem>>
    %dma_wait3A_1063 = tpu.memref_slice %arg3[%add3A_161] : memref<100000xi32, #tpu.memory_space<hbm>> -> memref<128xi32, #tpu.memory_space<hbm>>
    tpu.wait_dma2 semaphore(%dma_wait3A_1059 : memref<!tpu.dma_semaphore, #tpu.memory_space<semaphore_mem>>) src(%dma_wait3A_1063 : memref<128xi32, #tpu.memory_space<hbm>>) dst(%dma_wait3A_1062 : memref<128xi32, #tpu.memory_space<vmem>>)
    %dma_start3A_1064 = arith.constant 3 : i32
    %dma_start3A_1065 = arith.constant 11 : i32
    %dma_start3A_1066 = arith.constant 3 : i32
    %dma_start3A_1067 = arith.constant 0 : i32
    %dma_start3A_1068 = arith.constant 0 : i32
    %dma_start3A_1069 = tpu.memref_slice %arg8[%dma_start3A_1064, %dma_start3A_1067, %dma_start3A_1068] : memref<5x128x128xf32, #tpu.memory_space<vmem>> -> memref<1x128x128xf32, #tpu.memory_space<vmem>>
    %dma_start3A_1070 = tpu.memref_squeeze %dma_start3A_1069 : memref<1x128x128xf32, #tpu.memory_space<vmem>> -> memref<128x128xf32, #tpu.memory_space<vmem>>
    %dma_start3A_1071 = arith.constant 0 : i32
    %dma_start3A_1072 = tpu.memref_slice %arg5[%dma_start3A_1065, %dma_start3A_1071] : memref<13x128xi32, #tpu.memory_space<vmem>> -> memref<1x128xi32, #tpu.memory_space<vmem>>
    %dma_start3A_1073 = tpu.memref_squeeze %dma_start3A_1072 : memref<1x128xi32, #tpu.memory_space<vmem>> -> memref<128xi32, #tpu.memory_space<vmem>>
    %dma_start3A_1074 = arith.constant 0 : i32
    %dma_start3A_1075 = arith.constant 0 : i32
    %dma_start3A_1076 = tpu.memref_slice %arg9[%dma_start3A_1074, %dma_start3A_1075] : memref<1024x128xf32, #tpu.memory_space<vmem_shared>> -> memref<1024x128xf32, #tpu.memory_space<vmem_shared>>
    %dma_start3A_1077 = tpu.memref_slice %arg11[%dma_start3A_1066] : memref<4x!tpu.dma_semaphore, #tpu.memory_space<semaphore_mem>> -> memref<1x!tpu.dma_semaphore, #tpu.memory_space<semaphore_mem>>
    %dma_start3A_1078 = tpu.memref_squeeze %dma_start3A_1077 : memref<1x!tpu.dma_semaphore, #tpu.memory_space<semaphore_mem>> -> memref<!tpu.dma_semaphore, #tpu.memory_space<semaphore_mem>>
    tpu.enqueue_indirect_dma source(%dma_start3A_1070 : memref<128x128xf32, #tpu.memory_space<vmem>>) target(%dma_start3A_1076 : memref<1024x128xf32, #tpu.memory_space<vmem_shared>>) offsets(%dma_start3A_1073 : memref<128xi32, #tpu.memory_space<vmem>>) semaphore(%dma_start3A_1078 : memref<!tpu.dma_semaphore, #tpu.memory_space<semaphore_mem>>) {add = true}
    %dma_wait3A_1079 = arith.constant 0 : i32
    %dma_wait3A_1080 = arith.constant 0 : i32
    %dma_wait3A_1081 = arith.constant 0 : i32
    %dma_wait3A_1082 = arith.constant 0 : i32
    %dma_wait3A_1083 = tpu.memref_slice %arg8[%dma_wait3A_1079, %dma_wait3A_1081, %dma_wait3A_1082] : memref<5x128x128xf32, #tpu.memory_space<vmem>> -> memref<1x128x128xf32, #tpu.memory_space<vmem>>
    %dma_wait3A_1084 = tpu.memref_squeeze %dma_wait3A_1083 : memref<1x128x128xf32, #tpu.memory_space<vmem>> -> memref<128x128xf32, #tpu.memory_space<vmem>>
    %dma_wait3A_1085 = arith.constant 0 : i32
    %dma_wait3A_1086 = tpu.memref_slice %arg2[%add3A_933, %dma_wait3A_1085] : memref<100000x128xf32, #tpu.memory_space<hbm>> -> memref<128x128xf32, #tpu.memory_space<hbm>>
    %dma_wait3A_1087 = tpu.memref_slice %arg10[%dma_wait3A_1080] : memref<4x!tpu.dma_semaphore, #tpu.memory_space<semaphore_mem>> -> memref<1x!tpu.dma_semaphore, #tpu.memory_space<semaphore_mem>>
    %dma_wait3A_1088 = tpu.memref_squeeze %dma_wait3A_1087 : memref<1x!tpu.dma_semaphore, #tpu.memory_space<semaphore_mem>> -> memref<!tpu.dma_semaphore, #tpu.memory_space<semaphore_mem>>
    %dma_wait3A_1089 = arith.constant 0 : i32
    %dma_wait3A_1090 = arith.constant 0 : i32
    %dma_wait3A_1091 = tpu.memref_slice %arg8[%dma_wait3A_1079, %dma_wait3A_1089, %dma_wait3A_1090] : memref<5x128x128xf32, #tpu.memory_space<vmem>> -> memref<1x128x128xf32, #tpu.memory_space<vmem>>
    %dma_wait3A_1092 = tpu.memref_squeeze %dma_wait3A_1091 : memref<1x128x128xf32, #tpu.memory_space<vmem>> -> memref<128x128xf32, #tpu.memory_space<vmem>>
    %dma_wait3A_1093 = arith.constant 0 : i32
    %dma_wait3A_1094 = tpu.memref_slice %arg2[%add3A_933, %dma_wait3A_1093] : memref<100000x128xf32, #tpu.memory_space<hbm>> -> memref<128x128xf32, #tpu.memory_space<hbm>>
    tpu.wait_dma2 semaphore(%dma_wait3A_1088 : memref<!tpu.dma_semaphore, #tpu.memory_space<semaphore_mem>>) src(%dma_wait3A_1094 : memref<128x128xf32, #tpu.memory_space<hbm>>) dst(%dma_wait3A_1092 : memref<128x128xf32, #tpu.memory_space<vmem>>)
    %dma_wait3A_1095 = arith.constant 12 : i32
    %dma_wait3A_1096 = arith.constant 12 : i32
    %dma_wait3A_1097 = arith.constant 0 : i32
    %dma_wait3A_1098 = tpu.memref_slice %arg5[%dma_wait3A_1095, %dma_wait3A_1097] : memref<13x128xi32, #tpu.memory_space<vmem>> -> memref<1x128xi32, #tpu.memory_space<vmem>>
    %dma_wait3A_1099 = tpu.memref_squeeze %dma_wait3A_1098 : memref<1x128xi32, #tpu.memory_space<vmem>> -> memref<128xi32, #tpu.memory_space<vmem>>
    %dma_wait3A_1100 = tpu.memref_slice %arg3[%add3A_175] : memref<100000xi32, #tpu.memory_space<hbm>> -> memref<128xi32, #tpu.memory_space<hbm>>
    %dma_wait3A_1101 = tpu.memref_slice %arg12[%dma_wait3A_1096] : memref<13x!tpu.dma_semaphore, #tpu.memory_space<semaphore_mem>> -> memref<1x!tpu.dma_semaphore, #tpu.memory_space<semaphore_mem>>
    %dma_wait3A_1102 = tpu.memref_squeeze %dma_wait3A_1101 : memref<1x!tpu.dma_semaphore, #tpu.memory_space<semaphore_mem>> -> memref<!tpu.dma_semaphore, #tpu.memory_space<semaphore_mem>>
    %dma_wait3A_1103 = arith.constant 0 : i32
    %dma_wait3A_1104 = tpu.memref_slice %arg5[%dma_wait3A_1095, %dma_wait3A_1103] : memref<13x128xi32, #tpu.memory_space<vmem>> -> memref<1x128xi32, #tpu.memory_space<vmem>>
    %dma_wait3A_1105 = tpu.memref_squeeze %dma_wait3A_1104 : memref<1x128xi32, #tpu.memory_space<vmem>> -> memref<128xi32, #tpu.memory_space<vmem>>
    %dma_wait3A_1106 = tpu.memref_slice %arg3[%add3A_175] : memref<100000xi32, #tpu.memory_space<hbm>> -> memref<128xi32, #tpu.memory_space<hbm>>
    tpu.wait_dma2 semaphore(%dma_wait3A_1102 : memref<!tpu.dma_semaphore, #tpu.memory_space<semaphore_mem>>) src(%dma_wait3A_1106 : memref<128xi32, #tpu.memory_space<hbm>>) dst(%dma_wait3A_1105 : memref<128xi32, #tpu.memory_space<vmem>>)
    %dma_start3A_1107 = arith.constant 0 : i32
    %dma_start3A_1108 = arith.constant 12 : i32
    %dma_start3A_1109 = arith.constant 0 : i32
    %dma_start3A_1110 = arith.constant 0 : i32
    %dma_start3A_1111 = arith.constant 0 : i32
    %dma_start3A_1112 = tpu.memref_slice %arg8[%dma_start3A_1107, %dma_start3A_1110, %dma_start3A_1111] : memref<5x128x128xf32, #tpu.memory_space<vmem>> -> memref<1x128x128xf32, #tpu.memory_space<vmem>>
    %dma_start3A_1113 = tpu.memref_squeeze %dma_start3A_1112 : memref<1x128x128xf32, #tpu.memory_space<vmem>> -> memref<128x128xf32, #tpu.memory_space<vmem>>
    %dma_start3A_1114 = arith.constant 0 : i32
    %dma_start3A_1115 = tpu.memref_slice %arg5[%dma_start3A_1108, %dma_start3A_1114] : memref<13x128xi32, #tpu.memory_space<vmem>> -> memref<1x128xi32, #tpu.memory_space<vmem>>
    %dma_start3A_1116 = tpu.memref_squeeze %dma_start3A_1115 : memref<1x128xi32, #tpu.memory_space<vmem>> -> memref<128xi32, #tpu.memory_space<vmem>>
    %dma_start3A_1117 = arith.constant 0 : i32
    %dma_start3A_1118 = arith.constant 0 : i32
    %dma_start3A_1119 = tpu.memref_slice %arg9[%dma_start3A_1117, %dma_start3A_1118] : memref<1024x128xf32, #tpu.memory_space<vmem_shared>> -> memref<1024x128xf32, #tpu.memory_space<vmem_shared>>
    %dma_start3A_1120 = tpu.memref_slice %arg11[%dma_start3A_1109] : memref<4x!tpu.dma_semaphore, #tpu.memory_space<semaphore_mem>> -> memref<1x!tpu.dma_semaphore, #tpu.memory_space<semaphore_mem>>
    %dma_start3A_1121 = tpu.memref_squeeze %dma_start3A_1120 : memref<1x!tpu.dma_semaphore, #tpu.memory_space<semaphore_mem>> -> memref<!tpu.dma_semaphore, #tpu.memory_space<semaphore_mem>>
    tpu.enqueue_indirect_dma source(%dma_start3A_1113 : memref<128x128xf32, #tpu.memory_space<vmem>>) target(%dma_start3A_1119 : memref<1024x128xf32, #tpu.memory_space<vmem_shared>>) offsets(%dma_start3A_1116 : memref<128xi32, #tpu.memory_space<vmem>>) semaphore(%dma_start3A_1121 : memref<!tpu.dma_semaphore, #tpu.memory_space<semaphore_mem>>) {add = true}
    %dma_wait3A_1122 = arith.constant 1 : i32
    %dma_wait3A_1123 = arith.constant 9 : i32
    %dma_wait3A_1124 = arith.constant 1 : i32
    %dma_wait3A_1125 = arith.constant 0 : i32
    %dma_wait3A_1126 = arith.constant 0 : i32
    %dma_wait3A_1127 = tpu.memref_slice %arg8[%dma_wait3A_1122, %dma_wait3A_1125, %dma_wait3A_1126] : memref<5x128x128xf32, #tpu.memory_space<vmem>> -> memref<1x128x128xf32, #tpu.memory_space<vmem>>
    %dma_wait3A_1128 = tpu.memref_squeeze %dma_wait3A_1127 : memref<1x128x128xf32, #tpu.memory_space<vmem>> -> memref<128x128xf32, #tpu.memory_space<vmem>>
    %dma_wait3A_1129 = arith.constant 0 : i32
    %dma_wait3A_1130 = tpu.memref_slice %arg5[%dma_wait3A_1123, %dma_wait3A_1129] : memref<13x128xi32, #tpu.memory_space<vmem>> -> memref<1x128xi32, #tpu.memory_space<vmem>>
    %dma_wait3A_1131 = tpu.memref_squeeze %dma_wait3A_1130 : memref<1x128xi32, #tpu.memory_space<vmem>> -> memref<128xi32, #tpu.memory_space<vmem>>
    %dma_wait3A_1132 = arith.constant 0 : i32
    %dma_wait3A_1133 = arith.constant 0 : i32
    %dma_wait3A_1134 = tpu.memref_slice %arg9[%dma_wait3A_1132, %dma_wait3A_1133] : memref<1024x128xf32, #tpu.memory_space<vmem_shared>> -> memref<1024x128xf32, #tpu.memory_space<vmem_shared>>
    %dma_wait3A_1135 = tpu.memref_slice %arg11[%dma_wait3A_1124] : memref<4x!tpu.dma_semaphore, #tpu.memory_space<semaphore_mem>> -> memref<1x!tpu.dma_semaphore, #tpu.memory_space<semaphore_mem>>
    %dma_wait3A_1136 = tpu.memref_squeeze %dma_wait3A_1135 : memref<1x!tpu.dma_semaphore, #tpu.memory_space<semaphore_mem>> -> memref<!tpu.dma_semaphore, #tpu.memory_space<semaphore_mem>>
    tpu.wait_indirect_dma semaphore(%dma_wait3A_1136 : memref<!tpu.dma_semaphore, #tpu.memory_space<semaphore_mem>>) src(%dma_wait3A_1128 : memref<128x128xf32, #tpu.memory_space<vmem>>) dst(%dma_wait3A_1134 : memref<1024x128xf32, #tpu.memory_space<vmem_shared>>)
    %dma_wait3A_1137 = arith.constant 2 : i32
    %dma_wait3A_1138 = arith.constant 10 : i32
    %dma_wait3A_1139 = arith.constant 2 : i32
    %dma_wait3A_1140 = arith.constant 0 : i32
    %dma_wait3A_1141 = arith.constant 0 : i32
    %dma_wait3A_1142 = tpu.memref_slice %arg8[%dma_wait3A_1137, %dma_wait3A_1140, %dma_wait3A_1141] : memref<5x128x128xf32, #tpu.memory_space<vmem>> -> memref<1x128x128xf32, #tpu.memory_space<vmem>>
    %dma_wait3A_1143 = tpu.memref_squeeze %dma_wait3A_1142 : memref<1x128x128xf32, #tpu.memory_space<vmem>> -> memref<128x128xf32, #tpu.memory_space<vmem>>
    %dma_wait3A_1144 = arith.constant 0 : i32
    %dma_wait3A_1145 = tpu.memref_slice %arg5[%dma_wait3A_1138, %dma_wait3A_1144] : memref<13x128xi32, #tpu.memory_space<vmem>> -> memref<1x128xi32, #tpu.memory_space<vmem>>
    %dma_wait3A_1146 = tpu.memref_squeeze %dma_wait3A_1145 : memref<1x128xi32, #tpu.memory_space<vmem>> -> memref<128xi32, #tpu.memory_space<vmem>>
    %dma_wait3A_1147 = arith.constant 0 : i32
    %dma_wait3A_1148 = arith.constant 0 : i32
    %dma_wait3A_1149 = tpu.memref_slice %arg9[%dma_wait3A_1147, %dma_wait3A_1148] : memref<1024x128xf32, #tpu.memory_space<vmem_shared>> -> memref<1024x128xf32, #tpu.memory_space<vmem_shared>>
    %dma_wait3A_1150 = tpu.memref_slice %arg11[%dma_wait3A_1139] : memref<4x!tpu.dma_semaphore, #tpu.memory_space<semaphore_mem>> -> memref<1x!tpu.dma_semaphore, #tpu.memory_space<semaphore_mem>>
    %dma_wait3A_1151 = tpu.memref_squeeze %dma_wait3A_1150 : memref<1x!tpu.dma_semaphore, #tpu.memory_space<semaphore_mem>> -> memref<!tpu.dma_semaphore, #tpu.memory_space<semaphore_mem>>
    tpu.wait_indirect_dma semaphore(%dma_wait3A_1151 : memref<!tpu.dma_semaphore, #tpu.memory_space<semaphore_mem>>) src(%dma_wait3A_1143 : memref<128x128xf32, #tpu.memory_space<vmem>>) dst(%dma_wait3A_1149 : memref<1024x128xf32, #tpu.memory_space<vmem_shared>>)
    %dma_wait3A_1152 = arith.constant 3 : i32
    %dma_wait3A_1153 = arith.constant 11 : i32
    %dma_wait3A_1154 = arith.constant 3 : i32
    %dma_wait3A_1155 = arith.constant 0 : i32
    %dma_wait3A_1156 = arith.constant 0 : i32
    %dma_wait3A_1157 = tpu.memref_slice %arg8[%dma_wait3A_1152, %dma_wait3A_1155, %dma_wait3A_1156] : memref<5x128x128xf32, #tpu.memory_space<vmem>> -> memref<1x128x128xf32, #tpu.memory_space<vmem>>
    %dma_wait3A_1158 = tpu.memref_squeeze %dma_wait3A_1157 : memref<1x128x128xf32, #tpu.memory_space<vmem>> -> memref<128x128xf32, #tpu.memory_space<vmem>>
    %dma_wait3A_1159 = arith.constant 0 : i32
    %dma_wait3A_1160 = tpu.memref_slice %arg5[%dma_wait3A_1153, %dma_wait3A_1159] : memref<13x128xi32, #tpu.memory_space<vmem>> -> memref<1x128xi32, #tpu.memory_space<vmem>>
    %dma_wait3A_1161 = tpu.memref_squeeze %dma_wait3A_1160 : memref<1x128xi32, #tpu.memory_space<vmem>> -> memref<128xi32, #tpu.memory_space<vmem>>
    %dma_wait3A_1162 = arith.constant 0 : i32
    %dma_wait3A_1163 = arith.constant 0 : i32
    %dma_wait3A_1164 = tpu.memref_slice %arg9[%dma_wait3A_1162, %dma_wait3A_1163] : memref<1024x128xf32, #tpu.memory_space<vmem_shared>> -> memref<1024x128xf32, #tpu.memory_space<vmem_shared>>
    %dma_wait3A_1165 = tpu.memref_slice %arg11[%dma_wait3A_1154] : memref<4x!tpu.dma_semaphore, #tpu.memory_space<semaphore_mem>> -> memref<1x!tpu.dma_semaphore, #tpu.memory_space<semaphore_mem>>
    %dma_wait3A_1166 = tpu.memref_squeeze %dma_wait3A_1165 : memref<1x!tpu.dma_semaphore, #tpu.memory_space<semaphore_mem>> -> memref<!tpu.dma_semaphore, #tpu.memory_space<semaphore_mem>>
    tpu.wait_indirect_dma semaphore(%dma_wait3A_1166 : memref<!tpu.dma_semaphore, #tpu.memory_space<semaphore_mem>>) src(%dma_wait3A_1158 : memref<128x128xf32, #tpu.memory_space<vmem>>) dst(%dma_wait3A_1164 : memref<1024x128xf32, #tpu.memory_space<vmem_shared>>)
    %dma_wait3A_1167 = arith.constant 0 : i32
    %dma_wait3A_1168 = arith.constant 12 : i32
    %dma_wait3A_1169 = arith.constant 0 : i32
    %dma_wait3A_1170 = arith.constant 0 : i32
    %dma_wait3A_1171 = arith.constant 0 : i32
    %dma_wait3A_1172 = tpu.memref_slice %arg8[%dma_wait3A_1167, %dma_wait3A_1170, %dma_wait3A_1171] : memref<5x128x128xf32, #tpu.memory_space<vmem>> -> memref<1x128x128xf32, #tpu.memory_space<vmem>>
    %dma_wait3A_1173 = tpu.memref_squeeze %dma_wait3A_1172 : memref<1x128x128xf32, #tpu.memory_space<vmem>> -> memref<128x128xf32, #tpu.memory_space<vmem>>
    %dma_wait3A_1174 = arith.constant 0 : i32
    %dma_wait3A_1175 = tpu.memref_slice %arg5[%dma_wait3A_1168, %dma_wait3A_1174] : memref<13x128xi32, #tpu.memory_space<vmem>> -> memref<1x128xi32, #tpu.memory_space<vmem>>
    %dma_wait3A_1176 = tpu.memref_squeeze %dma_wait3A_1175 : memref<1x128xi32, #tpu.memory_space<vmem>> -> memref<128xi32, #tpu.memory_space<vmem>>
    %dma_wait3A_1177 = arith.constant 0 : i32
    %dma_wait3A_1178 = arith.constant 0 : i32
    %dma_wait3A_1179 = tpu.memref_slice %arg9[%dma_wait3A_1177, %dma_wait3A_1178] : memref<1024x128xf32, #tpu.memory_space<vmem_shared>> -> memref<1024x128xf32, #tpu.memory_space<vmem_shared>>
    %dma_wait3A_1180 = tpu.memref_slice %arg11[%dma_wait3A_1169] : memref<4x!tpu.dma_semaphore, #tpu.memory_space<semaphore_mem>> -> memref<1x!tpu.dma_semaphore, #tpu.memory_space<semaphore_mem>>
    %dma_wait3A_1181 = tpu.memref_squeeze %dma_wait3A_1180 : memref<1x!tpu.dma_semaphore, #tpu.memory_space<semaphore_mem>> -> memref<!tpu.dma_semaphore, #tpu.memory_space<semaphore_mem>>
    tpu.wait_indirect_dma semaphore(%dma_wait3A_1181 : memref<!tpu.dma_semaphore, #tpu.memory_space<semaphore_mem>>) src(%dma_wait3A_1173 : memref<128x128xf32, #tpu.memory_space<vmem>>) dst(%dma_wait3A_1179 : memref<1024x128xf32, #tpu.memory_space<vmem_shared>>)
    %lt3A = arith.constant 29 : i32
    %lt3A_1182 = arith.cmpi slt, %add3A, %lt3A : i32
    %convert_element_type3A = arith.extui %lt3A_1182 : i1 to i32
    %cond3A = arith.constant 0 : i32
    %cond3A_1183 = arith.cmpi ne, %convert_element_type3A, %cond3A : i32
    scf.if %cond3A_1183 {
      %add3A_1191 = arith.constant 416 : i32
      %add3A_1192 = arith.addi %add3A_1191, %add3A : i32
      %mul3A_1193 = arith.constant 128 : i32
      %mul3A_1194 = arith.muli %add3A_1192, %mul3A_1193 : i32
      %add3A_1195 = arith.constant 43008 : i32
      %add3A_1196 = arith.addi %add3A_1195, %mul3A_1194 : i32
      %run_scoped3A_1197 = arith.constant 0 : i32
      "tpu.region"() ({
        %run_scoped3A_1201 = tpu.sem_alloc : memref<!tpu.dma_semaphore, #tpu.memory_space<semaphore_mem>>
        %dma_start3A_1202 = arith.constant 0 : i32
        %dma_start3A_1203 = tpu.memref_slice %arg6[%run_scoped3A_1197, %dma_start3A_1202] : memref<1x128xi32, #tpu.memory_space<vmem>> -> memref<1x128xi32, #tpu.memory_space<vmem>>
        %dma_start3A_1204 = tpu.memref_squeeze %dma_start3A_1203 : memref<1x128xi32, #tpu.memory_space<vmem>> -> memref<128xi32, #tpu.memory_space<vmem>>
        %dma_start3A_1205 = tpu.memref_slice %arg3[%add3A_1196] : memref<100000xi32, #tpu.memory_space<hbm>> -> memref<128xi32, #tpu.memory_space<hbm>>
        %dma_start3A_1206 = arith.constant 0 : i32
        %dma_start3A_1207 = tpu.memref_slice %arg6[%run_scoped3A_1197, %dma_start3A_1206] : memref<1x128xi32, #tpu.memory_space<vmem>> -> memref<1x128xi32, #tpu.memory_space<vmem>>
        %dma_start3A_1208 = tpu.memref_squeeze %dma_start3A_1207 : memref<1x128xi32, #tpu.memory_space<vmem>> -> memref<128xi32, #tpu.memory_space<vmem>>
        %dma_start3A_1209 = tpu.memref_slice %arg3[%add3A_1196] : memref<100000xi32, #tpu.memory_space<hbm>> -> memref<128xi32, #tpu.memory_space<hbm>>
        tpu.enqueue_dma source(%dma_start3A_1209 : memref<128xi32, #tpu.memory_space<hbm>>) target(%dma_start3A_1208 : memref<128xi32, #tpu.memory_space<vmem>>) target_semaphore(%run_scoped3A_1201 : memref<!tpu.dma_semaphore, #tpu.memory_space<semaphore_mem>>)
        %dma_wait3A_1210 = arith.constant 0 : i32
        %dma_wait3A_1211 = tpu.memref_slice %arg6[%run_scoped3A_1197, %dma_wait3A_1210] : memref<1x128xi32, #tpu.memory_space<vmem>> -> memref<1x128xi32, #tpu.memory_space<vmem>>
        %dma_wait3A_1212 = tpu.memref_squeeze %dma_wait3A_1211 : memref<1x128xi32, #tpu.memory_space<vmem>> -> memref<128xi32, #tpu.memory_space<vmem>>
        %dma_wait3A_1213 = tpu.memref_slice %arg3[%add3A_1196] : memref<100000xi32, #tpu.memory_space<hbm>> -> memref<128xi32, #tpu.memory_space<hbm>>
        %dma_wait3A_1214 = arith.constant 0 : i32
        %dma_wait3A_1215 = tpu.memref_slice %arg6[%run_scoped3A_1197, %dma_wait3A_1214] : memref<1x128xi32, #tpu.memory_space<vmem>> -> memref<1x128xi32, #tpu.memory_space<vmem>>
        %dma_wait3A_1216 = tpu.memref_squeeze %dma_wait3A_1215 : memref<1x128xi32, #tpu.memory_space<vmem>> -> memref<128xi32, #tpu.memory_space<vmem>>
        %dma_wait3A_1217 = tpu.memref_slice %arg3[%add3A_1196] : memref<100000xi32, #tpu.memory_space<hbm>> -> memref<128xi32, #tpu.memory_space<hbm>>
        tpu.wait_dma2 semaphore(%run_scoped3A_1201 : memref<!tpu.dma_semaphore, #tpu.memory_space<semaphore_mem>>) src(%dma_wait3A_1217 : memref<128xi32, #tpu.memory_space<hbm>>) dst(%dma_wait3A_1216 : memref<128xi32, #tpu.memory_space<vmem>>)
        tpu.yield
      }) : () -> ()
      %run_scoped3A_1198 = arith.constant 0 : i32
      "tpu.region"() ({
        %run_scoped3A_1201 = tpu.sem_alloc : memref<!tpu.dma_semaphore, #tpu.memory_space<semaphore_mem>>
        %dma_start3A_1202 = arith.constant 0 : i32
        %dma_start3A_1203 = arith.constant 0 : i32
        %dma_start3A_1204 = tpu.memref_slice %arg8[%run_scoped3A_1198, %dma_start3A_1202, %dma_start3A_1203] : memref<5x128x128xf32, #tpu.memory_space<vmem>> -> memref<1x128x128xf32, #tpu.memory_space<vmem>>
        %dma_start3A_1205 = tpu.memref_squeeze %dma_start3A_1204 : memref<1x128x128xf32, #tpu.memory_space<vmem>> -> memref<128x128xf32, #tpu.memory_space<vmem>>
        %dma_start3A_1206 = arith.constant 0 : i32
        %dma_start3A_1207 = tpu.memref_slice %arg2[%add3A_1196, %dma_start3A_1206] : memref<100000x128xf32, #tpu.memory_space<hbm>> -> memref<128x128xf32, #tpu.memory_space<hbm>>
        %dma_start3A_1208 = arith.constant 0 : i32
        %dma_start3A_1209 = arith.constant 0 : i32
        %dma_start3A_1210 = tpu.memref_slice %arg8[%run_scoped3A_1198, %dma_start3A_1208, %dma_start3A_1209] : memref<5x128x128xf32, #tpu.memory_space<vmem>> -> memref<1x128x128xf32, #tpu.memory_space<vmem>>
        %dma_start3A_1211 = tpu.memref_squeeze %dma_start3A_1210 : memref<1x128x128xf32, #tpu.memory_space<vmem>> -> memref<128x128xf32, #tpu.memory_space<vmem>>
        %dma_start3A_1212 = arith.constant 0 : i32
        %dma_start3A_1213 = tpu.memref_slice %arg2[%add3A_1196, %dma_start3A_1212] : memref<100000x128xf32, #tpu.memory_space<hbm>> -> memref<128x128xf32, #tpu.memory_space<hbm>>
        tpu.enqueue_dma source(%dma_start3A_1213 : memref<128x128xf32, #tpu.memory_space<hbm>>) target(%dma_start3A_1211 : memref<128x128xf32, #tpu.memory_space<vmem>>) target_semaphore(%run_scoped3A_1201 : memref<!tpu.dma_semaphore, #tpu.memory_space<semaphore_mem>>)
        %dma_wait3A_1214 = arith.constant 0 : i32
        %dma_wait3A_1215 = arith.constant 0 : i32
        %dma_wait3A_1216 = tpu.memref_slice %arg8[%run_scoped3A_1198, %dma_wait3A_1214, %dma_wait3A_1215] : memref<5x128x128xf32, #tpu.memory_space<vmem>> -> memref<1x128x128xf32, #tpu.memory_space<vmem>>
        %dma_wait3A_1217 = tpu.memref_squeeze %dma_wait3A_1216 : memref<1x128x128xf32, #tpu.memory_space<vmem>> -> memref<128x128xf32, #tpu.memory_space<vmem>>
        %dma_wait3A_1218 = arith.constant 0 : i32
        %dma_wait3A_1219 = tpu.memref_slice %arg2[%add3A_1196, %dma_wait3A_1218] : memref<100000x128xf32, #tpu.memory_space<hbm>> -> memref<128x128xf32, #tpu.memory_space<hbm>>
        %dma_wait3A_1220 = arith.constant 0 : i32
        %dma_wait3A_1221 = arith.constant 0 : i32
        %dma_wait3A_1222 = tpu.memref_slice %arg8[%run_scoped3A_1198, %dma_wait3A_1220, %dma_wait3A_1221] : memref<5x128x128xf32, #tpu.memory_space<vmem>> -> memref<1x128x128xf32, #tpu.memory_space<vmem>>
        %dma_wait3A_1223 = tpu.memref_squeeze %dma_wait3A_1222 : memref<1x128x128xf32, #tpu.memory_space<vmem>> -> memref<128x128xf32, #tpu.memory_space<vmem>>
        %dma_wait3A_1224 = arith.constant 0 : i32
        %dma_wait3A_1225 = tpu.memref_slice %arg2[%add3A_1196, %dma_wait3A_1224] : memref<100000x128xf32, #tpu.memory_space<hbm>> -> memref<128x128xf32, #tpu.memory_space<hbm>>
        tpu.wait_dma2 semaphore(%run_scoped3A_1201 : memref<!tpu.dma_semaphore, #tpu.memory_space<semaphore_mem>>) src(%dma_wait3A_1225 : memref<128x128xf32, #tpu.memory_space<hbm>>) dst(%dma_wait3A_1223 : memref<128x128xf32, #tpu.memory_space<vmem>>)
        tpu.yield
      }) : () -> ()
      %run_scoped3A_1199 = arith.constant 0 : i32
      %run_scoped3A_1200 = arith.constant 0 : i32
      "tpu.region"() ({
        %run_scoped3A_1201 = tpu.sem_alloc : memref<!tpu.dma_semaphore, #tpu.memory_space<semaphore_mem>>
        %dma_start3A_1202 = arith.constant 0 : i32
        %dma_start3A_1203 = arith.constant 0 : i32
        %dma_start3A_1204 = tpu.memref_slice %arg8[%run_scoped3A_1199, %dma_start3A_1202, %dma_start3A_1203] : memref<5x128x128xf32, #tpu.memory_space<vmem>> -> memref<1x128x128xf32, #tpu.memory_space<vmem>>
        %dma_start3A_1205 = tpu.memref_squeeze %dma_start3A_1204 : memref<1x128x128xf32, #tpu.memory_space<vmem>> -> memref<128x128xf32, #tpu.memory_space<vmem>>
        %dma_start3A_1206 = arith.constant 0 : i32
        %dma_start3A_1207 = tpu.memref_slice %arg6[%run_scoped3A_1200, %dma_start3A_1206] : memref<1x128xi32, #tpu.memory_space<vmem>> -> memref<1x128xi32, #tpu.memory_space<vmem>>
        %dma_start3A_1208 = tpu.memref_squeeze %dma_start3A_1207 : memref<1x128xi32, #tpu.memory_space<vmem>> -> memref<128xi32, #tpu.memory_space<vmem>>
        %dma_start3A_1209 = arith.constant 0 : i32
        %dma_start3A_1210 = arith.constant 0 : i32
        %dma_start3A_1211 = tpu.memref_slice %arg9[%dma_start3A_1209, %dma_start3A_1210] : memref<1024x128xf32, #tpu.memory_space<vmem_shared>> -> memref<1024x128xf32, #tpu.memory_space<vmem_shared>>
        tpu.enqueue_indirect_dma source(%dma_start3A_1205 : memref<128x128xf32, #tpu.memory_space<vmem>>) target(%dma_start3A_1211 : memref<1024x128xf32, #tpu.memory_space<vmem_shared>>) offsets(%dma_start3A_1208 : memref<128xi32, #tpu.memory_space<vmem>>) semaphore(%run_scoped3A_1201 : memref<!tpu.dma_semaphore, #tpu.memory_space<semaphore_mem>>) {add = true}
        %dma_wait3A_1212 = arith.constant 0 : i32
        %dma_wait3A_1213 = arith.constant 0 : i32
        %dma_wait3A_1214 = tpu.memref_slice %arg8[%run_scoped3A_1199, %dma_wait3A_1212, %dma_wait3A_1213] : memref<5x128x128xf32, #tpu.memory_space<vmem>> -> memref<1x128x128xf32, #tpu.memory_space<vmem>>
        %dma_wait3A_1215 = tpu.memref_squeeze %dma_wait3A_1214 : memref<1x128x128xf32, #tpu.memory_space<vmem>> -> memref<128x128xf32, #tpu.memory_space<vmem>>
        %dma_wait3A_1216 = arith.constant 0 : i32
        %dma_wait3A_1217 = tpu.memref_slice %arg6[%run_scoped3A_1200, %dma_wait3A_1216] : memref<1x128xi32, #tpu.memory_space<vmem>> -> memref<1x128xi32, #tpu.memory_space<vmem>>
        %dma_wait3A_1218 = tpu.memref_squeeze %dma_wait3A_1217 : memref<1x128xi32, #tpu.memory_space<vmem>> -> memref<128xi32, #tpu.memory_space<vmem>>
        %dma_wait3A_1219 = arith.constant 0 : i32
        %dma_wait3A_1220 = arith.constant 0 : i32
        %dma_wait3A_1221 = tpu.memref_slice %arg9[%dma_wait3A_1219, %dma_wait3A_1220] : memref<1024x128xf32, #tpu.memory_space<vmem_shared>> -> memref<1024x128xf32, #tpu.memory_space<vmem_shared>>
        tpu.wait_indirect_dma semaphore(%run_scoped3A_1201 : memref<!tpu.dma_semaphore, #tpu.memory_space<semaphore_mem>>) src(%dma_wait3A_1215 : memref<128x128xf32, #tpu.memory_space<vmem>>) dst(%dma_wait3A_1221 : memref<1024x128xf32, #tpu.memory_space<vmem_shared>>)
        tpu.yield
      }) : () -> ()
    } else {
    }
    %eq3A = arith.constant 31 : i32
    %eq3A_1184 = arith.cmpi eq, %add3A, %eq3A : i32
    %convert_element_type3A_1185 = arith.extui %eq3A_1184 : i1 to i32
    %cond3A_1186 = arith.constant 0 : i32
    %cond3A_1187 = arith.cmpi ne, %convert_element_type3A_1185, %cond3A_1186 : i32
    scf.if %cond3A_1187 {
      %run_scoped3A_1191 = arith.constant 0 : i32
      "tpu.region"() ({
        %run_scoped3A_1195 = tpu.sem_alloc : memref<!tpu.dma_semaphore, #tpu.memory_space<semaphore_mem>>
        %dma_start3A_1196 = arith.constant 0 : i32
        %dma_start3A_1197 = tpu.memref_slice %arg7[%run_scoped3A_1191, %dma_start3A_1196] : memref<1x32xi32, #tpu.memory_space<vmem>> -> memref<1x32xi32, #tpu.memory_space<vmem>>
        %dma_start3A_1198 = tpu.memref_squeeze %dma_start3A_1197 : memref<1x32xi32, #tpu.memory_space<vmem>> -> memref<32xi32, #tpu.memory_space<vmem>>
        %dma_start3A_1199 = arith.constant 99968 : i32
        %dma_start3A_1200 = tpu.memref_slice %arg3[%dma_start3A_1199] : memref<100000xi32, #tpu.memory_space<hbm>> -> memref<32xi32, #tpu.memory_space<hbm>>
        %dma_start3A_1201 = arith.constant 0 : i32
        %dma_start3A_1202 = tpu.memref_slice %arg7[%run_scoped3A_1191, %dma_start3A_1201] : memref<1x32xi32, #tpu.memory_space<vmem>> -> memref<1x32xi32, #tpu.memory_space<vmem>>
        %dma_start3A_1203 = tpu.memref_squeeze %dma_start3A_1202 : memref<1x32xi32, #tpu.memory_space<vmem>> -> memref<32xi32, #tpu.memory_space<vmem>>
        %dma_start3A_1204 = arith.constant 99968 : i32
        %dma_start3A_1205 = tpu.memref_slice %arg3[%dma_start3A_1204] : memref<100000xi32, #tpu.memory_space<hbm>> -> memref<32xi32, #tpu.memory_space<hbm>>
        tpu.enqueue_dma source(%dma_start3A_1205 : memref<32xi32, #tpu.memory_space<hbm>>) target(%dma_start3A_1203 : memref<32xi32, #tpu.memory_space<vmem>>) target_semaphore(%run_scoped3A_1195 : memref<!tpu.dma_semaphore, #tpu.memory_space<semaphore_mem>>)
        %dma_wait3A_1206 = arith.constant 0 : i32
        %dma_wait3A_1207 = tpu.memref_slice %arg7[%run_scoped3A_1191, %dma_wait3A_1206] : memref<1x32xi32, #tpu.memory_space<vmem>> -> memref<1x32xi32, #tpu.memory_space<vmem>>
        %dma_wait3A_1208 = tpu.memref_squeeze %dma_wait3A_1207 : memref<1x32xi32, #tpu.memory_space<vmem>> -> memref<32xi32, #tpu.memory_space<vmem>>
        %dma_wait3A_1209 = arith.constant 99968 : i32
        %dma_wait3A_1210 = tpu.memref_slice %arg3[%dma_wait3A_1209] : memref<100000xi32, #tpu.memory_space<hbm>> -> memref<32xi32, #tpu.memory_space<hbm>>
        %dma_wait3A_1211 = arith.constant 0 : i32
        %dma_wait3A_1212 = tpu.memref_slice %arg7[%run_scoped3A_1191, %dma_wait3A_1211] : memref<1x32xi32, #tpu.memory_space<vmem>> -> memref<1x32xi32, #tpu.memory_space<vmem>>
        %dma_wait3A_1213 = tpu.memref_squeeze %dma_wait3A_1212 : memref<1x32xi32, #tpu.memory_space<vmem>> -> memref<32xi32, #tpu.memory_space<vmem>>
        %dma_wait3A_1214 = arith.constant 99968 : i32
        %dma_wait3A_1215 = tpu.memref_slice %arg3[%dma_wait3A_1214] : memref<100000xi32, #tpu.memory_space<hbm>> -> memref<32xi32, #tpu.memory_space<hbm>>
        tpu.wait_dma2 semaphore(%run_scoped3A_1195 : memref<!tpu.dma_semaphore, #tpu.memory_space<semaphore_mem>>) src(%dma_wait3A_1215 : memref<32xi32, #tpu.memory_space<hbm>>) dst(%dma_wait3A_1213 : memref<32xi32, #tpu.memory_space<vmem>>)
        tpu.yield
      }) : () -> ()
      %run_scoped3A_1192 = arith.constant 1 : i32
      "tpu.region"() ({
        %run_scoped3A_1195 = tpu.sem_alloc : memref<!tpu.dma_semaphore, #tpu.memory_space<semaphore_mem>>
        %dma_start3A_1196 = arith.constant 0 : i32
        %dma_start3A_1197 = arith.constant 0 : i32
        %dma_start3A_1198 = tpu.memref_slice %arg8[%run_scoped3A_1192, %dma_start3A_1196, %dma_start3A_1197] : memref<5x128x128xf32, #tpu.memory_space<vmem>> -> memref<1x128x128xf32, #tpu.memory_space<vmem>>
        %dma_start3A_1199 = tpu.memref_squeeze %dma_start3A_1198 : memref<1x128x128xf32, #tpu.memory_space<vmem>> -> memref<128x128xf32, #tpu.memory_space<vmem>>
        %dma_start3A_1200 = arith.constant 0 : i32
        %dma_start3A_1201 = arith.constant 0 : i32
        %dma_start3A_1202 = tpu.memref_slice %dma_start3A_1199[%dma_start3A_1200, %dma_start3A_1201] : memref<128x128xf32, #tpu.memory_space<vmem>> -> memref<32x128xf32, #tpu.memory_space<vmem>>
        %dma_start3A_1203 = arith.constant 99968 : i32
        %dma_start3A_1204 = arith.constant 0 : i32
        %dma_start3A_1205 = tpu.memref_slice %arg2[%dma_start3A_1203, %dma_start3A_1204] : memref<100000x128xf32, #tpu.memory_space<hbm>> -> memref<32x128xf32, #tpu.memory_space<hbm>>
        %dma_start3A_1206 = arith.constant 0 : i32
        %dma_start3A_1207 = arith.constant 0 : i32
        %dma_start3A_1208 = tpu.memref_slice %arg8[%run_scoped3A_1192, %dma_start3A_1206, %dma_start3A_1207] : memref<5x128x128xf32, #tpu.memory_space<vmem>> -> memref<1x128x128xf32, #tpu.memory_space<vmem>>
        %dma_start3A_1209 = tpu.memref_squeeze %dma_start3A_1208 : memref<1x128x128xf32, #tpu.memory_space<vmem>> -> memref<128x128xf32, #tpu.memory_space<vmem>>
        %dma_start3A_1210 = arith.constant 0 : i32
        %dma_start3A_1211 = arith.constant 0 : i32
        %dma_start3A_1212 = tpu.memref_slice %dma_start3A_1209[%dma_start3A_1210, %dma_start3A_1211] : memref<128x128xf32, #tpu.memory_space<vmem>> -> memref<32x128xf32, #tpu.memory_space<vmem>>
        %dma_start3A_1213 = arith.constant 99968 : i32
        %dma_start3A_1214 = arith.constant 0 : i32
        %dma_start3A_1215 = tpu.memref_slice %arg2[%dma_start3A_1213, %dma_start3A_1214] : memref<100000x128xf32, #tpu.memory_space<hbm>> -> memref<32x128xf32, #tpu.memory_space<hbm>>
        tpu.enqueue_dma source(%dma_start3A_1215 : memref<32x128xf32, #tpu.memory_space<hbm>>) target(%dma_start3A_1212 : memref<32x128xf32, #tpu.memory_space<vmem>>) target_semaphore(%run_scoped3A_1195 : memref<!tpu.dma_semaphore, #tpu.memory_space<semaphore_mem>>)
        %dma_wait3A_1216 = arith.constant 0 : i32
        %dma_wait3A_1217 = arith.constant 0 : i32
        %dma_wait3A_1218 = tpu.memref_slice %arg8[%run_scoped3A_1192, %dma_wait3A_1216, %dma_wait3A_1217] : memref<5x128x128xf32, #tpu.memory_space<vmem>> -> memref<1x128x128xf32, #tpu.memory_space<vmem>>
        %dma_wait3A_1219 = tpu.memref_squeeze %dma_wait3A_1218 : memref<1x128x128xf32, #tpu.memory_space<vmem>> -> memref<128x128xf32, #tpu.memory_space<vmem>>
        %dma_wait3A_1220 = arith.constant 0 : i32
        %dma_wait3A_1221 = arith.constant 0 : i32
        %dma_wait3A_1222 = tpu.memref_slice %dma_wait3A_1219[%dma_wait3A_1220, %dma_wait3A_1221] : memref<128x128xf32, #tpu.memory_space<vmem>> -> memref<32x128xf32, #tpu.memory_space<vmem>>
        %dma_wait3A_1223 = arith.constant 99968 : i32
        %dma_wait3A_1224 = arith.constant 0 : i32
        %dma_wait3A_1225 = tpu.memref_slice %arg2[%dma_wait3A_1223, %dma_wait3A_1224] : memref<100000x128xf32, #tpu.memory_space<hbm>> -> memref<32x128xf32, #tpu.memory_space<hbm>>
        %dma_wait3A_1226 = arith.constant 0 : i32
        %dma_wait3A_1227 = arith.constant 0 : i32
        %dma_wait3A_1228 = tpu.memref_slice %arg8[%run_scoped3A_1192, %dma_wait3A_1226, %dma_wait3A_1227] : memref<5x128x128xf32, #tpu.memory_space<vmem>> -> memref<1x128x128xf32, #tpu.memory_space<vmem>>
        %dma_wait3A_1229 = tpu.memref_squeeze %dma_wait3A_1228 : memref<1x128x128xf32, #tpu.memory_space<vmem>> -> memref<128x128xf32, #tpu.memory_space<vmem>>
        %dma_wait3A_1230 = arith.constant 0 : i32
        %dma_wait3A_1231 = arith.constant 0 : i32
        %dma_wait3A_1232 = tpu.memref_slice %dma_wait3A_1229[%dma_wait3A_1230, %dma_wait3A_1231] : memref<128x128xf32, #tpu.memory_space<vmem>> -> memref<32x128xf32, #tpu.memory_space<vmem>>
        %dma_wait3A_1233 = arith.constant 99968 : i32
        %dma_wait3A_1234 = arith.constant 0 : i32
        %dma_wait3A_1235 = tpu.memref_slice %arg2[%dma_wait3A_1233, %dma_wait3A_1234] : memref<100000x128xf32, #tpu.memory_space<hbm>> -> memref<32x128xf32, #tpu.memory_space<hbm>>
        tpu.wait_dma2 semaphore(%run_scoped3A_1195 : memref<!tpu.dma_semaphore, #tpu.memory_space<semaphore_mem>>) src(%dma_wait3A_1235 : memref<32x128xf32, #tpu.memory_space<hbm>>) dst(%dma_wait3A_1232 : memref<32x128xf32, #tpu.memory_space<vmem>>)
        tpu.yield
      }) : () -> ()
      %run_scoped3A_1193 = arith.constant 1 : i32
      %run_scoped3A_1194 = arith.constant 0 : i32
      "tpu.region"() ({
        %run_scoped3A_1195 = tpu.sem_alloc : memref<!tpu.dma_semaphore, #tpu.memory_space<semaphore_mem>>
        %dma_start3A_1196 = arith.constant 0 : i32
        %dma_start3A_1197 = arith.constant 0 : i32
        %dma_start3A_1198 = tpu.memref_slice %arg8[%run_scoped3A_1193, %dma_start3A_1196, %dma_start3A_1197] : memref<5x128x128xf32, #tpu.memory_space<vmem>> -> memref<1x128x128xf32, #tpu.memory_space<vmem>>
        %dma_start3A_1199 = tpu.memref_squeeze %dma_start3A_1198 : memref<1x128x128xf32, #tpu.memory_space<vmem>> -> memref<128x128xf32, #tpu.memory_space<vmem>>
        %dma_start3A_1200 = arith.constant 0 : i32
        %dma_start3A_1201 = arith.constant 0 : i32
        %dma_start3A_1202 = tpu.memref_slice %dma_start3A_1199[%dma_start3A_1200, %dma_start3A_1201] : memref<128x128xf32, #tpu.memory_space<vmem>> -> memref<32x128xf32, #tpu.memory_space<vmem>>
        %dma_start3A_1203 = arith.constant 0 : i32
        %dma_start3A_1204 = tpu.memref_slice %arg7[%run_scoped3A_1194, %dma_start3A_1203] : memref<1x32xi32, #tpu.memory_space<vmem>> -> memref<1x32xi32, #tpu.memory_space<vmem>>
        %dma_start3A_1205 = tpu.memref_squeeze %dma_start3A_1204 : memref<1x32xi32, #tpu.memory_space<vmem>> -> memref<32xi32, #tpu.memory_space<vmem>>
        %dma_start3A_1206 = arith.constant 0 : i32
        %dma_start3A_1207 = arith.constant 0 : i32
        %dma_start3A_1208 = tpu.memref_slice %arg9[%dma_start3A_1206, %dma_start3A_1207] : memref<1024x128xf32, #tpu.memory_space<vmem_shared>> -> memref<1024x128xf32, #tpu.memory_space<vmem_shared>>
        tpu.enqueue_indirect_dma source(%dma_start3A_1202 : memref<32x128xf32, #tpu.memory_space<vmem>>) target(%dma_start3A_1208 : memref<1024x128xf32, #tpu.memory_space<vmem_shared>>) offsets(%dma_start3A_1205 : memref<32xi32, #tpu.memory_space<vmem>>) semaphore(%run_scoped3A_1195 : memref<!tpu.dma_semaphore, #tpu.memory_space<semaphore_mem>>) {add = true}
        %dma_wait3A_1209 = arith.constant 0 : i32
        %dma_wait3A_1210 = arith.constant 0 : i32
        %dma_wait3A_1211 = tpu.memref_slice %arg8[%run_scoped3A_1193, %dma_wait3A_1209, %dma_wait3A_1210] : memref<5x128x128xf32, #tpu.memory_space<vmem>> -> memref<1x128x128xf32, #tpu.memory_space<vmem>>
        %dma_wait3A_1212 = tpu.memref_squeeze %dma_wait3A_1211 : memref<1x128x128xf32, #tpu.memory_space<vmem>> -> memref<128x128xf32, #tpu.memory_space<vmem>>
        %dma_wait3A_1213 = arith.constant 0 : i32
        %dma_wait3A_1214 = arith.constant 0 : i32
        %dma_wait3A_1215 = tpu.memref_slice %dma_wait3A_1212[%dma_wait3A_1213, %dma_wait3A_1214] : memref<128x128xf32, #tpu.memory_space<vmem>> -> memref<32x128xf32, #tpu.memory_space<vmem>>
        %dma_wait3A_1216 = arith.constant 0 : i32
        %dma_wait3A_1217 = tpu.memref_slice %arg7[%run_scoped3A_1194, %dma_wait3A_1216] : memref<1x32xi32, #tpu.memory_space<vmem>> -> memref<1x32xi32, #tpu.memory_space<vmem>>
        %dma_wait3A_1218 = tpu.memref_squeeze %dma_wait3A_1217 : memref<1x32xi32, #tpu.memory_space<vmem>> -> memref<32xi32, #tpu.memory_space<vmem>>
        %dma_wait3A_1219 = arith.constant 0 : i32
        %dma_wait3A_1220 = arith.constant 0 : i32
        %dma_wait3A_1221 = tpu.memref_slice %arg9[%dma_wait3A_1219, %dma_wait3A_1220] : memref<1024x128xf32, #tpu.memory_space<vmem_shared>> -> memref<1024x128xf32, #tpu.memory_space<vmem_shared>>
        tpu.wait_indirect_dma semaphore(%run_scoped3A_1195 : memref<!tpu.dma_semaphore, #tpu.memory_space<semaphore_mem>>) src(%dma_wait3A_1215 : memref<32x128xf32, #tpu.memory_space<vmem>>) dst(%dma_wait3A_1221 : memref<1024x128xf32, #tpu.memory_space<vmem_shared>>)
        tpu.yield
      }) : () -> ()
    } else {
    }
    %barrier3A_1188 = arith.constant 0 : index
    tpu.barrier barrier_id(%barrier3A_1188)
    %mul3A_1189 = arith.constant 64 : i32
    %mul3A_1190 = arith.muli %arg1, %mul3A_1189 : i32
    "tpu.region"() ({
      %run_scoped3A_1191 = tpu.sem_alloc : memref<!tpu.dma_semaphore, #tpu.memory_space<semaphore_mem>>
      %dma_start3A_1192 = arith.constant 0 : i32
      %dma_start3A_1193 = arith.constant 0 : i32
      %dma_start3A_1194 = tpu.memref_slice %arg4[%arg0, %dma_start3A_1192, %dma_start3A_1193] : memref<2x1024x128xf32, #tpu.memory_space<hbm>> -> memref<1x1024x128xf32, #tpu.memory_space<hbm>>
      %dma_start3A_1195 = tpu.memref_squeeze %dma_start3A_1194 : memref<1x1024x128xf32, #tpu.memory_space<hbm>> -> memref<1024x128xf32, #tpu.memory_space<hbm>>
      %dma_start3A_1196 = arith.constant 0 : i32
      %dma_start3A_1197 = tpu.memref_slice %dma_start3A_1195[%mul3A_1190, %dma_start3A_1196] : memref<1024x128xf32, #tpu.memory_space<hbm>> -> memref<64x128xf32, #tpu.memory_space<hbm>>
      %dma_start3A_1198 = arith.constant 0 : i32
      %dma_start3A_1199 = tpu.memref_slice %arg9[%mul3A_1190, %dma_start3A_1198] : memref<1024x128xf32, #tpu.memory_space<vmem_shared>> -> memref<64x128xf32, #tpu.memory_space<vmem_shared>>
      tpu.enqueue_dma source(%dma_start3A_1199 : memref<64x128xf32, #tpu.memory_space<vmem_shared>>) target(%dma_start3A_1197 : memref<64x128xf32, #tpu.memory_space<hbm>>) target_semaphore(%run_scoped3A_1191 : memref<!tpu.dma_semaphore, #tpu.memory_space<semaphore_mem>>)
      %dma_wait3A_1200 = arith.constant 0 : i32
      %dma_wait3A_1201 = arith.constant 0 : i32
      %dma_wait3A_1202 = tpu.memref_slice %arg4[%arg0, %dma_wait3A_1200, %dma_wait3A_1201] : memref<2x1024x128xf32, #tpu.memory_space<hbm>> -> memref<1x1024x128xf32, #tpu.memory_space<hbm>>
      %dma_wait3A_1203 = tpu.memref_squeeze %dma_wait3A_1202 : memref<1x1024x128xf32, #tpu.memory_space<hbm>> -> memref<1024x128xf32, #tpu.memory_space<hbm>>
      %dma_wait3A_1204 = arith.constant 0 : i32
      %dma_wait3A_1205 = tpu.memref_slice %dma_wait3A_1203[%mul3A_1190, %dma_wait3A_1204] : memref<1024x128xf32, #tpu.memory_space<hbm>> -> memref<64x128xf32, #tpu.memory_space<hbm>>
      %dma_wait3A_1206 = arith.constant 0 : i32
      %dma_wait3A_1207 = tpu.memref_slice %arg9[%mul3A_1190, %dma_wait3A_1206] : memref<1024x128xf32, #tpu.memory_space<vmem_shared>> -> memref<64x128xf32, #tpu.memory_space<vmem_shared>>
      tpu.wait_dma2 semaphore(%run_scoped3A_1191 : memref<!tpu.dma_semaphore, #tpu.memory_space<semaphore_mem>>) src(%dma_wait3A_1207 : memref<64x128xf32, #tpu.memory_space<vmem_shared>>) dst(%dma_wait3A_1205 : memref<64x128xf32, #tpu.memory_space<hbm>>)
      tpu.yield
    }) : () -> ()
    return
  }
}

module attributes {stable_mosaic.version = 14 : i64} {
  func.func @_tc_pool(%arg0: i32, %arg1: memref<2048xi32, #tpu.memory_space<vmem>>, %arg2: memref<2048x128xf32, #tpu.memory_space<vmem>>, %arg3: memref<8x128x128xf32, #tpu.memory_space<vmem>>) attributes {dimension_semantics = [#tpu.dimension_semantics<arbitrary>], iteration_bounds = array<i64: 21>, scalar_prefetch = 0 : i64, scratch_operands = 0 : i64, tpu.core_type = #tpu.core_type<tc>, window_params = [{transform_indices = @transform_0, window_bounds = array<i64: 2048>}, {transform_indices = @transform_1, window_bounds = array<i64: 2048, 128>}, {pipeline_mode = #tpu.pipeline_mode<synchronous>, transform_indices = @transform_2, window_bounds = array<i64: 8, 128, 128>}]} {
    %eq3A = arith.constant 0 : i32
    %eq3A_0 = arith.cmpi eq, %arg0, %eq3A : i32
    %convert_element_type3A = arith.extui %eq3A_0 : i1 to i32
    %cond3A = arith.constant 0 : i32
    %cond3A_1 = arith.cmpi ne, %convert_element_type3A, %cond3A : i32
    scf.if %cond3A_1 {
      %broadcast_in_dim3A = arith.constant 0.000000e+00 : f32
      %broadcast_in_dim3A_65 = vector.broadcast %broadcast_in_dim3A : f32 to vector<8x128x128xf32>
      %swap3A = arith.constant 0 : index
      %swap3A_66 = arith.constant 0 : index
      %swap3A_67 = arith.constant 0 : index
      %swap3A_68 = vector.load %arg3[%swap3A, %swap3A_66, %swap3A_67] : memref<8x128x128xf32, #tpu.memory_space<vmem>>, vector<8x128x128xf32>
      tpu.vector_store %arg3[%swap3A, %swap3A_66, %swap3A_67], %broadcast_in_dim3A_65 {strides = array<i32>} : memref<8x128x128xf32, #tpu.memory_space<vmem>>, vector<8x128x128xf32>,
    } else {
    }
    %get3A = arith.constant 0 : index
    %get3A_2 = vector.load %arg1[%get3A] : memref<2048xi32, #tpu.memory_space<vmem>>, vector<2048xi32>
    %get3A_3 = arith.constant 0 : index
    %get3A_4 = arith.constant 0 : index
    %get3A_5 = vector.load %arg2[%get3A_3, %get3A_4] : memref<2048x128xf32, #tpu.memory_space<vmem>>, vector<2048x128xf32>
    %convert_element_type3A_6 = arith.truncf %get3A_5 : vector<2048x128xf32> to vector<2048x128xbf16>
    %get3A_7 = arith.constant 0 : index
    %get3A_8 = vector.load %arg1[%get3A_7] : memref<2048xi32, #tpu.memory_space<vmem>>, vector<1xi32>
    %get3A_9 = vector.extract %get3A_8[0] : i32 from vector<1xi32>
    %jit3A = arith.constant 128 : i32
    %div3A = arith.divsi %get3A_9, %jit3A : i32
    %sign3A = arith.constant 0 : i32
    %sign3A_10 = arith.cmpi sgt, %get3A_9, %sign3A : i32
    %sign3A_11 = arith.extui %sign3A_10 : i1 to i32
    %sign3A_12 = arith.constant 0 : i32
    %sign3A_13 = arith.cmpi slt, %get3A_9, %sign3A_12 : i32
    %sign3A_14 = arith.extui %sign3A_13 : i1 to i32
    %sign3A_15 = arith.subi %sign3A_11, %sign3A_14 : i32
    %sign3A_16 = arith.constant 0 : i32
    %sign3A_17 = arith.cmpi sgt, %jit3A, %sign3A_16 : i32
    %sign3A_18 = arith.extui %sign3A_17 : i1 to i32
    %sign3A_19 = arith.constant 0 : i32
    %sign3A_20 = arith.cmpi slt, %jit3A, %sign3A_19 : i32
    %sign3A_21 = arith.extui %sign3A_20 : i1 to i32
    %sign3A_22 = arith.subi %sign3A_18, %sign3A_21 : i32
    %ne3A = arith.cmpi ne, %sign3A_15, %sign3A_22 : i32
    %rem3A = arith.remsi %get3A_9, %jit3A : i32
    %ne3A_23 = arith.constant 0 : i32
    %ne3A_24 = arith.cmpi ne, %rem3A, %ne3A_23 : i32
    %and3A = arith.andi %ne3A, %ne3A_24 : i1
    %sub3A = arith.constant 1 : i32
    %sub3A_25 = arith.subi %div3A, %sub3A : i32
    %select_n3A = arith.select %and3A, %sub3A_25, %div3A : i32
    %get3A_26 = arith.constant 2047 : index
    %get3A_27 = vector.load %arg1[%get3A_26] : memref<2048xi32, #tpu.memory_space<vmem>>, vector<1xi32>
    %get3A_28 = vector.extract %get3A_27[0] : i32 from vector<1xi32>
    %jit3A_29 = arith.constant 128 : i32
    %div3A_30 = arith.divsi %get3A_28, %jit3A_29 : i32
    %sign3A_31 = arith.constant 0 : i32
    %sign3A_32 = arith.cmpi sgt, %get3A_28, %sign3A_31 : i32
    %sign3A_33 = arith.extui %sign3A_32 : i1 to i32
    %sign3A_34 = arith.constant 0 : i32
    %sign3A_35 = arith.cmpi slt, %get3A_28, %sign3A_34 : i32
    %sign3A_36 = arith.extui %sign3A_35 : i1 to i32
    %sign3A_37 = arith.subi %sign3A_33, %sign3A_36 : i32
    %sign3A_38 = arith.constant 0 : i32
    %sign3A_39 = arith.cmpi sgt, %jit3A_29, %sign3A_38 : i32
    %sign3A_40 = arith.extui %sign3A_39 : i1 to i32
    %sign3A_41 = arith.constant 0 : i32
    %sign3A_42 = arith.cmpi slt, %jit3A_29, %sign3A_41 : i32
    %sign3A_43 = arith.extui %sign3A_42 : i1 to i32
    %sign3A_44 = arith.subi %sign3A_40, %sign3A_43 : i32
    %ne3A_45 = arith.cmpi ne, %sign3A_37, %sign3A_44 : i32
    %rem3A_46 = arith.remsi %get3A_28, %jit3A_29 : i32
    %ne3A_47 = arith.constant 0 : i32
    %ne3A_48 = arith.cmpi ne, %rem3A_46, %ne3A_47 : i32
    %and3A_49 = arith.andi %ne3A_45, %ne3A_48 : i1
    %sub3A_50 = arith.constant 1 : i32
    %sub3A_51 = arith.subi %div3A_30, %sub3A_50 : i32
    %select_n3A_52 = arith.select %and3A_49, %sub3A_51, %div3A_30 : i32
    %iota3A = tpu.iota {dimensions = array<i32: 0>} : vector<128x2048xi32>
    %convert_element_type3A_53 = arith.sitofp %iota3A : vector<128x2048xi32> to vector<128x2048xbf16>
    %add3A = arith.constant 1 : i32
    %add3A_54 = arith.addi %select_n3A_52, %add3A : i32
    %while3A = arith.constant 0 : i32
    %while3A_55 = arith.subi %add3A_54, %select_n3A : i32
    %while3A_56 = arith.addi %select_n3A, %while3A_55 : i32
    %while3A_57 = arith.constant 1 : i32
    %while3A_58 = arith.divsi %while3A_55, %while3A_57 : i32
    %while3A_59 = arith.muli %while3A_58, %while3A_57 : i32
    %while3A_60 = arith.addi %select_n3A, %while3A_59 : i32
    %while3A_61 = arith.constant 1 : i32
    %while3A_62 = scf.for %while3A_65 = %select_n3A to %while3A_60 step %while3A_61 iter_args(%while3A_66 = %while3A) -> (i32)  : i32 {
      %mul3A = arith.constant 128 : i32
      %mul3A_67 = arith.muli %while3A_65, %mul3A : i32
      %sub3A_68 = vector.broadcast %mul3A_67 : i32 to vector<2048xi32>
      %sub3A_69 = arith.subi %get3A_2, %sub3A_68 : vector<2048xi32>
      %convert_element_type3A_70 = arith.sitofp %sub3A_69 : vector<2048xi32> to vector<2048xbf16>
      %broadcast_in_dim3A = vector.shape_cast %convert_element_type3A_70 : vector<2048xbf16> to vector<1x2048xbf16>
      %eq3A_71 = vector.broadcast %broadcast_in_dim3A : vector<1x2048xbf16> to vector<128x2048xbf16>
      %eq3A_72 = arith.cmpf oeq, %convert_element_type3A_53, %eq3A_71 : vector<128x2048xbf16>
      %jit3A_73 = arith.constant 1.000000e+00 : bf16
      %jit3A_74 = arith.constant 0.000000e+00 : bf16
      %broadcast_in_dim3A_75 = vector.broadcast %jit3A_73 : bf16 to vector<128x2048xbf16>
      %broadcast_in_dim3A_76 = vector.broadcast %jit3A_74 : bf16 to vector<128x2048xbf16>
      %select_n3A_77 = arith.select %eq3A_72, %broadcast_in_dim3A_75, %broadcast_in_dim3A_76 : vector<128x2048xi1>, vector<128x2048xbf16>
      %get3A_78 = arith.index_cast %while3A_65 : i32 to index
      %get3A_79 = arith.constant 0 : index
      %get3A_80 = arith.constant 0 : index
      %get3A_81 = vector.load %arg3[%get3A_78, %get3A_79, %get3A_80] : memref<8x128x128xf32, #tpu.memory_space<vmem>>, vector<1x128x128xf32>
      %get3A_82 = vector.shape_cast %get3A_81 : vector<1x128x128xf32> to vector<128x128xf32>
      %dot_general3A = arith.constant dense<0.000000e+00> : vector<128x128xf32>
      %dot_general3A_83 = tpu.matmul %select_n3A_77, %convert_element_type3A_6, %dot_general3A {dimension_numbers = #tpu.dot_dimension_numbers<[1], [0], [0], [1], [0, 0, 1, 1], [], []>, transpose_lhs_hint = false} : vector<128x2048xbf16>, vector<2048x128xbf16>, vector<128x128xf32> -> vector<128x128xf32>
      %add3A_84 = arith.addf %get3A_82, %dot_general3A_83 : vector<128x128xf32>
      %swap3A = arith.index_cast %while3A_65 : i32 to index
      %swap3A_85 = arith.constant 0 : index
      %swap3A_86 = arith.constant 0 : index
      %swap3A_87 = vector.load %arg3[%swap3A, %swap3A_85, %swap3A_86] : memref<8x128x128xf32, #tpu.memory_space<vmem>>, vector<1x128x128xf32>
      %swap3A_88 = vector.shape_cast %swap3A_87 : vector<1x128x128xf32> to vector<128x128xf32>
      %swap3A_89 = vector.shape_cast %add3A_84 : vector<128x128xf32> to vector<1x128x128xf32>
      tpu.vector_store %arg3[%swap3A, %swap3A_85, %swap3A_86], %swap3A_89 {strides = array<i32>} : memref<8x128x128xf32, #tpu.memory_space<vmem>>, vector<1x128x128xf32>,
      %while3A_90 = arith.constant 0 : i32
      scf.yield %while3A_90 : i32
    }
    %while3A_63 = arith.constant 1 : i32
    %while3A_64 = scf.for %while3A_65 = %while3A_60 to %while3A_56 step %while3A_63 iter_args(%while3A_66 = %while3A_62) -> (i32)  : i32 {
      %mul3A = arith.constant 128 : i32
      %mul3A_67 = arith.muli %while3A_65, %mul3A : i32
      %sub3A_68 = vector.broadcast %mul3A_67 : i32 to vector<2048xi32>
      %sub3A_69 = arith.subi %get3A_2, %sub3A_68 : vector<2048xi32>
      %convert_element_type3A_70 = arith.sitofp %sub3A_69 : vector<2048xi32> to vector<2048xbf16>
      %broadcast_in_dim3A = vector.shape_cast %convert_element_type3A_70 : vector<2048xbf16> to vector<1x2048xbf16>
      %eq3A_71 = vector.broadcast %broadcast_in_dim3A : vector<1x2048xbf16> to vector<128x2048xbf16>
      %eq3A_72 = arith.cmpf oeq, %convert_element_type3A_53, %eq3A_71 : vector<128x2048xbf16>
      %jit3A_73 = arith.constant 1.000000e+00 : bf16
      %jit3A_74 = arith.constant 0.000000e+00 : bf16
      %broadcast_in_dim3A_75 = vector.broadcast %jit3A_73 : bf16 to vector<128x2048xbf16>
      %broadcast_in_dim3A_76 = vector.broadcast %jit3A_74 : bf16 to vector<128x2048xbf16>
      %select_n3A_77 = arith.select %eq3A_72, %broadcast_in_dim3A_75, %broadcast_in_dim3A_76 : vector<128x2048xi1>, vector<128x2048xbf16>
      %get3A_78 = arith.index_cast %while3A_65 : i32 to index
      %get3A_79 = arith.constant 0 : index
      %get3A_80 = arith.constant 0 : index
      %get3A_81 = vector.load %arg3[%get3A_78, %get3A_79, %get3A_80] : memref<8x128x128xf32, #tpu.memory_space<vmem>>, vector<1x128x128xf32>
      %get3A_82 = vector.shape_cast %get3A_81 : vector<1x128x128xf32> to vector<128x128xf32>
      %dot_general3A = arith.constant dense<0.000000e+00> : vector<128x128xf32>
      %dot_general3A_83 = tpu.matmul %select_n3A_77, %convert_element_type3A_6, %dot_general3A {dimension_numbers = #tpu.dot_dimension_numbers<[1], [0], [0], [1], [0, 0, 1, 1], [], []>, transpose_lhs_hint = false} : vector<128x2048xbf16>, vector<2048x128xbf16>, vector<128x128xf32> -> vector<128x128xf32>
      %add3A_84 = arith.addf %get3A_82, %dot_general3A_83 : vector<128x128xf32>
      %swap3A = arith.index_cast %while3A_65 : i32 to index
      %swap3A_85 = arith.constant 0 : index
      %swap3A_86 = arith.constant 0 : index
      %swap3A_87 = vector.load %arg3[%swap3A, %swap3A_85, %swap3A_86] : memref<8x128x128xf32, #tpu.memory_space<vmem>>, vector<1x128x128xf32>
      %swap3A_88 = vector.shape_cast %swap3A_87 : vector<1x128x128xf32> to vector<128x128xf32>
      %swap3A_89 = vector.shape_cast %add3A_84 : vector<128x128xf32> to vector<1x128x128xf32>
      tpu.vector_store %arg3[%swap3A, %swap3A_85, %swap3A_86], %swap3A_89 {strides = array<i32>} : memref<8x128x128xf32, #tpu.memory_space<vmem>>, vector<1x128x128xf32>,
      %while3A_90 = arith.constant 0 : i32
      scf.yield %while3A_90 : i32
    }
    return
  }
  func.func @transform_0(%arg0: i32) -> i32 {
    %c0_i32 = arith.constant 0 : i32
    return %arg0 : i32
  }
  func.func @transform_1(%arg0: i32) -> (i32, i32) {
    %c0_i32 = arith.constant 0 : i32
    %c0_i32_0 = arith.constant 0 : i32
    return %arg0, %c0_i32 : i32, i32
  }
  func.func @transform_2(%arg0: i32) -> (i32, i32, i32) {
    %c0_i32 = arith.constant 0 : i32
    %c0_i32_0 = arith.constant 0 : i32
    %c0_i32_1 = arith.constant 0 : i32
    %c0_i32_2 = arith.constant 0 : i32
    return %c0_i32, %c0_i32_0, %c0_i32_1 : i32, i32, i32
  }
}

module attributes {stable_mosaic.version = 14 : i64} {
  func.func @_combine(%arg0: memref<2x1024x128xf32, #tpu.memory_space<vmem>>, %arg1: memref<1024x128xf32, #tpu.memory_space<vmem>>, %arg2: memref<1024x128xf32, #tpu.memory_space<vmem>>) attributes {dimension_semantics = [], scalar_prefetch = 0 : i64, scratch_operands = 0 : i64, tpu.core_type = #tpu.core_type<tc>} {
    %get3A = arith.constant 0 : index
    %get3A_0 = arith.constant 0 : index
    %get3A_1 = arith.constant 0 : index
    %get3A_2 = vector.load %arg0[%get3A, %get3A_0, %get3A_1] : memref<2x1024x128xf32, #tpu.memory_space<vmem>>, vector<1x1024x128xf32>
    %get3A_3 = vector.shape_cast %get3A_2 : vector<1x1024x128xf32> to vector<1024x128xf32>
    %get3A_4 = arith.constant 1 : index
    %get3A_5 = arith.constant 0 : index
    %get3A_6 = arith.constant 0 : index
    %get3A_7 = vector.load %arg0[%get3A_4, %get3A_5, %get3A_6] : memref<2x1024x128xf32, #tpu.memory_space<vmem>>, vector<1x1024x128xf32>
    %get3A_8 = vector.shape_cast %get3A_7 : vector<1x1024x128xf32> to vector<1024x128xf32>
    %add3A = arith.addf %get3A_3, %get3A_8 : vector<1024x128xf32>
    %get3A_9 = arith.constant 0 : index
    %get3A_10 = arith.constant 0 : index
    %get3A_11 = vector.load %arg1[%get3A_9, %get3A_10] : memref<1024x128xf32, #tpu.memory_space<vmem>>, vector<1024x128xf32>
    %add3A_12 = arith.addf %add3A, %get3A_11 : vector<1024x128xf32>
    %swap3A = arith.constant 0 : index
    %swap3A_13 = arith.constant 0 : index
    %swap3A_14 = vector.load %arg2[%swap3A, %swap3A_13] : memref<1024x128xf32, #tpu.memory_space<vmem>>, vector<1024x128xf32>
    tpu.vector_store %arg2[%swap3A, %swap3A_13], %add3A_12 {strides = array<i32>} : memref<1024x128xf32, #tpu.memory_space<vmem>>, vector<1024x128xf32>,
    return
  }
}

</mosaic_0001>

<sc_bundles>
// kernel: kernel.5.cloned.1.call-start
scs
__scs_entry_jumppad:
0x0: {  	(pc) =	sbr.rel $0x88, $3  }
0x1: {  	(tag) =	ssettag $0x0;
	lr =	simm.s32 $0x1  }
0x2: {  	[smem:$0x3F9F] =	sst lr;
	_ =	strace $0xD0000000  }
0x3: {  	_ = 	snop  }
0x4: {  	_ = 	snop  }
0x5: {  	_ = 	snop  }
0x6: {  	_ = 	snop  }
0x7: {  	_ = 	snop  }
__scs_overlays_trampoline_lowered:
0x8: {  	[smem:$0x3FAE] =	sst s0  }
0x9: {  	[smem:$0x3FAF] =	sst s1  }
0xa: {  	[smem:$0x3FB0] =	sst s2  }
0xb: {  	[smem:$0x3FB1] =	sst s3  }
0xc: {  	[smem:$0x3FB2] =	sst s4  }
0xd: {  	[smem:$0x3FB3] =	sst s5  }
0xe: {  	[smem:$0x3FB4] =	sst s6  }
0xf: {  	[smem:$0x3FB5] =	sst s7  }
0x10: {  	[smem:$0x3FB6] =	sst s8  }
0x11: {  	[smem:$0x3FB7] =	sst s9;
	s0 =	simm.s32 @!p0 $0x0  }
0x12: {  	s1 =	sld [smem:$0x3F9D];
	s0 =	simm.s32 @p0 $0x1  }
0x13: {  	[smem:$0x3FB8] =	sst s0;
	s0 =	simm.s32 @!p1 $0x0  }
0x14: {  	s2 =	sld [smem:$0x3F9C];
	s0 =	simm.s32 @p1 $0x1  }
0x15: {  	[smem:$0x3FB9] =	sst s0;
	s0 =	simm.s32 @!p2 $0x0  }
0x16: {  	s3 =	sld [smem:$0x3FDB];
	s0 =	simm.s32 @p2 $0x1  }
0x17: {  	s4 =	simm.s32 $0x1BF5;
	[smem:$0x3FBB] =	sst s0  }
0x18: {  	s0 =	sld [smem:$0x3F9E];
	_ =	swait.ge [sflag:s4], $0x0  }
0x19: {  	s7 =	sld [smem:$0x3F9F]  }
0x1a: {  	s8 =	sadd.s32 $0xFFFFE003, lr  }
0x1b: {  	s9 =	sadd.s32 $0xFFFFFEF7, lr;
	s5 =	simm.s32 $0xFFFFFFFF;
	p2 =	slt.u32 s8, $0xFFFFF086  }
0x1c: {  	p1 =	slt.u32 s9, $0xF7A;
	s5 =	simm.s32 @!p2 $0x0  }
0x1d: {  	s5 =	simm.s32 @p1 $0x1;
	p0 =	seq.s32 s7, s2  }
0x1e: {  	s7 =	smul.u32 @!p0 $0xF7A, s2;
	p2 =	seq.s32 @!p0 s5, $0x0  }
0x1f: {  	s9 =	smul.u32 $0xF7A, s1;
	s8 =	simm.s32 @!p0 $0x1BF5;
	p2 =	por !p2, p0  }
0x20: {  	[sflag:s8] =	ssyncset.s32 @!p0 $0xFFFFF086;
	s6 =	sadd.s32 @!p0 s3, s7;
	s7 =	simm.s32 @!p0 $0x108  }
0x21: {  	s3 =	sadd.s32 s3, s9;
	s6 =	sadd.s32 @!p0 $0x88, s6;
	s7 =	simm.s32 @p2 $0x1082  }
0x22: {  	[simem:s7], [sflag:s8] =	dma.local @!p0 [hbm:s6], $0xF7A  }
0x23: {  	s9 =	sor.u32 $0xD0000000, s2;
	s6 =	simm.s32 $0x108;
	_ =	swait.ge @!p0 [sflag:s8], $0x0  }
0x24: {  	s3 =	sadd.s32 $0x88, s3;
	s6 =	simm.s32 @!p1 $0x1082;
	[sflag:s4] =	ssyncset.s32 $0xFFFFF086  }
0x25: {  	[simem:s6], [sflag:s4] =	dma.local [hbm:s3], $0xF7A  }
0x26: {  	[smem:$0x3F9F] =	sst s1;
	(tag) =	ssettag s2;
	_ =	strace s9  }
0x27: {  	s1 =	sld [smem:$0x3FAF]  }
0x28: {  	s2 =	sld [smem:$0x3FB0]  }
0x29: {  	s4 =	sld [smem:$0x3FB2]  }
0x2a: {  	p0 =	seq.s32 s5, $0x0;
	s5 =	sld [smem:$0x3FB3]  }
0x2b: {  	s6 =	sld [smem:$0x3FB4]  }
0x2c: {  	s7 =	sld [smem:$0x3FB5]  }
0x2d: {  	s3 =	simm.s32 $0x108;
	s8 =	sld [smem:$0x3FB6]  }
0x2e: {  	s3 =	simm.s32 @!p0 $0x1082;
	s9 =	sld [smem:$0x3FB7]  }
0x2f: {  	lr =	sadd.s32 s0, s3;
	s0 =	sld [smem:$0x3FAE]  }
0x30: {  	s3 =	sld [smem:$0x3FB1]  }
0x31: {  	[smem:$0x3FBA] =	sst s10  }
0x32: {  	s10 =	sld [smem:$0x3FB8];
	_ =	sdelay $0x3  }
0x33: {  	p0 =	seq.s32 s10, $0x1;
	s10 =	sld [smem:$0x3FBA];
	_ =	sdelay $0x3  }
0x34: {  	[smem:$0x3FBA] =	sst s10  }
0x35: {  	s10 =	sld [smem:$0x3FB9];
	_ =	sdelay $0x3  }
0x36: {  	p1 =	seq.s32 s10, $0x1;
	s10 =	sld [smem:$0x3FBA];
	_ =	sdelay $0x3  }
0x37: {  	[smem:$0x3FBA] =	sst s10  }
0x38: {  	s10 =	sld [smem:$0x3FBB]  }
0x39: {  	_ = 	snop;
	(pc) =	sbr.ind lr, $3  }
0x3a: {  	_ = 	snop  }
0x3b: {  	_ = 	snop  }
0x3c: {  	p2 =	seq.s32 s10, $0x1;
	s10 =	sld [smem:$0x3FBA]  }
0x3d: {  	_ =	shalt  }
0x3e: {  	_ =	shalt  }
0x3f: {  	_ =	shalt  }
0x40: {  	_ =	shalt  }
0x41: {  	_ =	shalt  }
0x42: {  	_ =	shalt  }
0x43: {  	_ =	shalt  }
0x44: {  	_ =	shalt  }
0x45: {  	_ =	shalt  }
0x46: {  	_ =	shalt  }
0x47: {  	_ =	shalt  }
0x48: {  	_ =	shalt  }
0x49: {  	_ =	shalt  }
0x4a: {  	_ =	shalt  }
0x4b: {  	_ =	shalt  }
0x4c: {  	_ =	shalt  }
0x4d: {  	_ =	shalt  }
0x4e: {  	_ =	shalt  }
0x4f: {  	_ =	shalt  }
0x50: {  	_ =	shalt  }
0x51: {  	_ =	shalt  }
0x52: {  	_ =	shalt  }
0x53: {  	_ =	shalt  }
0x54: {  	_ =	shalt  }
0x55: {  	_ =	shalt  }
0x56: {  	_ =	shalt  }
0x57: {  	_ =	shalt  }
0x58: {  	_ =	shalt  }
0x59: {  	_ =	shalt  }
0x5a: {  	_ =	shalt  }
0x5b: {  	_ =	shalt  }
0x5c: {  	_ =	shalt  }
0x5d: {  	_ =	shalt  }
0x5e: {  	_ =	shalt  }
0x5f: {  	_ =	shalt  }
0x60: {  	_ =	shalt  }
0x61: {  	_ =	shalt  }
0x62: {  	_ =	shalt  }
0x63: {  	_ =	shalt  }
0x64: {  	_ =	shalt  }
0x65: {  	_ =	shalt  }
0x66: {  	_ =	shalt  }
0x67: {  	_ =	shalt  }
0x68: {  	_ =	shalt  }
0x69: {  	_ =	shalt  }
0x6a: {  	_ =	shalt  }
0x6b: {  	_ =	shalt  }
0x6c: {  	_ =	shalt  }
0x6d: {  	_ =	shalt  }
0x6e: {  	_ =	shalt  }
0x6f: {  	_ =	shalt  }
0x70: {  	_ =	shalt  }
0x71: {  	_ =	shalt  }
0x72: {  	_ =	shalt  }
0x73: {  	_ =	shalt  }
0x74: {  	_ =	shalt  }
0x75: {  	_ =	shalt  }
0x76: {  	_ =	shalt  }
0x77: {  	_ =	shalt  }
0x78: {  	_ =	shalt  }
0x79: {  	_ =	shalt  }
0x7a: {  	_ =	shalt  }
0x7b: {  	_ =	shalt  }
0x7c: {  	_ =	shalt  }
0x7d: {  	_ =	shalt  }
0x7e: {  	_ =	shalt  }
0x7f: {  	_ =	shalt  }
0x80: {  	_ =	shalt  }
0x81: {  	_ =	shalt  }
0x82: {  	_ =	shalt  }
0x83: {  	_ =	shalt  }
0x84: {  	_ =	shalt  }
0x85: {  	_ =	shalt  }
0x86: {  	_ =	shalt  }
0x87: {  	_ =	shalt  }
.Lfunc_end0:
.L_simem_size_0:
called_computation_lowered:
.L_overlay_start_0:
0x88: {  	s2 =	sld [smem:$0x3FD9]  }
0x89: {  	s3 =	sld [smem:$0x3FFE];
	_ =	sdelay $0x1  }
0x8a: {  	s1 =	srdreg.scid  }
0x8b: {  	s0 =	sand.u32 $0x1, s1  }
0x8c: {  	s17 =	sshll.u32 s0, $0xA;
	s2 =	sadd.s32 s3, s2  }
0x8d: {  	s2 =	sadd.s32 s2, s17  }
0x8e: {  	[smem:$0x3FC6] =	sst s2  }
0x8f: {  	_ = 	snop  }
0x90: {  	s2 =	sld [smem:$0x3FC9]  }
0x91: {  	s18 =	sld [smem:$0x3FC8];
	(tm) =	ssettm $0x1  }
0x92: {  	s4 =	sld [smem:$0x3FFB];
	_ =	sdelay $0x3  }
0x93: {  	_ =	strace s4  }
0x94: {  	s4 =	sld [smem:$0x3FFC];
	_ =	sdelay $0x3  }
0x95: {  	_ =	strace s4  }
0x96: {  	s4 =	sld [smem:$0x3FFD];
	_ =	sdelay $0x3  }
0x97: {  	_ =	strace s4  }
0x98: {  	_ =	strace $0x8FFFFFFF  }
0x99: {  	s19 =	sld [smem:$0x3FDB];
	_ =	sdelay $0x1  }
0x9a: {  	s5 =	simm.s32 $_scs_section_size  }
0x9b: {  	s6 =	simm.s32 $_size__tile_overlayer_lowered;
	s7 =	simm.s32 $_tile_overlayer_lowered  }
0x9c: {  	s22 =	simm.s32 $0x1BFF;
	s21 =	sshll.u32 s7, $0x1;
	s4 =	sadd.s32 s5, s19  }
0x9d: {  	s8 =	simm.s32 $0x0;
	s20 =	sshll.u32 s6, $0x1;
	s6 =	sadd.s32 s21, s4  }
0x9e: {  	[timem:s8], [sflag:s22] =	dma.local [hbm:s6], s20  }
0x9f: {  	_ =	swait.ge [sflag:s22], s20  }
0xa0: {  	s5 =	ssub.s32 $0x0, s20;
	[sflag:s22] =	ssyncset.done $0x0  }
0xa1: {  	[sflag:s22] =	ssyncadd.s32 s5;
	_ =	sdelay $0x1  }
0xa2: {  	s23 =	simm.s32 $0x1B8B  }
0xa3: {  	_ =	swait.ge [sflag:s23], $0x1  }
0xa4: {  	[sflag:s23] =	ssyncset.done $0x0  }
0xa5: {  	s25 =	simm.s32 $0x1B8E;
	s24 =	sld [smem:$0x3FFE];
	[sflag:s23] =	ssyncadd.s32 $0xFFFFFFFF  }
0xa6: {  	s26 =	simm.s32 $execute0_lowered;
	[smem:$0x3FD2] =	sst s25  }
0xa7: {  	s6 =	sshll.u32 s26, $0x1;
	_ =	strace $0x80000046;
	[dreg:$0x1] =	wrdreg $0xFFFFFFFF  }
0xa8: {  	s28 =	simm.s32 $_size_execute0_lowered;
	s4 =	sadd.s32 s4, s6;
	[dreg:$0x0] =	wrdreg $0x0  }
0xa9: {  	s6 =	sshll.u32 s28, $0x1;
	[dreg:$0x2] =	wrdreg s4  }
0xaa: {  	[dreg:$0x3] =	wrdreg s6  }
0xab: {  	[dreg:$0x4] =	wrdreg $0xC0  }
0xac: {  	_ =	task [dreg:s8], $0x5FFFF  }
0xad: {  	[dreg:$0x1] =	wrdreg $0xFFFFFFFF  }
0xae: {  	[dreg:$0x0] =	wrdreg $0x60  }
0xaf: {  	[dreg:$0x2] =	wrdreg s2  }
0xb0: {  	[dreg:$0x3] =	wrdreg s18  }
0xb1: {  	[dreg:$0x4] =	wrdreg s24  }
0xb2: {  	[dreg:$0x5] =	wrdreg $0x149000  }
0xb3: {  	[dreg:$0x6] =	wrdreg $0x9  }
0xb4: {  	_ =	task.clear_ibuf [dreg:s8], $0x7FFFF;
	_ =	strace $0x90000046  }
0xb5: {  	s29 =	simm.s32 $0x9;
	_ =	strace $0x80000048  }
0xb6: {  	_ =	swait.ge [sflag:s29], $0x1  }
0xb7: {  	[sflag:s29] =	ssyncadd.s32 $0xFFFFFFFF  }
0xb8: {  	_ =	strace $0x90000048  }
0xb9: {  	_ =	sfence  }
0xba: {  	s30 =	sld [smem:$0x0];
	_ =	sdelay $0x2  }
0xbb: {  	s31 =	sshll.u32 s1, $0xD;
	s1 =	sshrl.u32 s1, $0x2  }
0xbc: {  	s3 =	sand.u32 $0x4000, s31;
	s1 =	sadd.s32 s1, s30  }
0xbd: {  	s0 =	sor.u32 s3, s0;
	s1 =	sshll.u32 s1, $0x11  }
0xbe: {  	s0 =	sor.u32 s1, s0  }
0xbf: {  	s0 =	sadd.s32 $0x8F2B, s0  }
0xc0: {  	[sflag:s0] =	ssyncadd.remote.s32 $0x1  }
0xc1: {  	_ =	sfence.sel $0xFFFF  }
0xc2: {  	[dreg:$0x0] =	wrdreg $0xFFFFFFFF;
	(pc) =	sbr.abs _section_cstart, $3  }
0xc3: {  	[dreg:$0x1] =	wrdreg $0xFFFFFFFF  }
0xc4: {  	_ =	task.clear_ibuf [dreg:s8], $0x2FFFF;
	_ =	strace $0x9FFFFFFF  }
0xc5: {  	(tm) =	ssettm $0x7FFFFFFF  }
tec
execute0_lowered:
.L_overlay_start_1:
0x0: {  	(tag) =	ssettag $0x1  }
0x1: {  	s0 =	rddreg [dreg:$0x0]  }
0x2: {  	s1 =	rddreg [dreg:$0x1]  }
0x3: {  	s4 =	rddreg [dreg:$0x2];
	s3 =	srdreg.scid  }
0x4: {  	s21 =	stileid.u32;
	s2 =	rddreg [dreg:$0x3]  }
0x5: {  	s28 =	simm.s32 $0x200;
	s31 =	simm.s32 $0x280;
	s29 =	simm.s32 $0x5  }
0x6: {  	s30 =	simm.s32 $0x2;
	s6 =	sand.u32 $0x1, s3;
	s5 =	sshll.u32 s21, $0x1  }
0x7: {  	s3 =	simm.s32 $0x0;
	s25 =	sshll.u32 s21, $0xA;
	s5 =	sor.u32 s6, s5  }
0x8: {  	[smem:$0x7FF] =	sst s3;
	s8 =	ssub.s32 $0x2, s6;
	s6 =	sshll.u32 s6, $0xE  }
0x9: {  	s7 =	smul.u32 $0x680, s5;
	_ =	strace $0x80000047;
	s9 =	sshrl.u32 s8, $0x1  }
0xa: {  	s6 =	sadd.s32 s6, s4;
	p0 =	sgt.u32 s5, $0x1C;
	s4 =	ssub.s32 s8, s9  }
0xb: {  	s6 =	sadd.s32 $0x800, s6;
	p1 =	sne.s32 @p0 s5, $0x1F;
	s5 =	sshll.u32 s5, $0x7  }
0xc: {  	s10 =	sadd.s32 $0xA800, s7;
	s9 =	sadd.s32 $0xA900, s7;
	s13 =	sadd.s32 $0xA980, s7  }
0xd: {  	s16 =	sadd.s32 $0xAB00, s7;
	s6 =	sadd.s32 s25, s6;
	s5 =	sadd.s32 $0x17800, s5  }
0xe: {  	p1 =	por p1, !p0;
	s19 =	sshrl.u32 s10, $0x3;
	s12 =	sshrl.u32 s9, $0x3  }
0xf: {  	s22 =	sshrl.u32 s13, $0x3;
	s24 =	sshrl.u32 s16, $0x3;
	[dreg:$0xc] =	wrdreg s6  }
0x10: {  	s6 =	sadd.s32 $0xAC00, s7;
	s10 =	sshll.u32 s10, $0x4;
	s25 =	sshll.u32 s9, $0x4  }
0x11: {  	s8 =	sadd.s32 s1, s19;
	s20 =	sadd.s32 s1, s12;
	s12 =	sadd.s32 $0xAA80, s7  }
0x12: {  	s17 =	sshrl.u32 s6, $0x3;
	s19 =	sadd.s32 $0xAC80, s7;
	s10 =	sadd.s32 s0, s10  }
0x13: {  	s6 =	sshll.u32 s6, $0x4;
	[dreg:$0x5] =	wrdreg s8;
	s8 =	sadd.s32 $0xA880, s7  }
0x14: {  	[dreg:$0x7] =	wrdreg s20;
	s15 =	sshrl.u32 s12, $0x3;
	s18 =	sadd.s32 s1, s17  }
0x15: {  	s20 =	sshrl.u32 s19, $0x3;
	s17 =	sadd.s32 $0xAD80, s7;
	[dreg:$0x13] =	wrdreg s10  }
0x16: {  	s6 =	sadd.s32 s0, s6;
	s11 =	sshrl.u32 s8, $0x3;
	[dreg:$0xe] =	wrdreg s18  }
0x17: {  	s23 =	sadd.s32 s1, s15;
	s15 =	sadd.s32 $0xAB80, s7;
	[dreg:$0x1b] =	wrdreg s6  }
0x18: {  	s8 =	sshll.u32 s8, $0x4;
	s11 =	sadd.s32 s1, s11;
	[dreg:$0xa] =	wrdreg s23  }
0x19: {  	s26 =	sshrl.u32 s15, $0x3;
	s8 =	sadd.s32 s0, s8;
	[dreg:$0x6] =	wrdreg s11  }
0x1a: {  	s15 =	sshll.u32 s15, $0x4;
	s11 =	sadd.s32 s1, s22;
	[dreg:$0x14] =	wrdreg s8  }
0x1b: {  	s8 =	sadd.s32 s0, s25;
	[dreg:$0x8] =	wrdreg s11;
	s11 =	sadd.s32 $0xAA00, s7  }
0x1c: {  	[dreg:$0x15] =	wrdreg s8;
	s14 =	sshrl.u32 s11, $0x3;
	s10 =	sshll.u32 s11, $0x4  }
0x1d: {  	s11 =	sshll.u32 s12, $0x4;
	s12 =	sshll.u32 s16, $0x4;
	s16 =	sshll.u32 s19, $0x4  }
0x1e: {  	s14 =	sadd.s32 s1, s14;
	s8 =	sadd.s32 s0, s10;
	s19 =	sadd.s32 s0, s16  }
0x1f: {  	s16 =	simm.s32 $0x580;
	s10 =	simm.s32 $0x8;
	[dreg:$0x9] =	wrdreg s14  }
0x20: {  	s14 =	sadd.s32 s1, s24;
	s24 =	sshll.u32 s21, $0xD;
	[dreg:$0x17] =	wrdreg s8  }
0x21: {  	s8 =	sadd.s32 s0, s11;
	[dreg:$0x1c] =	wrdreg s19;
	s21 =	sshll.u32 s17, $0x4  }
0x22: {  	s11 =	simm.s32 $0x300;
	s19 =	simm.s32 $0x15;
	[dreg:$0xb] =	wrdreg s14  }
0x23: {  	s14 =	sadd.s32 s1, s26;
	s26 =	sshll.u32 s13, $0x4;
	[dreg:$0x18] =	wrdreg s8  }
0x24: {  	s13 =	sadd.s32 s0, s12;
	s8 =	sadd.s32 s0, s15;
	s12 =	simm.s32 $0x380  }
0x25: {  	s15 =	simm.s32 $0x500;
	[dreg:$0xd] =	wrdreg s14;
	s14 =	sadd.s32 s1, s20  }
0x26: {  	s20 =	sshrl.u32 s17, $0x3;
	s9 =	sadd.s32 s0, s26;
	[dreg:$0x19] =	wrdreg s13  }
0x27: {  	[dreg:$0x1a] =	wrdreg s8;
	s26 =	smax.u32 s4, $0x1;
	s8 =	simm.s32 $0x80  }
0x28: {  	s13 =	simm.s32 $0x400;
	s17 =	simm.s32 $0x600;
	[dreg:$0xf] =	wrdreg s14  }
0x29: {  	s14 =	sadd.s32 $0xAD00, s7;
	s7 =	sadd.s32 $0xAE00, s7;
	[dreg:$0x16] =	wrdreg s9  }
0x2a: {  	s22 =	sadd.s32 s1, s20;
	[smem:$0x7FD] =	sst s26;
	s26 =	simm.s32 $0x1  }
0x2b: {  	s9 =	simm.s32 $0x4;
	s18 =	sshrl.u32 s14, $0x3;
	[dreg:$0x11] =	wrdreg s22  }
0x2c: {  	s23 =	sshrl.u32 s7, $0x3;
	s20 =	sshll.u32 s14, $0x4;
	s22 =	sshll.u32 s7, $0x4  }
0x2d: {  	s7 =	simm.s32 $0x180;
	s14 =	simm.s32 $0x480;
	s18 =	sadd.s32 s1, s18  }
0x2e: {  	s6 =	sadd.s32 s0, s20;
	s20 =	simm.s32 $0x0;
	[dreg:$0x10] =	wrdreg s18  }
0x2f: {  	s18 =	sadd.s32 s1, s23;
	[dreg:$0x1d] =	wrdreg s6;
	s6 =	sadd.s32 s0, s21  }
0x30: {  	s23 =	sshrl.u32 s5, $0x3;
	s5 =	sshll.u32 s5, $0x4;
	[dreg:$0x12] =	wrdreg s18  }
0x31: {  	s21 =	simm.s32 $0x16;
	[dreg:$0x1e] =	wrdreg s6;
	s6 =	sadd.s32 s0, s22  }
0x32: {  	s18 =	sadd.s32 s24, s2;
	s24 =	sadd.s32 s1, s23;
	[dreg:$0x1f] =	wrdreg s6  }
0x33: {  	s1 =	sadd.s32 $0x30D0, s1;
	s25 =	sadd.s32 s0, s5;
	[smem:$0x7F9] =	sst s24  }
0x34: {  	s0 =	sadd.s32 $0x186800, s0;
	s22 =	simm.s32 $0x900;
	[smem:$0x7FA] =	sst s1  }
0x35: {  	s23 =	simm.s32 $0x4900;
	s5 =	simm.s32 $0x7;
	[smem:$0x7FB] =	sst s25  }
0x36: {  	[smem:$0x7FC] =	sst s0;
	s6 =	simm.s32 $0x100;
	s24 =	simm.s32 $0x8900  }
0x37: {  	v0 =	vimm.f32 $0.0e+00;
	s25 =	simm.s32 $0xC900;
	s1 =	simm.s32 $0x6;
	s0 =	simm.s32 $0x3  }
.LBB2_1:
0x38: {  	s4 =	rddreg [dreg:$0x5]  }
0x39: {  	[tilespmem:s3], [sflag:$0x9] =	stream.linear.gather [hbm4b:s4+s3], $0x80, $0x38;
	[tilespmem:$0x16900] =	vst v63  }
0x3a: {  	s4 =	rddreg [dreg:$0x6]  }
0x3b: {  	[tilespmem:s8], [sflag:$0xA] =	stream.linear.gather [hbm4b:s4+s3], $0x80, $0x38;
	[tilespmem:$0x16900] =	vst v63  }
0x3c: {  	s4 =	rddreg [dreg:$0x7]  }
0x3d: {  	[tilespmem:s6], [sflag:$0xB] =	stream.linear.gather [hbm4b:s4+s3], $0x80, $0x38;
	[tilespmem:$0x16900] =	vst v63  }
0x3e: {  	s4 =	rddreg [dreg:$0x8]  }
0x3f: {  	[tilespmem:s7], [sflag:$0xC] =	stream.linear.gather [hbm4b:s4+s3], $0x80, $0x38;
	[tilespmem:$0x16900] =	vst v63  }
0x40: {  	s4 =	rddreg [dreg:$0x9]  }
0x41: {  	[tilespmem:s28], [sflag:$0xD] =	stream.linear.gather [hbm4b:s4+s3], $0x80, $0x38;
	[tilespmem:$0x16900] =	vst v63  }
0x42: {  	s4 =	rddreg [dreg:$0xa]  }
0x43: {  	[tilespmem:s31], [sflag:$0xE] =	stream.linear.gather [hbm4b:s4+s3], $0x80, $0x38;
	[tilespmem:$0x16900] =	vst v63  }
0x44: {  	s4 =	rddreg [dreg:$0xb]  }
0x45: {  	[tilespmem:s11], [sflag:$0xF] =	stream.linear.gather [hbm4b:s4+s3], $0x80, $0x38;
	[tilespmem:$0x16900] =	vst v63  }
0x46: {  	s11 =	rddreg [dreg:$0xd]  }
0x47: {  	[tilespmem:s12], [sflag:$0x10] =	stream.linear.gather [hbm4b:s11+s3], $0x80, $0x38;
	[tilespmem:$0x16900] =	vst v63  }
0x48: {  	s12 =	rddreg [dreg:$0xe]  }
0x49: {  	[tilespmem:s13], [sflag:$0x11] =	stream.linear.gather [hbm4b:s12+s3], $0x80, $0x38;
	[tilespmem:$0x16900] =	vst v63  }
0x4a: {  	s13 =	rddreg [dreg:$0xf]  }
0x4b: {  	[tilespmem:s14], [sflag:$0x12] =	stream.linear.gather [hbm4b:s13+s3], $0x80, $0x38;
	[tilespmem:$0x16900] =	vst v63  }
0x4c: {  	s14 =	rddreg [dreg:$0x10]  }
0x4d: {  	[tilespmem:s15], [sflag:$0x13] =	stream.linear.gather [hbm4b:s14+s3], $0x80, $0x38;
	[tilespmem:$0x16900] =	vst v63  }
0x4e: {  	s15 =	rddreg [dreg:$0x11]  }
0x4f: {  	[tilespmem:s16], [sflag:$0x14] =	stream.linear.gather [hbm4b:s15+s3], $0x80, $0x38;
	[tilespmem:$0x16900] =	vst v63  }
0x50: {  	s28 =	simm.s32 $0x0;
	s31 =	simm.s32 $0x200;
	s16 =	rddreg [dreg:$0x12]  }
0x51: {  	[tilespmem:s17], [sflag:$0x15] =	stream.linear.gather [hbm4b:s16+s3], $0x80, $0x38;
	[tilespmem:$0x16900] =	vst v63  }
.LBB2_2:
0x52: {  	p2 =	sne.s32 s31, $0x7E00;
	[tilespmem:s28+$0x10970] =	vst v0  }
0x53: {  	[tilespmem:s28+$0x10900] =	vst v0  }
0x54: {  	[tilespmem:s28+$0x10910] =	vst v0  }
.Ltmp0:
0x55: {  	[tilespmem:s28+$0x10920] =	vst v0;
	(pc) =	sbr.rel @p2 .LBB2_2-.Ltmp0, $4  }
0x56: {  	[tilespmem:s28+$0x10930] =	vst v0  }
0x57: {  	[tilespmem:s28+$0x10940] =	vst v0  }
0x58: {  	[tilespmem:s28+$0x10950] =	vst v0  }
0x59: {  	[tilespmem:s28+$0x10960] =	vst v0;
	s28 =	sshra.s32 s31, $0x2;
	s31 =	sadd.s32 $0x200, s31  }
0x5a: {  	[tilespmem:s28+$0x10970] =	vst v0  }
0x5b: {  	[tilespmem:s28+$0x10900] =	vst v0  }
0x5c: {  	[tilespmem:s28+$0x10910] =	vst v0  }
0x5d: {  	[tilespmem:s28+$0x10920] =	vst v0  }
0x5e: {  	[tilespmem:s28+$0x10930] =	vst v0  }
0x5f: {  	[tilespmem:s28+$0x10940] =	vst v0  }
0x60: {  	[tilespmem:s28+$0x10950] =	vst v0  }
0x61: {  	[tilespmem:s28+$0x10960] =	vst v0;
	s4 =	simm.s32 $0x10900  }
0x62: {  	[spmem:s18] =	stream.linear.scatter [tilespmem:s4], [sflag:$0x16], $0x2000, $0x38;
	[tilespmem:$0x16900] =	vst v63  }
0x63: {  	_ =	swait.ge [sflag:s21], $0x2000  }
0x64: {  	[sflag:s21] =	ssyncset.done $0x0  }
0x65: {  	[sflag:s21] =	ssyncadd.s32 $0xFFFFE000  }
0x66: {  	[bflag:$0x0] =	sbarrier.arrive $0xFFFF  }
0x67: {  	s14 =	rddreg [dreg:$0x13]  }
0x68: {  	[tilespmem:s22], [sflag:$0x1] =	stream.linear.gather [hbm4b:s14+s3], $0x4000, $0x38;
	[tilespmem:$0x16900] =	vst v63  }
0x69: {  	s15 =	rddreg [dreg:$0x14]  }
0x6a: {  	[tilespmem:s23], [sflag:$0x2] =	stream.linear.gather [hbm4b:s15+s3], $0x4000, $0x38;
	[tilespmem:$0x16900] =	vst v63  }
0x6b: {  	s16 =	rddreg [dreg:$0x15]  }
0x6c: {  	[tilespmem:s24], [sflag:$0x3] =	stream.linear.gather [hbm4b:s16+s3], $0x4000, $0x38;
	[tilespmem:$0x16900] =	vst v63  }
0x6d: {  	s17 =	rddreg [dreg:$0x16]  }
0x6e: {  	[tilespmem:s25], [sflag:$0x4] =	stream.linear.gather [hbm4b:s17+s3], $0x4000, $0x38;
	[tilespmem:$0x16900] =	vst v63  }
0x6f: {  	_ =	swait.ge [sflag:s26], $0x4000  }
0x70: {  	[sflag:s26] =	ssyncset.done $0x0  }
0x71: {  	s11 =	simm.s32 $0x9;
	[sflag:s26] =	ssyncadd.s32 $0xFFFFC000  }
0x72: {  	_ =	swait.ge [sflag:s11], $0x80  }
0x73: {  	[sflag:s11] =	ssyncset.done $0x0  }
0x74: {  	[sflag:s11] =	ssyncadd.s32 $0xFFFFFF80  }
0x75: {  	[spmem:s2] =	stream.indirect.scatter.add.f32 [tilespmem:s22], [sflag:$0x5], $0x80, s3, s8, $0xb8;
	[tilespmem:$0x16900] =	vst v63  }
0x76: {  	_ =	swait.ge [sflag:s29], $0x4000  }
0x77: {  	[sflag:s29] =	ssyncset.done $0x0  }
0x78: {  	s12 =	rddreg [dreg:$0x17];
	[sflag:s29] =	ssyncadd.s32 $0xFFFFC000  }
0x79: {  	[tilespmem:s22], [sflag:$0x1] =	stream.linear.gather [hbm4b:s12+s3], $0x4000, $0x38;
	[tilespmem:$0x16900] =	vst v63  }
0x7a: {  	_ =	swait.ge [sflag:s30], $0x4000  }
0x7b: {  	[sflag:s30] =	ssyncset.done $0x0  }
0x7c: {  	s13 =	simm.s32 $0xA;
	[sflag:s30] =	ssyncadd.s32 $0xFFFFC000  }
0x7d: {  	_ =	swait.ge [sflag:s13], $0x80  }
0x7e: {  	[sflag:s13] =	ssyncset.done $0x0  }
0x7f: {  	[sflag:s13] =	ssyncadd.s32 $0xFFFFFF80  }
0x80: {  	[spmem:s2] =	stream.indirect.scatter.add.f32 [tilespmem:s23], [sflag:$0x6], $0x80, s8, s8, $0xb8;
	[tilespmem:$0x16900] =	vst v63  }
0x81: {  	_ =	swait.ge [sflag:s1], $0x4000  }
0x82: {  	[sflag:s1] =	ssyncset.done $0x0  }
0x83: {  	s14 =	rddreg [dreg:$0x18];
	[sflag:s1] =	ssyncadd.s32 $0xFFFFC000  }
0x84: {  	[tilespmem:s23], [sflag:$0x2] =	stream.linear.gather [hbm4b:s14+s3], $0x4000, $0x38;
	[tilespmem:$0x16900] =	vst v63  }
0x85: {  	_ =	swait.ge [sflag:s0], $0x4000  }
0x86: {  	[sflag:s0] =	ssyncset.done $0x0  }
0x87: {  	s15 =	simm.s32 $0xB;
	[sflag:s0] =	ssyncadd.s32 $0xFFFFC000  }
0x88: {  	_ =	swait.ge [sflag:s15], $0x80  }
0x89: {  	[sflag:s15] =	ssyncset.done $0x0  }
0x8a: {  	[sflag:s15] =	ssyncadd.s32 $0xFFFFFF80  }
0x8b: {  	[spmem:s2] =	stream.indirect.scatter.add.f32 [tilespmem:s24], [sflag:$0x7], $0x80, s6, s8, $0xb8;
	[tilespmem:$0x16900] =	vst v63  }
0x8c: {  	_ =	swait.ge [sflag:s5], $0x4000  }
0x8d: {  	[sflag:s5] =	ssyncset.done $0x0  }
0x8e: {  	s16 =	rddreg [dreg:$0x19];
	[sflag:s5] =	ssyncadd.s32 $0xFFFFC000  }
0x8f: {  	[tilespmem:s24], [sflag:$0x3] =	stream.linear.gather [hbm4b:s16+s3], $0x4000, $0x38;
	[tilespmem:$0x16900] =	vst v63  }
0x90: {  	_ =	swait.ge [sflag:s9], $0x4000  }
0x91: {  	[sflag:s9] =	ssyncset.done $0x0  }
0x92: {  	s17 =	simm.s32 $0xC;
	[sflag:s9] =	ssyncadd.s32 $0xFFFFC000  }
0x93: {  	_ =	swait.ge [sflag:s17], $0x80  }
0x94: {  	[sflag:s17] =	ssyncset.done $0x0  }
0x95: {  	[sflag:s17] =	ssyncadd.s32 $0xFFFFFF80  }
0x96: {  	[spmem:s2] =	stream.indirect.scatter.add.f32 [tilespmem:s25], [sflag:$0x8], $0x80, s7, s8, $0xb8;
	[tilespmem:$0x16900] =	vst v63  }
0x97: {  	_ =	swait.ge [sflag:s10], $0x4000  }
0x98: {  	[sflag:s10] =	ssyncset.done $0x0  }
0x99: {  	s6 =	rddreg [dreg:$0x1a];
	[sflag:s10] =	ssyncadd.s32 $0xFFFFC000  }
0x9a: {  	[tilespmem:s25], [sflag:$0x4] =	stream.linear.gather [hbm4b:s6+s3], $0x4000, $0x38;
	[tilespmem:$0x16900] =	vst v63  }
0x9b: {  	_ =	swait.ge [sflag:s26], $0x4000  }
0x9c: {  	[sflag:s26] =	ssyncset.done $0x0  }
0x9d: {  	s7 =	simm.s32 $0xD;
	[sflag:s26] =	ssyncadd.s32 $0xFFFFC000  }
0x9e: {  	_ =	swait.ge [sflag:s7], $0x80  }
0x9f: {  	[sflag:s7] =	ssyncset.done $0x0  }
0xa0: {  	s11 =	simm.s32 $0x200;
	[sflag:s7] =	ssyncadd.s32 $0xFFFFFF80  }
0xa1: {  	[spmem:s2] =	stream.indirect.scatter.add.f32 [tilespmem:s22], [sflag:$0x5], $0x80, s11, s8, $0xb8;
	[tilespmem:$0x16900] =	vst v63  }
0xa2: {  	_ =	swait.ge [sflag:s29], $0x4000  }
0xa3: {  	[sflag:s29] =	ssyncset.done $0x0  }
0xa4: {  	s12 =	rddreg [dreg:$0x1b];
	[sflag:s29] =	ssyncadd.s32 $0xFFFFC000  }
0xa5: {  	[tilespmem:s22], [sflag:$0x1] =	stream.linear.gather [hbm4b:s12+s3], $0x4000, $0x38;
	[tilespmem:$0x16900] =	vst v63  }
0xa6: {  	_ =	swait.ge [sflag:s30], $0x4000  }
0xa7: {  	[sflag:s30] =	ssyncset.done $0x0  }
0xa8: {  	s13 =	simm.s32 $0xE;
	[sflag:s30] =	ssyncadd.s32 $0xFFFFC000  }
0xa9: {  	_ =	swait.ge [sflag:s13], $0x80  }
0xaa: {  	[sflag:s13] =	ssyncset.done $0x0  }
0xab: {  	s14 =	simm.s32 $0x280;
	[sflag:s13] =	ssyncadd.s32 $0xFFFFFF80  }
0xac: {  	[spmem:s2] =	stream.indirect.scatter.add.f32 [tilespmem:s23], [sflag:$0x6], $0x80, s14, s8, $0xb8;
	[tilespmem:$0x16900] =	vst v63  }
0xad: {  	_ =	swait.ge [sflag:s1], $0x4000  }
0xae: {  	[sflag:s1] =	ssyncset.done $0x0  }
0xaf: {  	s15 =	rddreg [dreg:$0x1c];
	[sflag:s1] =	ssyncadd.s32 $0xFFFFC000  }
0xb0: {  	[tilespmem:s23], [sflag:$0x2] =	stream.linear.gather [hbm4b:s15+s3], $0x4000, $0x38;
	[tilespmem:$0x16900] =	vst v63  }
0xb1: {  	_ =	swait.ge [sflag:s0], $0x4000  }
0xb2: {  	[sflag:s0] =	ssyncset.done $0x0  }
0xb3: {  	s16 =	simm.s32 $0xF;
	[sflag:s0] =	ssyncadd.s32 $0xFFFFC000  }
0xb4: {  	_ =	swait.ge [sflag:s16], $0x80  }
0xb5: {  	[sflag:s16] =	ssyncset.done $0x0  }
0xb6: {  	s11 =	simm.s32 $0x300;
	[sflag:s16] =	ssyncadd.s32 $0xFFFFFF80  }
0xb7: {  	[spmem:s2] =	stream.indirect.scatter.add.f32 [tilespmem:s24], [sflag:$0x7], $0x80, s11, s8, $0xb8;
	[tilespmem:$0x16900] =	vst v63  }
0xb8: {  	_ =	swait.ge [sflag:s5], $0x4000  }
0xb9: {  	[sflag:s5] =	ssyncset.done $0x0  }
0xba: {  	s17 =	rddreg [dreg:$0x1d];
	[sflag:s5] =	ssyncadd.s32 $0xFFFFC000  }
0xbb: {  	[tilespmem:s24], [sflag:$0x3] =	stream.linear.gather [hbm4b:s17+s3], $0x4000, $0x38;
	[tilespmem:$0x16900] =	vst v63  }
0xbc: {  	_ =	swait.ge [sflag:s9], $0x4000  }
0xbd: {  	[sflag:s9] =	ssyncset.done $0x0  }
0xbe: {  	s6 =	simm.s32 $0x10;
	[sflag:s9] =	ssyncadd.s32 $0xFFFFC000  }
0xbf: {  	_ =	swait.ge [sflag:s6], $0x80  }
0xc0: {  	[sflag:s6] =	ssyncset.done $0x0  }
0xc1: {  	s12 =	simm.s32 $0x380;
	[sflag:s6] =	ssyncadd.s32 $0xFFFFFF80  }
0xc2: {  	[spmem:s2] =	stream.indirect.scatter.add.f32 [tilespmem:s25], [sflag:$0x8], $0x80, s12, s8, $0xb8;
	[tilespmem:$0x16900] =	vst v63  }
0xc3: {  	_ =	swait.ge [sflag:s10], $0x4000  }
0xc4: {  	[sflag:s10] =	ssyncset.done $0x0  }
0xc5: {  	s7 =	rddreg [dreg:$0x1e];
	[sflag:s10] =	ssyncadd.s32 $0xFFFFC000  }
0xc6: {  	[tilespmem:s25], [sflag:$0x4] =	stream.linear.gather [hbm4b:s7+s3], $0x4000, $0x38;
	[tilespmem:$0x16900] =	vst v63  }
0xc7: {  	_ =	swait.ge [sflag:s26], $0x4000  }
0xc8: {  	[sflag:s26] =	ssyncset.done $0x0  }
0xc9: {  	s13 =	simm.s32 $0x11;
	[sflag:s26] =	ssyncadd.s32 $0xFFFFC000  }
0xca: {  	_ =	swait.ge [sflag:s13], $0x80  }
0xcb: {  	[sflag:s13] =	ssyncset.done $0x0  }
0xcc: {  	[sflag:s13] =	ssyncadd.s32 $0xFFFFFF80;
	s13 =	simm.s32 $0x400  }
0xcd: {  	[spmem:s2] =	stream.indirect.scatter.add.f32 [tilespmem:s22], [sflag:$0x5], $0x80, s13, s8, $0xb8;
	[tilespmem:$0x16900] =	vst v63  }
0xce: {  	_ =	swait.ge [sflag:s29], $0x4000  }
0xcf: {  	[sflag:s29] =	ssyncset.done $0x0  }
0xd0: {  	s14 =	rddreg [dreg:$0x1f];
	[sflag:s29] =	ssyncadd.s32 $0xFFFFC000  }
0xd1: {  	[tilespmem:s22], [sflag:$0x1] =	stream.linear.gather [hbm4b:s14+s3], $0x4000, $0x38;
	[tilespmem:$0x16900] =	vst v63  }
0xd2: {  	_ =	swait.ge [sflag:s30], $0x4000  }
0xd3: {  	[sflag:s30] =	ssyncset.done $0x0  }
0xd4: {  	s15 =	simm.s32 $0x12;
	[sflag:s30] =	ssyncadd.s32 $0xFFFFC000  }
0xd5: {  	_ =	swait.ge [sflag:s15], $0x80  }
0xd6: {  	[sflag:s15] =	ssyncset.done $0x0  }
0xd7: {  	s14 =	simm.s32 $0x480;
	[sflag:s15] =	ssyncadd.s32 $0xFFFFFF80  }
0xd8: {  	[spmem:s2] =	stream.indirect.scatter.add.f32 [tilespmem:s23], [sflag:$0x6], $0x80, s14, s8, $0xb8;
	[tilespmem:$0x16900] =	vst v63  }
0xd9: {  	_ =	swait.ge [sflag:s0], $0x4000  }
0xda: {  	[sflag:s0] =	ssyncset.done $0x0  }
0xdb: {  	s16 =	simm.s32 $0x13;
	[sflag:s0] =	ssyncadd.s32 $0xFFFFC000  }
0xdc: {  	_ =	swait.ge [sflag:s16], $0x80  }
0xdd: {  	[sflag:s16] =	ssyncset.done $0x0  }
0xde: {  	s15 =	simm.s32 $0x500;
	[sflag:s16] =	ssyncadd.s32 $0xFFFFFF80  }
0xdf: {  	[spmem:s2] =	stream.indirect.scatter.add.f32 [tilespmem:s24], [sflag:$0x7], $0x80, s15, s8, $0xb8;
	[tilespmem:$0x16900] =	vst v63  }
0xe0: {  	_ =	swait.ge [sflag:s9], $0x4000  }
0xe1: {  	[sflag:s9] =	ssyncset.done $0x0  }
0xe2: {  	s17 =	simm.s32 $0x14;
	[sflag:s9] =	ssyncadd.s32 $0xFFFFC000  }
0xe3: {  	_ =	swait.ge [sflag:s17], $0x80  }
0xe4: {  	[sflag:s17] =	ssyncset.done $0x0  }
0xe5: {  	s16 =	simm.s32 $0x580;
	[sflag:s17] =	ssyncadd.s32 $0xFFFFFF80  }
0xe6: {  	[spmem:s2] =	stream.indirect.scatter.add.f32 [tilespmem:s25], [sflag:$0x8], $0x80, s16, s8, $0xb8;
	[tilespmem:$0x16900] =	vst v63  }
0xe7: {  	_ =	swait.ge [sflag:s26], $0x4000  }
0xe8: {  	[sflag:s26] =	ssyncset.done $0x0  }
0xe9: {  	[sflag:s26] =	ssyncadd.s32 $0xFFFFC000  }
0xea: {  	_ =	swait.ge [sflag:s19], $0x80  }
0xeb: {  	[sflag:s19] =	ssyncset.done $0x0  }
0xec: {  	s17 =	simm.s32 $0x600;
	[sflag:s19] =	ssyncadd.s32 $0xFFFFFF80  }
0xed: {  	[spmem:s2] =	stream.indirect.scatter.add.f32 [tilespmem:s22], [sflag:$0x5], $0x80, s17, s8, $0xb8;
	[tilespmem:$0x16900] =	vst v63  }
0xee: {  	_ =	swait.ge [sflag:s1], $0x4000  }
0xef: {  	[sflag:s1] =	ssyncset.done $0x0  }
0xf0: {  	[sflag:s1] =	ssyncadd.s32 $0xFFFFC000  }
0xf1: {  	_ =	swait.ge [sflag:s5], $0x4000  }
0xf2: {  	[sflag:s5] =	ssyncset.done $0x0  }
0xf3: {  	[sflag:s5] =	ssyncadd.s32 $0xFFFFC000  }
0xf4: {  	_ =	swait.ge [sflag:s10], $0x4000  }
0xf5: {  	[sflag:s10] =	ssyncset.done $0x0  }
0xf6: {  	[sflag:s10] =	ssyncadd.s32 $0xFFFFC000  }
0xf7: {  	_ =	swait.ge [sflag:s29], $0x4000  }
0xf8: {  	s4 =	sld [smem:$0x7FA]  }
0xf9: {  	[sflag:s29] =	ssyncset.done $0x0  }
0xfa: {  	s28 =	simm.s32 @!p1 $0x0;
	s31 =	simm.s32 @!p1 $0x880;
	[sflag:s29] =	ssyncadd.s32 $0xFFFFC000  }
0xfb: {  	[tilespmem:s31], [sflag:$0x16] =	stream.linear.gather @!p1 [hbm4b:s4+s28], $0x20, $0x38;
	[tilespmem:$0x16900] =	vst v63  }
0xfc: {  	s4 =	simm.s32 @!p1 $0x16  }
0xfd: {  	_ =	swait.ge @!p1 [sflag:s4], $0x20  }
0xfe: {  	s7 =	sld [smem:$0x7FC]  }
0xff: {  	[sflag:s4] =	ssyncset.done @!p1 $0x0  }
0x100: {  	s6 =	simm.s32 @!p1 $0x4900;
	[sflag:s4] =	ssyncadd.s32 @!p1 $0xFFFFFFE0  }
0x101: {  	[tilespmem:s6], [sflag:$0x16] =	stream.linear.gather @!p1 [hbm4b:s7+s28], $0x1000, $0x38;
	[tilespmem:$0x16900] =	vst v63  }
0x102: {  	_ =	swait.ge @!p1 [sflag:s4], $0x1000  }
0x103: {  	[sflag:s4] =	ssyncset.done @!p1 $0x0  }
0x104: {  	s28 =	simm.s32 @!p1 $0x20;
	[sflag:s4] =	ssyncadd.s32 @!p1 $0xFFFFF000  }
0x105: {  	[spmem:s2] =	stream.indirect.scatter.add.f32 @!p1 [tilespmem:s6], [sflag:$0x16], $0x80, s31, s28, $0xb8;
	[tilespmem:$0x16900] =	vst v63  }
0x106: {  	_ =	swait.ge @!p1 [sflag:s4], $0x1000  }
0x107: {  	s28 =	sld [smem:$0x7F9]  }
0x108: {  	[sflag:s4] =	ssyncset.done @!p1 $0x0  }
0x109: {  	s6 =	simm.s32 @!p0 $0x800;
	[sflag:s4] =	ssyncadd.s32 @!p1 $0xFFFFF000;
	s4 =	simm.s32 @!p0 $0x0  }
0x10a: {  	[tilespmem:s6], [sflag:$0x16] =	stream.linear.gather @!p0 [hbm4b:s28+s4], $0x80, $0x38;
	[tilespmem:$0x16900] =	vst v63  }
0x10b: {  	s28 =	simm.s32 @!p0 $0x16  }
0x10c: {  	_ =	swait.ge @!p0 [sflag:s28], $0x80  }
0x10d: {  	s7 =	sld [smem:$0x7FB]  }
0x10e: {  	[sflag:s28] =	ssyncset.done @!p0 $0x0  }
0x10f: {  	s31 =	simm.s32 @!p0 $0x900;
	[sflag:s28] =	ssyncadd.s32 @!p0 $0xFFFFFF80  }
0x110: {  	[tilespmem:s31], [sflag:$0x16] =	stream.linear.gather @!p0 [hbm4b:s7+s4], $0x4000, $0x38;
	[tilespmem:$0x16900] =	vst v63  }
0x111: {  	_ =	swait.ge @!p0 [sflag:s28], $0x4000  }
0x112: {  	[sflag:s28] =	ssyncset.done @!p0 $0x0  }
0x113: {  	s4 =	simm.s32 @!p0 $0x80;
	[sflag:s28] =	ssyncadd.s32 @!p0 $0xFFFFC000  }
0x114: {  	[spmem:s2] =	stream.indirect.scatter.add.f32 @!p0 [tilespmem:s31], [sflag:$0x16], $0x80, s6, s4, $0xb8;
	[tilespmem:$0x16900] =	vst v63  }
0x115: {  	_ =	swait.ge @!p0 [sflag:s28], $0x4000  }
0x116: {  	[sflag:s28] =	ssyncset.done @!p0 $0x0  }
0x117: {  	s6 =	stileid.u32;
	[sflag:s28] =	ssyncadd.s32 @!p0 $0xFFFFC000  }
0x118: {  	s4 =	sshll.u32 s6, $0x6;
	[bflag:$0x0] =	sbarrier.arrive $0xFFFF  }
0x119: {  	s6 =	sshrl.u32 s18, $0x3;
	s4 =	sor.u32 $0x1C16, s4;
	s28 =	rddreg [dreg:$0xc]  }
0x11a: {  	[hbm:s28], [sflag:s4] =	dma.local [spmem:s6], $0x400  }
0x11b: {  	_ =	swait.ge [sflag:s21], $0x400  }
0x11c: {  	s4 =	sld [smem:$0x7FD];
	_ =	sdelay $0x1  }
0x11d: {  	s20 =	sadd.s32 $0x1, s20  }
0x11e: {  	p2 =	sne.s32 s20, s4  }
.Ltmp1:
0x11f: {  	_ = 	snop;
	(pc) =	sbr.rel @p2 .LBB2_1-.Ltmp1, $3  }
0x120: {  	_ =	sdelay $0x1  }
0x121: {  	s7 =	simm.s32 $0x180;
	s31 =	simm.s32 $0x280;
	[sflag:s21] =	ssyncset.done $0x0  }
0x122: {  	s28 =	simm.s32 $0x200;
	s6 =	simm.s32 $0x100;
	[sflag:s21] =	ssyncadd.s32 $0xFFFFFC00  }
0x123: {  	_ =	sfence.sel $0x180000  }
0x124: {  	[bflag:$0x0] =	sbarrier.arrive $0xFFFF  }
0x125: {  	_ =	strace $0x90000047  }
0x126: {  	s0 =	stileid.u32;
	[bflag:$0x2] =	sbarrier.arrive $0xFFFF  }
0x127: {  	p0 =	sne.s32 s0, $0x0;
	s0 =	rddreg [dreg:$0x4]  }
0x128: {  	s0 =	sadd.s32 @!p0 $0x100000, s0  }
0x129: {  	[sflag:s0] =	ssyncadd.tile.s32 @!p0 $0x1;
	_ =	shalt  }
.Lfunc_end2:
_tile_overlayer_lowered:
.L_overlay_start_2:
0x12a: {  	(tag) =	ssettag $0x2  }
0x12b: {  	s0 =	rddreg [dreg:$0x0];
	s2 =	stileid.u32  }
0x12c: {  	s1 =	rddreg [dreg:$0x1];
	p0 =	sne.s32 s2, $0x0  }
0x12d: {  	s3 =	rddreg [dreg:$0x2];
	[bflag:$0x3] =	sbarrier.arrive $0xFFFF;
	s2 =	simm.s32 @!p0 $0x1C16  }
0x12e: {  	[timem:s3], [sflag:s2] =	dma.local @!p0 [hbm:s0], s1  }
0x12f: {  	s0 =	simm.s32 @!p0 $0x16  }
0x130: {  	_ =	swait.ge @!p0 [sflag:s0], s1  }
0x131: {  	s1 =	ssub.s32 @!p0 $0x0, s1;
	[sflag:s0] =	ssyncset.done @!p0 $0x0  }
0x132: {  	[sflag:s0] =	ssyncadd.s32 @!p0 s1  }
0x133: {  	[bflag:$0x3] =	sbarrier.arrive $0xFFFF  }
0x134: {  	_ =	shalt  }

</sc_bundles>
